<compile_context>
chip_gen: v7x
topology: tpu7x:2x2x1
jax: 0.10.2.dev20260603
libtpu: 0.0.44.dev20260713+nightly
codegen_flags: <defaults>
</compile_context>

<pallas_src>
import functools

import jax
import jax.numpy as jnp
from jax import lax
from jax.experimental import pallas as pl
from jax.experimental.pallas import tpu as pltpu
from jax.experimental.pallas import tpu_sc as plsc

_N_VOCAB = 49408
_N_EMBD = 768
_N_TOKEN = 77
_BATCH = 1024

_NC = 2
_NS = 16
_NW = _NC * _NS
_BPW = _BATCH // _NW
_KB = 8
_SPB = _BPW // _KB
_NCH = _N_TOKEN * _SPB
_NBUF = 7
_LANES = 16
_COLV = _N_EMBD // _LANES


def _embed_body(tok_hbm, table_hbm, pos_hbm, out_hbm,
                idx_v, pos_v, buf0, buf1, buf2, buf3, buf4, buf5, buf6,
                gsem0, gsem1, gsem2, gsem3, gsem4, gsem5, gsem6,
                ssem0, ssem1, ssem2, ssem3, ssem4, ssem5, ssem6):
    c = lax.axis_index("c")
    s = lax.axis_index("s")
    wid = s * _NC + c
    b_base = wid * _BPW
    col = (wid % 4) * _BPW

    pltpu.sync_copy(tok_hbm.at[:, pl.ds((wid // 4) * 128, 128)], idx_v)

    bufs = (buf0, buf1, buf2, buf3, buf4, buf5, buf6)
    gsems = (gsem0, gsem1, gsem2, gsem3, gsem4, gsem5, gsem6)
    ssems = (ssem0, ssem1, ssem2, ssem3, ssem4, ssem5, ssem6)

    def _split(i):
        t = i // _SPB
        bb = pl.multiple_of((i % _SPB) * _KB, _KB)
        return t, bb

    def _start_gather(i, b):
        t, bb = _split(i)
        pltpu.async_copy(table_hbm.at[idx_v.at[t, pl.ds(col + bb, _KB)]],
                         bufs[b], gsems[b])

    def _wait_gather(b):
        pltpu.make_async_copy(table_hbm.at[idx_v.at[0, pl.ds(0, _KB)]],
                              bufs[b], gsems[b]).wait()

    def _start_scatter(i, b):
        t, bb = _split(i)
        pltpu.async_copy(bufs[b], out_hbm.at[t, pl.ds(b_base + bb, _KB)],
                         ssems[b])

    def _wait_scatter(b):
        pltpu.make_async_copy(bufs[b], out_hbm.at[0, pl.ds(0, _KB)],
                              ssems[b]).wait()

    for b in range(_NBUF):
        _start_gather(b, b)

    pltpu.sync_copy(pos_hbm, pos_v)

    def _zc_row(r, acc):
        def _zc_col(cc, a):
            return jnp.maximum(a, jnp.abs(pos_v[r, pl.ds(cc * _LANES, _LANES)]))
        return lax.fori_loop(0, _COLV, _zc_col, acc)
    acc = lax.fori_loop(0, _N_TOKEN, _zc_row, jnp.zeros((_LANES,), jnp.float32))
    m = acc[0]
    for j in range(1, _LANES):
        m = jnp.maximum(m, acc[j])
    pos_nonzero = m != 0.0

    def _group(p, carry):
        for b in range(_NBUF):
            i = p * _NBUF + b
            _wait_gather(b)

            @pl.when(pos_nonzero)
            def _add():
                t, _ = _split(i)
                def _addcol(cc, __):
                    sl = pl.ds(cc * _LANES, _LANES)
                    pv = pos_v[t, sl]
                    def _addrow(j, ___):
                        bufs[b][j, sl] = bufs[b][j, sl] + pv
                        return 0
                    return lax.fori_loop(0, _KB, _addrow, 0)
                lax.fori_loop(0, _COLV, _addcol, 0)

            _start_scatter(i, b)

            @pl.when(i + _NBUF < _NCH)
            def _next():
                _wait_scatter(b)
                _start_gather(i + _NBUF, b)
        return carry

    lax.fori_loop(0, _NCH // _NBUF, _group, 0)

    for b in range(_NBUF):
        _wait_scatter(b)


_embed = functools.partial(
    pl.kernel,
    out_type=jax.ShapeDtypeStruct((_N_TOKEN, _BATCH, _N_EMBD), jnp.float32),
    mesh=plsc.VectorSubcoreMesh(core_axis_name="c", subcore_axis_name="s"),
    scratch_types=[
        pltpu.VMEM((_N_TOKEN, 128), jnp.int32),
        pltpu.VMEM((80, _N_EMBD), jnp.float32),
        pltpu.VMEM((_KB, _N_EMBD), jnp.float32),
        pltpu.VMEM((_KB, _N_EMBD), jnp.float32),
        pltpu.VMEM((_KB, _N_EMBD), jnp.float32),
        pltpu.VMEM((_KB, _N_EMBD), jnp.float32),
        pltpu.VMEM((_KB, _N_EMBD), jnp.float32),
        pltpu.VMEM((_KB, _N_EMBD), jnp.float32),
        pltpu.VMEM((_KB, _N_EMBD), jnp.float32),
    ] + [pltpu.SemaphoreType.DMA] * 14,
)(_embed_body)


def kernel(tokens, token_embedding, position_embedding):
    tok_t = tokens.astype(jnp.int32).T
    pos = jnp.pad(position_embedding, ((0, 80 - _N_TOKEN), (0, 0)))
    out_t = _embed(tok_t, token_embedding, pos)
    return out_t.transpose(1, 0, 2)

# --- scband reference (transcript-rebuilt; emitter-appended) ---
"""Pipeline reference for scband-clip-token-embedder-68289980006442 (READ-ONLY COPY).

The authoritative reference and input builder live on the scoring server;
editing this copy changes nothing except your own understanding.
"""

import jax, jax.numpy as jnp
import numpy as np

N_VOCAB = 49408
N_EMBD = 768
N_TOKEN = 77
BATCH = 1024


def setup_inputs(seed: int = 0) -> dict:
    key = jax.random.key(seed)
    k_tok, k_tab = jax.random.split(key)
    tokens = jax.random.randint(k_tok, (BATCH, N_TOKEN), 0, N_VOCAB, dtype=jnp.int64 if jax.config.jax_enable_x64 else jnp.int32)
    token_embedding = jax.random.normal(k_tab, (N_VOCAB, N_EMBD), dtype=jnp.float32) * 0.02
    position_embedding = jnp.zeros((N_TOKEN, N_EMBD), dtype=jnp.float32)
    return {"tokens": tokens, "token_embedding": token_embedding, "position_embedding": position_embedding}


def reference(tokens, token_embedding, position_embedding):
    # nn.Embedding lookup -> gather rows of the table
    embedded_tokens = jnp.take(token_embedding, tokens, axis=0)  # [B, T, D]
    # broadcast-add learned position embedding [T, D]
    positionally_encoded = embedded_tokens + position_embedding[None, :, :]
    return positionally_encoded

if __name__ == "__main__":
    import jax
    _d = setup_inputs()
    print(jax.jit(kernel)(*tuple(_d.values())))

</pallas_src>

<mosaic_0001>
#map = affine_map<(d0, d1) -> (0, 0)>
#map1 = affine_map<(d0, d1) -> (0, 0, 0)>
module attributes {stable_mosaic.version = 14 : i64} {
  func.func @_embed_body(%arg0: i32, %arg1: i32, %arg2: memref<77x1024xi32, #tpu.memory_space<hbm>>, %arg3: memref<49408x768xf32, #tpu.memory_space<hbm>>, %arg4: memref<80x768xf32, #tpu.memory_space<hbm>>, %arg5: memref<77x1024x768xf32, #tpu.memory_space<hbm>>, %arg6: memref<77x128xi32, #tpu.memory_space<vmem>>, %arg7: memref<80x768xf32, #tpu.memory_space<vmem>>, %arg8: memref<8x768xf32, #tpu.memory_space<vmem>>, %arg9: memref<8x768xf32, #tpu.memory_space<vmem>>, %arg10: memref<8x768xf32, #tpu.memory_space<vmem>>, %arg11: memref<8x768xf32, #tpu.memory_space<vmem>>, %arg12: memref<8x768xf32, #tpu.memory_space<vmem>>, %arg13: memref<8x768xf32, #tpu.memory_space<vmem>>, %arg14: memref<8x768xf32, #tpu.memory_space<vmem>>, %arg15: memref<!tpu.dma_semaphore, #tpu.memory_space<semaphore_mem>>, %arg16: memref<!tpu.dma_semaphore, #tpu.memory_space<semaphore_mem>>, %arg17: memref<!tpu.dma_semaphore, #tpu.memory_space<semaphore_mem>>, %arg18: memref<!tpu.dma_semaphore, #tpu.memory_space<semaphore_mem>>, %arg19: memref<!tpu.dma_semaphore, #tpu.memory_space<semaphore_mem>>, %arg20: memref<!tpu.dma_semaphore, #tpu.memory_space<semaphore_mem>>, %arg21: memref<!tpu.dma_semaphore, #tpu.memory_space<semaphore_mem>>, %arg22: memref<!tpu.dma_semaphore, #tpu.memory_space<semaphore_mem>>, %arg23: memref<!tpu.dma_semaphore, #tpu.memory_space<semaphore_mem>>, %arg24: memref<!tpu.dma_semaphore, #tpu.memory_space<semaphore_mem>>, %arg25: memref<!tpu.dma_semaphore, #tpu.memory_space<semaphore_mem>>, %arg26: memref<!tpu.dma_semaphore, #tpu.memory_space<semaphore_mem>>, %arg27: memref<!tpu.dma_semaphore, #tpu.memory_space<semaphore_mem>>, %arg28: memref<!tpu.dma_semaphore, #tpu.memory_space<semaphore_mem>>) attributes {dimension_semantics = [#tpu.dimension_semantics<core_parallel>, #tpu.dimension_semantics<subcore_parallel>], iteration_bounds = array<i64: 2, 16>, scalar_prefetch = 0 : i64, scratch_operands = 23 : i64, tpu.core_type = #tpu.core_type<sc_vector_subcore>, window_params = [{transform_indices = #map}, {transform_indices = #map}, {transform_indices = #map}, {transform_indices = #map1}]} {
    %mul3A = arith.constant 2 : i32
    %mul3A_0 = arith.muli %arg1, %mul3A : i32
    %add3A = arith.addi %mul3A_0, %arg0 : i32
    %mul3A_1 = arith.constant 32 : i32
    %mul3A_2 = arith.muli %add3A, %mul3A_1 : i32
    %jit3A = arith.constant 4 : i32
    %eq3A = arith.constant 0 : i32
    %eq3A_3 = arith.cmpi eq, %jit3A, %eq3A : i32
    %jit3A_4 = arith.constant 1 : i32
    %select_n3A = arith.select %eq3A_3, %jit3A_4, %jit3A : i32
    %rem3A = arith.remsi %add3A, %select_n3A : i32
    %ne3A = arith.constant 0 : i32
    %ne3A_5 = arith.cmpi ne, %rem3A, %ne3A : i32
    %lt3A = arith.constant 0 : i32
    %lt3A_6 = arith.cmpi slt, %rem3A, %lt3A : i32
    %lt3A_7 = arith.constant 0 : i32
    %lt3A_8 = arith.cmpi slt, %select_n3A, %lt3A_7 : i32
    %ne3A_9 = arith.xori %lt3A_6, %lt3A_8 : i1
    %and3A = arith.andi %ne3A_9, %ne3A_5 : i1
    %add3A_10 = arith.addi %rem3A, %select_n3A : i32
    %select_n3A_11 = arith.select %and3A, %add3A_10, %rem3A : i32
    %mul3A_12 = arith.constant 32 : i32
    %mul3A_13 = arith.muli %select_n3A_11, %mul3A_12 : i32
    %jit3A_14 = arith.constant 4 : i32
    %div3A = arith.divsi %add3A, %jit3A_14 : i32
    %sign3A = arith.constant 0 : i32
    %sign3A_15 = arith.cmpi sgt, %add3A, %sign3A : i32
    %sign3A_16 = arith.extui %sign3A_15 : i1 to i32
    %sign3A_17 = arith.constant 0 : i32
    %sign3A_18 = arith.cmpi slt, %add3A, %sign3A_17 : i32
    %sign3A_19 = arith.extui %sign3A_18 : i1 to i32
    %sign3A_20 = arith.subi %sign3A_16, %sign3A_19 : i32
    %sign3A_21 = arith.constant 0 : i32
    %sign3A_22 = arith.cmpi sgt, %jit3A_14, %sign3A_21 : i32
    %sign3A_23 = arith.extui %sign3A_22 : i1 to i32
    %sign3A_24 = arith.constant 0 : i32
    %sign3A_25 = arith.cmpi slt, %jit3A_14, %sign3A_24 : i32
    %sign3A_26 = arith.extui %sign3A_25 : i1 to i32
    %sign3A_27 = arith.subi %sign3A_23, %sign3A_26 : i32
    %ne3A_28 = arith.cmpi ne, %sign3A_20, %sign3A_27 : i32
    %rem3A_29 = arith.remsi %add3A, %jit3A_14 : i32
    %ne3A_30 = arith.constant 0 : i32
    %ne3A_31 = arith.cmpi ne, %rem3A_29, %ne3A_30 : i32
    %and3A_32 = arith.andi %ne3A_28, %ne3A_31 : i1
    %sub3A = arith.constant 1 : i32
    %sub3A_33 = arith.subi %div3A, %sub3A : i32
    %select_n3A_34 = arith.select %and3A_32, %sub3A_33, %div3A : i32
    %mul3A_35 = arith.constant 128 : i32
    %mul3A_36 = arith.muli %select_n3A_34, %mul3A_35 : i32
    "tpu.region"() ({
      %run_scoped3A = tpu.sem_alloc : memref<!tpu.dma_semaphore, #tpu.memory_space<semaphore_mem>>
      %dma_start3A_218 = arith.constant 0 : i32
      %dma_start3A_219 = tpu.memref_slice %arg2[%dma_start3A_218, %mul3A_36] : memref<77x1024xi32, #tpu.memory_space<hbm>> -> memref<77x128xi32, #tpu.memory_space<hbm>>
      %dma_start3A_220 = arith.constant 0 : i32
      %dma_start3A_221 = tpu.memref_slice %arg2[%dma_start3A_220, %mul3A_36] : memref<77x1024xi32, #tpu.memory_space<hbm>> -> memref<77x128xi32, #tpu.memory_space<hbm>>
      tpu.enqueue_dma source(%dma_start3A_221 : memref<77x128xi32, #tpu.memory_space<hbm>>) target(%arg6 : memref<77x128xi32, #tpu.memory_space<vmem>>) target_semaphore(%run_scoped3A : memref<!tpu.dma_semaphore, #tpu.memory_space<semaphore_mem>>)
      %dma_wait3A_222 = arith.constant 0 : i32
      %dma_wait3A_223 = tpu.memref_slice %arg2[%dma_wait3A_222, %mul3A_36] : memref<77x1024xi32, #tpu.memory_space<hbm>> -> memref<77x128xi32, #tpu.memory_space<hbm>>
      %dma_wait3A_224 = arith.constant 0 : i32
      %dma_wait3A_225 = tpu.memref_slice %arg2[%dma_wait3A_224, %mul3A_36] : memref<77x1024xi32, #tpu.memory_space<hbm>> -> memref<77x128xi32, #tpu.memory_space<hbm>>
      tpu.wait_dma2 semaphore(%run_scoped3A : memref<!tpu.dma_semaphore, #tpu.memory_space<semaphore_mem>>) src(%dma_wait3A_225 : memref<77x128xi32, #tpu.memory_space<hbm>>) dst(%arg6 : memref<77x128xi32, #tpu.memory_space<vmem>>)
      tpu.yield
    }) : () -> ()
    %multiple_of3A = arith.constant 0 : i32
    %multiple_of3A_37 = tpu.assume_multiple %multiple_of3A, 8 : i32
    %add3A_38 = arith.addi %mul3A_13, %multiple_of3A_37 : i32
    %dma_start3A = arith.constant 0 : i32
    %dma_start3A_39 = tpu.memref_slice %arg6[%dma_start3A, %add3A_38] : memref<77x128xi32, #tpu.memory_space<vmem>> -> memref<1x8xi32, #tpu.memory_space<vmem>>
    %dma_start3A_40 = tpu.memref_squeeze %dma_start3A_39 : memref<1x8xi32, #tpu.memory_space<vmem>> -> memref<8xi32, #tpu.memory_space<vmem>>
    %dma_start3A_41 = arith.constant 0 : i32
    %dma_start3A_42 = arith.constant 0 : i32
    %dma_start3A_43 = tpu.memref_slice %arg3[%dma_start3A_41, %dma_start3A_42] : memref<49408x768xf32, #tpu.memory_space<hbm>> -> memref<49408x768xf32, #tpu.memory_space<hbm>>
    tpu.enqueue_indirect_dma source(%dma_start3A_43 : memref<49408x768xf32, #tpu.memory_space<hbm>>) target(%arg8 : memref<8x768xf32, #tpu.memory_space<vmem>>) offsets(%dma_start3A_40 : memref<8xi32, #tpu.memory_space<vmem>>) semaphore(%arg15 : memref<!tpu.dma_semaphore, #tpu.memory_space<semaphore_mem>>)
    %multiple_of3A_44 = arith.constant 8 : i32
    %multiple_of3A_45 = tpu.assume_multiple %multiple_of3A_44, 8 : i32
    %add3A_46 = arith.addi %mul3A_13, %multiple_of3A_45 : i32
    %dma_start3A_47 = arith.constant 0 : i32
    %dma_start3A_48 = tpu.memref_slice %arg6[%dma_start3A_47, %add3A_46] : memref<77x128xi32, #tpu.memory_space<vmem>> -> memref<1x8xi32, #tpu.memory_space<vmem>>
    %dma_start3A_49 = tpu.memref_squeeze %dma_start3A_48 : memref<1x8xi32, #tpu.memory_space<vmem>> -> memref<8xi32, #tpu.memory_space<vmem>>
    %dma_start3A_50 = arith.constant 0 : i32
    %dma_start3A_51 = arith.constant 0 : i32
    %dma_start3A_52 = tpu.memref_slice %arg3[%dma_start3A_50, %dma_start3A_51] : memref<49408x768xf32, #tpu.memory_space<hbm>> -> memref<49408x768xf32, #tpu.memory_space<hbm>>
    tpu.enqueue_indirect_dma source(%dma_start3A_52 : memref<49408x768xf32, #tpu.memory_space<hbm>>) target(%arg9 : memref<8x768xf32, #tpu.memory_space<vmem>>) offsets(%dma_start3A_49 : memref<8xi32, #tpu.memory_space<vmem>>) semaphore(%arg16 : memref<!tpu.dma_semaphore, #tpu.memory_space<semaphore_mem>>)
    %multiple_of3A_53 = arith.constant 16 : i32
    %multiple_of3A_54 = tpu.assume_multiple %multiple_of3A_53, 8 : i32
    %add3A_55 = arith.addi %mul3A_13, %multiple_of3A_54 : i32
    %dma_start3A_56 = arith.constant 0 : i32
    %dma_start3A_57 = tpu.memref_slice %arg6[%dma_start3A_56, %add3A_55] : memref<77x128xi32, #tpu.memory_space<vmem>> -> memref<1x8xi32, #tpu.memory_space<vmem>>
    %dma_start3A_58 = tpu.memref_squeeze %dma_start3A_57 : memref<1x8xi32, #tpu.memory_space<vmem>> -> memref<8xi32, #tpu.memory_space<vmem>>
    %dma_start3A_59 = arith.constant 0 : i32
    %dma_start3A_60 = arith.constant 0 : i32
    %dma_start3A_61 = tpu.memref_slice %arg3[%dma_start3A_59, %dma_start3A_60] : memref<49408x768xf32, #tpu.memory_space<hbm>> -> memref<49408x768xf32, #tpu.memory_space<hbm>>
    tpu.enqueue_indirect_dma source(%dma_start3A_61 : memref<49408x768xf32, #tpu.memory_space<hbm>>) target(%arg10 : memref<8x768xf32, #tpu.memory_space<vmem>>) offsets(%dma_start3A_58 : memref<8xi32, #tpu.memory_space<vmem>>) semaphore(%arg17 : memref<!tpu.dma_semaphore, #tpu.memory_space<semaphore_mem>>)
    %multiple_of3A_62 = arith.constant 24 : i32
    %multiple_of3A_63 = tpu.assume_multiple %multiple_of3A_62, 8 : i32
    %add3A_64 = arith.addi %mul3A_13, %multiple_of3A_63 : i32
    %dma_start3A_65 = arith.constant 0 : i32
    %dma_start3A_66 = tpu.memref_slice %arg6[%dma_start3A_65, %add3A_64] : memref<77x128xi32, #tpu.memory_space<vmem>> -> memref<1x8xi32, #tpu.memory_space<vmem>>
    %dma_start3A_67 = tpu.memref_squeeze %dma_start3A_66 : memref<1x8xi32, #tpu.memory_space<vmem>> -> memref<8xi32, #tpu.memory_space<vmem>>
    %dma_start3A_68 = arith.constant 0 : i32
    %dma_start3A_69 = arith.constant 0 : i32
    %dma_start3A_70 = tpu.memref_slice %arg3[%dma_start3A_68, %dma_start3A_69] : memref<49408x768xf32, #tpu.memory_space<hbm>> -> memref<49408x768xf32, #tpu.memory_space<hbm>>
    tpu.enqueue_indirect_dma source(%dma_start3A_70 : memref<49408x768xf32, #tpu.memory_space<hbm>>) target(%arg11 : memref<8x768xf32, #tpu.memory_space<vmem>>) offsets(%dma_start3A_67 : memref<8xi32, #tpu.memory_space<vmem>>) semaphore(%arg18 : memref<!tpu.dma_semaphore, #tpu.memory_space<semaphore_mem>>)
    %multiple_of3A_71 = arith.constant 0 : i32
    %multiple_of3A_72 = tpu.assume_multiple %multiple_of3A_71, 8 : i32
    %add3A_73 = arith.addi %mul3A_13, %multiple_of3A_72 : i32
    %dma_start3A_74 = arith.constant 1 : i32
    %dma_start3A_75 = tpu.memref_slice %arg6[%dma_start3A_74, %add3A_73] : memref<77x128xi32, #tpu.memory_space<vmem>> -> memref<1x8xi32, #tpu.memory_space<vmem>>
    %dma_start3A_76 = tpu.memref_squeeze %dma_start3A_75 : memref<1x8xi32, #tpu.memory_space<vmem>> -> memref<8xi32, #tpu.memory_space<vmem>>
    %dma_start3A_77 = arith.constant 0 : i32
    %dma_start3A_78 = arith.constant 0 : i32
    %dma_start3A_79 = tpu.memref_slice %arg3[%dma_start3A_77, %dma_start3A_78] : memref<49408x768xf32, #tpu.memory_space<hbm>> -> memref<49408x768xf32, #tpu.memory_space<hbm>>
    tpu.enqueue_indirect_dma source(%dma_start3A_79 : memref<49408x768xf32, #tpu.memory_space<hbm>>) target(%arg12 : memref<8x768xf32, #tpu.memory_space<vmem>>) offsets(%dma_start3A_76 : memref<8xi32, #tpu.memory_space<vmem>>) semaphore(%arg19 : memref<!tpu.dma_semaphore, #tpu.memory_space<semaphore_mem>>)
    %multiple_of3A_80 = arith.constant 8 : i32
    %multiple_of3A_81 = tpu.assume_multiple %multiple_of3A_80, 8 : i32
    %add3A_82 = arith.addi %mul3A_13, %multiple_of3A_81 : i32
    %dma_start3A_83 = arith.constant 1 : i32
    %dma_start3A_84 = tpu.memref_slice %arg6[%dma_start3A_83, %add3A_82] : memref<77x128xi32, #tpu.memory_space<vmem>> -> memref<1x8xi32, #tpu.memory_space<vmem>>
    %dma_start3A_85 = tpu.memref_squeeze %dma_start3A_84 : memref<1x8xi32, #tpu.memory_space<vmem>> -> memref<8xi32, #tpu.memory_space<vmem>>
    %dma_start3A_86 = arith.constant 0 : i32
    %dma_start3A_87 = arith.constant 0 : i32
    %dma_start3A_88 = tpu.memref_slice %arg3[%dma_start3A_86, %dma_start3A_87] : memref<49408x768xf32, #tpu.memory_space<hbm>> -> memref<49408x768xf32, #tpu.memory_space<hbm>>
    tpu.enqueue_indirect_dma source(%dma_start3A_88 : memref<49408x768xf32, #tpu.memory_space<hbm>>) target(%arg13 : memref<8x768xf32, #tpu.memory_space<vmem>>) offsets(%dma_start3A_85 : memref<8xi32, #tpu.memory_space<vmem>>) semaphore(%arg20 : memref<!tpu.dma_semaphore, #tpu.memory_space<semaphore_mem>>)
    %multiple_of3A_89 = arith.constant 16 : i32
    %multiple_of3A_90 = tpu.assume_multiple %multiple_of3A_89, 8 : i32
    %add3A_91 = arith.addi %mul3A_13, %multiple_of3A_90 : i32
    %dma_start3A_92 = arith.constant 1 : i32
    %dma_start3A_93 = tpu.memref_slice %arg6[%dma_start3A_92, %add3A_91] : memref<77x128xi32, #tpu.memory_space<vmem>> -> memref<1x8xi32, #tpu.memory_space<vmem>>
    %dma_start3A_94 = tpu.memref_squeeze %dma_start3A_93 : memref<1x8xi32, #tpu.memory_space<vmem>> -> memref<8xi32, #tpu.memory_space<vmem>>
    %dma_start3A_95 = arith.constant 0 : i32
    %dma_start3A_96 = arith.constant 0 : i32
    %dma_start3A_97 = tpu.memref_slice %arg3[%dma_start3A_95, %dma_start3A_96] : memref<49408x768xf32, #tpu.memory_space<hbm>> -> memref<49408x768xf32, #tpu.memory_space<hbm>>
    tpu.enqueue_indirect_dma source(%dma_start3A_97 : memref<49408x768xf32, #tpu.memory_space<hbm>>) target(%arg14 : memref<8x768xf32, #tpu.memory_space<vmem>>) offsets(%dma_start3A_94 : memref<8xi32, #tpu.memory_space<vmem>>) semaphore(%arg21 : memref<!tpu.dma_semaphore, #tpu.memory_space<semaphore_mem>>)
    "tpu.region"() ({
      %run_scoped3A = tpu.sem_alloc : memref<!tpu.dma_semaphore, #tpu.memory_space<semaphore_mem>>
      tpu.enqueue_dma source(%arg4 : memref<80x768xf32, #tpu.memory_space<hbm>>) target(%arg7 : memref<80x768xf32, #tpu.memory_space<vmem>>) target_semaphore(%run_scoped3A : memref<!tpu.dma_semaphore, #tpu.memory_space<semaphore_mem>>)
      tpu.wait_dma2 semaphore(%run_scoped3A : memref<!tpu.dma_semaphore, #tpu.memory_space<semaphore_mem>>) src(%arg4 : memref<80x768xf32, #tpu.memory_space<hbm>>) dst(%arg7 : memref<80x768xf32, #tpu.memory_space<vmem>>)
      tpu.yield
    }) : () -> ()
    %broadcast_in_dim3A = arith.constant 0.000000e+00 : f32
    %broadcast_in_dim3A_98 = vector.broadcast %broadcast_in_dim3A : f32 to vector<16xf32>
    %scan3A = arith.constant 0 : i32
    %scan3A_99 = arith.constant 77 : i32
    %scan3A_100 = arith.addi %scan3A, %scan3A_99 : i32
    %scan3A_101 = arith.constant 1 : i32
    %scan3A_102 = scf.for %scan3A_218 = %scan3A to %scan3A_100 step %scan3A_101 iter_args(%scan3A_219 = %broadcast_in_dim3A_98) -> (vector<16xf32>)  : i32 {
      %scan3A_220 = arith.constant 0 : i32
      %scan3A_221 = arith.constant 48 : i32
      %scan3A_222 = arith.addi %scan3A_220, %scan3A_221 : i32
      %scan3A_223 = arith.constant 1 : i32
      %scan3A_224 = scf.for %scan3A_226 = %scan3A_220 to %scan3A_222 step %scan3A_223 iter_args(%scan3A_227 = %scan3A_219) -> (vector<16xf32>)  : i32 {
        %mul3A_228 = arith.constant 16 : i32
        %mul3A_229 = arith.muli %scan3A_226, %mul3A_228 : i32
        %get3A = arith.index_cast %scan3A_218 : i32 to index
        %get3A_230 = arith.index_cast %mul3A_229 : i32 to index
        %get3A_231 = tpu.vector_load %arg7[%get3A, %get3A_230] {strides = array<i32>} : memref<80x768xf32, #tpu.memory_space<vmem>>, vector<1x16xf32>,
        %get3A_232 = vector.shape_cast %get3A_231 : vector<1x16xf32> to vector<16xf32>
        %abs3A = math.absf %get3A_232 : vector<16xf32>
        %max3A_233 = arith.maximumf %scan3A_227, %abs3A : vector<16xf32>
        scf.yield %max3A_233 : vector<16xf32>
      }
      %scan3A_225 = arith.constant 48 : i32
      scf.yield %scan3A_224 : vector<16xf32>
    }
    %scan3A_103 = arith.constant 77 : i32
    %slice3A = vector.extract_strided_slice %scan3A_102 {offsets = [0], sizes = [1], strides = [1]} : vector<16xf32> to vector<1xf32>
    %squeeze3A = vector.extract %slice3A[0] : f32 from vector<1xf32>
    %slice3A_104 = vector.extract_strided_slice %scan3A_102 {offsets = [1], sizes = [1], strides = [1]} : vector<16xf32> to vector<1xf32>
    %squeeze3A_105 = vector.extract %slice3A_104[0] : f32 from vector<1xf32>
    %max3A = arith.maximumf %squeeze3A, %squeeze3A_105 : f32
    %slice3A_106 = vector.extract_strided_slice %scan3A_102 {offsets = [2], sizes = [1], strides = [1]} : vector<16xf32> to vector<1xf32>
    %squeeze3A_107 = vector.extract %slice3A_106[0] : f32 from vector<1xf32>
    %max3A_108 = arith.maximumf %max3A, %squeeze3A_107 : f32
    %slice3A_109 = vector.extract_strided_slice %scan3A_102 {offsets = [3], sizes = [1], strides = [1]} : vector<16xf32> to vector<1xf32>
    %squeeze3A_110 = vector.extract %slice3A_109[0] : f32 from vector<1xf32>
    %max3A_111 = arith.maximumf %max3A_108, %squeeze3A_110 : f32
    %slice3A_112 = vector.extract_strided_slice %scan3A_102 {offsets = [4], sizes = [1], strides = [1]} : vector<16xf32> to vector<1xf32>
    %squeeze3A_113 = vector.extract %slice3A_112[0] : f32 from vector<1xf32>
    %max3A_114 = arith.maximumf %max3A_111, %squeeze3A_113 : f32
    %slice3A_115 = vector.extract_strided_slice %scan3A_102 {offsets = [5], sizes = [1], strides = [1]} : vector<16xf32> to vector<1xf32>
    %squeeze3A_116 = vector.extract %slice3A_115[0] : f32 from vector<1xf32>
    %max3A_117 = arith.maximumf %max3A_114, %squeeze3A_116 : f32
    %slice3A_118 = vector.extract_strided_slice %scan3A_102 {offsets = [6], sizes = [1], strides = [1]} : vector<16xf32> to vector<1xf32>
    %squeeze3A_119 = vector.extract %slice3A_118[0] : f32 from vector<1xf32>
    %max3A_120 = arith.maximumf %max3A_117, %squeeze3A_119 : f32
    %slice3A_121 = vector.extract_strided_slice %scan3A_102 {offsets = [7], sizes = [1], strides = [1]} : vector<16xf32> to vector<1xf32>
    %squeeze3A_122 = vector.extract %slice3A_121[0] : f32 from vector<1xf32>
    %max3A_123 = arith.maximumf %max3A_120, %squeeze3A_122 : f32
    %slice3A_124 = vector.extract_strided_slice %scan3A_102 {offsets = [8], sizes = [1], strides = [1]} : vector<16xf32> to vector<1xf32>
    %squeeze3A_125 = vector.extract %slice3A_124[0] : f32 from vector<1xf32>
    %max3A_126 = arith.maximumf %max3A_123, %squeeze3A_125 : f32
    %slice3A_127 = vector.extract_strided_slice %scan3A_102 {offsets = [9], sizes = [1], strides = [1]} : vector<16xf32> to vector<1xf32>
    %squeeze3A_128 = vector.extract %slice3A_127[0] : f32 from vector<1xf32>
    %max3A_129 = arith.maximumf %max3A_126, %squeeze3A_128 : f32
    %slice3A_130 = vector.extract_strided_slice %scan3A_102 {offsets = [10], sizes = [1], strides = [1]} : vector<16xf32> to vector<1xf32>
    %squeeze3A_131 = vector.extract %slice3A_130[0] : f32 from vector<1xf32>
    %max3A_132 = arith.maximumf %max3A_129, %squeeze3A_131 : f32
    %slice3A_133 = vector.extract_strided_slice %scan3A_102 {offsets = [11], sizes = [1], strides = [1]} : vector<16xf32> to vector<1xf32>
    %squeeze3A_134 = vector.extract %slice3A_133[0] : f32 from vector<1xf32>
    %max3A_135 = arith.maximumf %max3A_132, %squeeze3A_134 : f32
    %slice3A_136 = vector.extract_strided_slice %scan3A_102 {offsets = [12], sizes = [1], strides = [1]} : vector<16xf32> to vector<1xf32>
    %squeeze3A_137 = vector.extract %slice3A_136[0] : f32 from vector<1xf32>
    %max3A_138 = arith.maximumf %max3A_135, %squeeze3A_137 : f32
    %slice3A_139 = vector.extract_strided_slice %scan3A_102 {offsets = [13], sizes = [1], strides = [1]} : vector<16xf32> to vector<1xf32>
    %squeeze3A_140 = vector.extract %slice3A_139[0] : f32 from vector<1xf32>
    %max3A_141 = arith.maximumf %max3A_138, %squeeze3A_140 : f32
    %slice3A_142 = vector.extract_strided_slice %scan3A_102 {offsets = [14], sizes = [1], strides = [1]} : vector<16xf32> to vector<1xf32>
    %squeeze3A_143 = vector.extract %slice3A_142[0] : f32 from vector<1xf32>
    %max3A_144 = arith.maximumf %max3A_141, %squeeze3A_143 : f32
    %slice3A_145 = vector.extract_strided_slice %scan3A_102 {offsets = [15], sizes = [1], strides = [1]} : vector<16xf32> to vector<1xf32>
    %squeeze3A_146 = vector.extract %slice3A_145[0] : f32 from vector<1xf32>
    %max3A_147 = arith.maximumf %max3A_144, %squeeze3A_146 : f32
    %ne3A_148 = arith.constant 0.000000e+00 : f32
    %ne3A_149 = arith.cmpf one, %max3A_147, %ne3A_148 : f32
    %scan3A_150 = arith.constant 0 : i32
    %scan3A_151 = arith.constant 0 : i32
    %scan3A_152 = arith.constant 44 : i32
    %scan3A_153 = arith.addi %scan3A_151, %scan3A_152 : i32
    %scan3A_154 = arith.constant 1 : i32
    scf.for %scan3A_218 = %scan3A_151 to %scan3A_153 step %scan3A_154  : i32 {
      %mul3A_219 = arith.constant 7 : i32
      %mul3A_220 = arith.muli %scan3A_218, %mul3A_219 : i32
      %add3A_221 = arith.constant 0 : i32
      %add3A_222 = arith.addi %mul3A_220, %add3A_221 : i32
      %dma_wait3A_223 = arith.constant 0 : i32
      %dma_wait3A_224 = arith.constant 0 : i32
      %dma_wait3A_225 = tpu.memref_slice %arg6[%dma_wait3A_223, %dma_wait3A_224] : memref<77x128xi32, #tpu.memory_space<vmem>> -> memref<1x8xi32, #tpu.memory_space<vmem>>
      %dma_wait3A_226 = tpu.memref_squeeze %dma_wait3A_225 : memref<1x8xi32, #tpu.memory_space<vmem>> -> memref<8xi32, #tpu.memory_space<vmem>>
      %dma_wait3A_227 = arith.constant 0 : i32
      %dma_wait3A_228 = arith.constant 0 : i32
      %dma_wait3A_229 = tpu.memref_slice %arg3[%dma_wait3A_227, %dma_wait3A_228] : memref<49408x768xf32, #tpu.memory_space<hbm>> -> memref<49408x768xf32, #tpu.memory_space<hbm>>
      tpu.wait_indirect_dma semaphore(%arg15 : memref<!tpu.dma_semaphore, #tpu.memory_space<semaphore_mem>>) src(%dma_wait3A_229 : memref<49408x768xf32, #tpu.memory_space<hbm>>) dst(%arg8 : memref<8x768xf32, #tpu.memory_space<vmem>>)
      %convert_element_type3A = arith.extui %ne3A_149 : i1 to i32
      %cond3A = arith.constant 0 : i32
      %cond3A_230 = arith.cmpi ne, %convert_element_type3A, %cond3A : i32
      scf.if %cond3A_230 {
        %jit3A_714 = arith.constant 4 : i32
        %div3A_715 = arith.divsi %add3A_222, %jit3A_714 : i32
        %sign3A_716 = arith.constant 0 : i32
        %sign3A_717 = arith.cmpi sgt, %add3A_222, %sign3A_716 : i32
        %sign3A_718 = arith.extui %sign3A_717 : i1 to i32
        %sign3A_719 = arith.constant 0 : i32
        %sign3A_720 = arith.cmpi slt, %add3A_222, %sign3A_719 : i32
        %sign3A_721 = arith.extui %sign3A_720 : i1 to i32
        %sign3A_722 = arith.subi %sign3A_718, %sign3A_721 : i32
        %sign3A_723 = arith.constant 0 : i32
        %sign3A_724 = arith.cmpi sgt, %jit3A_714, %sign3A_723 : i32
        %sign3A_725 = arith.extui %sign3A_724 : i1 to i32
        %sign3A_726 = arith.constant 0 : i32
        %sign3A_727 = arith.cmpi slt, %jit3A_714, %sign3A_726 : i32
        %sign3A_728 = arith.extui %sign3A_727 : i1 to i32
        %sign3A_729 = arith.subi %sign3A_725, %sign3A_728 : i32
        %ne3A_730 = arith.cmpi ne, %sign3A_722, %sign3A_729 : i32
        %rem3A_731 = arith.remsi %add3A_222, %jit3A_714 : i32
        %ne3A_732 = arith.constant 0 : i32
        %ne3A_733 = arith.cmpi ne, %rem3A_731, %ne3A_732 : i32
        %and3A_734 = arith.andi %ne3A_730, %ne3A_733 : i1
        %sub3A_735 = arith.constant 1 : i32
        %sub3A_736 = arith.subi %div3A_715, %sub3A_735 : i32
        %select_n3A_737 = arith.select %and3A_734, %sub3A_736, %div3A_715 : i32
        %jit3A_738 = arith.constant 4 : i32
        %eq3A_739 = arith.constant 0 : i32
        %eq3A_740 = arith.cmpi eq, %jit3A_738, %eq3A_739 : i32
        %jit3A_741 = arith.constant 1 : i32
        %select_n3A_742 = arith.select %eq3A_740, %jit3A_741, %jit3A_738 : i32
        %rem3A_743 = arith.remsi %add3A_222, %select_n3A_742 : i32
        %ne3A_744 = arith.constant 0 : i32
        %ne3A_745 = arith.cmpi ne, %rem3A_743, %ne3A_744 : i32
        %lt3A_746 = arith.constant 0 : i32
        %lt3A_747 = arith.cmpi slt, %rem3A_743, %lt3A_746 : i32
        %lt3A_748 = arith.constant 0 : i32
        %lt3A_749 = arith.cmpi slt, %select_n3A_742, %lt3A_748 : i32
        %ne3A_750 = arith.xori %lt3A_747, %lt3A_749 : i1
        %and3A_751 = arith.andi %ne3A_750, %ne3A_745 : i1
        %add3A_752 = arith.addi %rem3A_743, %select_n3A_742 : i32
        %select_n3A_753 = arith.select %and3A_751, %add3A_752, %rem3A_743 : i32
        %mul3A_754 = arith.constant 8 : i32
        %mul3A_755 = arith.muli %select_n3A_753, %mul3A_754 : i32
        %multiple_of3A_756 = tpu.assume_multiple %mul3A_755, 8 : i32
        %scan3A_757 = arith.constant 0 : i32
        %scan3A_758 = arith.constant 0 : i32
        %scan3A_759 = arith.constant 48 : i32
        %scan3A_760 = arith.addi %scan3A_758, %scan3A_759 : i32
        %scan3A_761 = arith.constant 1 : i32
        %scan3A_762 = scf.for %scan3A_764 = %scan3A_758 to %scan3A_760 step %scan3A_761 iter_args(%scan3A_765 = %scan3A_757) -> (i32)  : i32 {
          %mul3A_766 = arith.constant 16 : i32
          %mul3A_767 = arith.muli %scan3A_764, %mul3A_766 : i32
          %get3A = arith.index_cast %select_n3A_737 : i32 to index
          %get3A_768 = arith.index_cast %mul3A_767 : i32 to index
          %get3A_769 = tpu.vector_load %arg7[%get3A, %get3A_768] {strides = array<i32>} : memref<80x768xf32, #tpu.memory_space<vmem>>, vector<1x16xf32>,
          %get3A_770 = vector.shape_cast %get3A_769 : vector<1x16xf32> to vector<16xf32>
          %scan3A_771 = arith.constant 0 : i32
          %scan3A_772 = arith.constant 0 : i32
          %scan3A_773 = arith.constant 8 : i32
          %scan3A_774 = arith.addi %scan3A_772, %scan3A_773 : i32
          %scan3A_775 = arith.constant 1 : i32
          %scan3A_776 = scf.for %scan3A_778 = %scan3A_772 to %scan3A_774 step %scan3A_775 iter_args(%scan3A_779 = %scan3A_771) -> (i32)  : i32 {
            %get3A_780 = arith.index_cast %scan3A_778 : i32 to index
            %get3A_781 = arith.index_cast %mul3A_767 : i32 to index
            %get3A_782 = tpu.vector_load %arg8[%get3A_780, %get3A_781] {strides = array<i32>} : memref<8x768xf32, #tpu.memory_space<vmem>>, vector<1x16xf32>,
            %get3A_783 = vector.shape_cast %get3A_782 : vector<1x16xf32> to vector<16xf32>
            %add3A_784 = arith.addf %get3A_783, %get3A_770 : vector<16xf32>
            %swap3A = arith.index_cast %scan3A_778 : i32 to index
            %swap3A_785 = arith.index_cast %mul3A_767 : i32 to index
            %swap3A_786 = tpu.vector_load %arg8[%swap3A, %swap3A_785] {strides = array<i32>} : memref<8x768xf32, #tpu.memory_space<vmem>>, vector<1x16xf32>,
            %swap3A_787 = vector.shape_cast %swap3A_786 : vector<1x16xf32> to vector<16xf32>
            %swap3A_788 = vector.shape_cast %add3A_784 : vector<16xf32> to vector<1x16xf32>
            tpu.vector_store %arg8[%swap3A, %swap3A_785], %swap3A_788 {strides = array<i32>} : memref<8x768xf32, #tpu.memory_space<vmem>>, vector<1x16xf32>,
            %scan3A_789 = arith.constant 0 : i32
            scf.yield %scan3A_789 : i32
          }
          %scan3A_777 = arith.constant 8 : i32
          scf.yield %scan3A_776 : i32
        }
        %scan3A_763 = arith.constant 48 : i32
      } else {
      }
      %jit3A_231 = arith.constant 4 : i32
      %div3A_232 = arith.divsi %add3A_222, %jit3A_231 : i32
      %sign3A_233 = arith.constant 0 : i32
      %sign3A_234 = arith.cmpi sgt, %add3A_222, %sign3A_233 : i32
      %sign3A_235 = arith.extui %sign3A_234 : i1 to i32
      %sign3A_236 = arith.constant 0 : i32
      %sign3A_237 = arith.cmpi slt, %add3A_222, %sign3A_236 : i32
      %sign3A_238 = arith.extui %sign3A_237 : i1 to i32
      %sign3A_239 = arith.subi %sign3A_235, %sign3A_238 : i32
      %sign3A_240 = arith.constant 0 : i32
      %sign3A_241 = arith.cmpi sgt, %jit3A_231, %sign3A_240 : i32
      %sign3A_242 = arith.extui %sign3A_241 : i1 to i32
      %sign3A_243 = arith.constant 0 : i32
      %sign3A_244 = arith.cmpi slt, %jit3A_231, %sign3A_243 : i32
      %sign3A_245 = arith.extui %sign3A_244 : i1 to i32
      %sign3A_246 = arith.subi %sign3A_242, %sign3A_245 : i32
      %ne3A_247 = arith.cmpi ne, %sign3A_239, %sign3A_246 : i32
      %rem3A_248 = arith.remsi %add3A_222, %jit3A_231 : i32
      %ne3A_249 = arith.constant 0 : i32
      %ne3A_250 = arith.cmpi ne, %rem3A_248, %ne3A_249 : i32
      %and3A_251 = arith.andi %ne3A_247, %ne3A_250 : i1
      %sub3A_252 = arith.constant 1 : i32
      %sub3A_253 = arith.subi %div3A_232, %sub3A_252 : i32
      %select_n3A_254 = arith.select %and3A_251, %sub3A_253, %div3A_232 : i32
      %jit3A_255 = arith.constant 4 : i32
      %eq3A_256 = arith.constant 0 : i32
      %eq3A_257 = arith.cmpi eq, %jit3A_255, %eq3A_256 : i32
      %jit3A_258 = arith.constant 1 : i32
      %select_n3A_259 = arith.select %eq3A_257, %jit3A_258, %jit3A_255 : i32
      %rem3A_260 = arith.remsi %add3A_222, %select_n3A_259 : i32
      %ne3A_261 = arith.constant 0 : i32
      %ne3A_262 = arith.cmpi ne, %rem3A_260, %ne3A_261 : i32
      %lt3A_263 = arith.constant 0 : i32
      %lt3A_264 = arith.cmpi slt, %rem3A_260, %lt3A_263 : i32
      %lt3A_265 = arith.constant 0 : i32
      %lt3A_266 = arith.cmpi slt, %select_n3A_259, %lt3A_265 : i32
      %ne3A_267 = arith.xori %lt3A_264, %lt3A_266 : i1
      %and3A_268 = arith.andi %ne3A_267, %ne3A_262 : i1
      %add3A_269 = arith.addi %rem3A_260, %select_n3A_259 : i32
      %select_n3A_270 = arith.select %and3A_268, %add3A_269, %rem3A_260 : i32
      %mul3A_271 = arith.constant 8 : i32
      %mul3A_272 = arith.muli %select_n3A_270, %mul3A_271 : i32
      %multiple_of3A_273 = tpu.assume_multiple %mul3A_272, 8 : i32
      %add3A_274 = arith.addi %mul3A_2, %multiple_of3A_273 : i32
      %dma_start3A_275 = arith.constant 0 : i32
      %dma_start3A_276 = tpu.memref_slice %arg5[%select_n3A_254, %add3A_274, %dma_start3A_275] : memref<77x1024x768xf32, #tpu.memory_space<hbm>> -> memref<1x8x768xf32, #tpu.memory_space<hbm>>
      %dma_start3A_277 = tpu.memref_squeeze %dma_start3A_276 : memref<1x8x768xf32, #tpu.memory_space<hbm>> -> memref<8x768xf32, #tpu.memory_space<hbm>>
      %dma_start3A_278 = arith.constant 0 : i32
      %dma_start3A_279 = tpu.memref_slice %arg5[%select_n3A_254, %add3A_274, %dma_start3A_278] : memref<77x1024x768xf32, #tpu.memory_space<hbm>> -> memref<1x8x768xf32, #tpu.memory_space<hbm>>
      %dma_start3A_280 = tpu.memref_squeeze %dma_start3A_279 : memref<1x8x768xf32, #tpu.memory_space<hbm>> -> memref<8x768xf32, #tpu.memory_space<hbm>>
      tpu.enqueue_dma source(%arg8 : memref<8x768xf32, #tpu.memory_space<vmem>>) target(%dma_start3A_280 : memref<8x768xf32, #tpu.memory_space<hbm>>) target_semaphore(%arg22 : memref<!tpu.dma_semaphore, #tpu.memory_space<semaphore_mem>>)
      %add3A_281 = arith.constant 7 : i32
      %add3A_282 = arith.addi %add3A_222, %add3A_281 : i32
      %lt3A_283 = arith.constant 308 : i32
      %lt3A_284 = arith.cmpi slt, %add3A_282, %lt3A_283 : i32
      %convert_element_type3A_285 = arith.extui %lt3A_284 : i1 to i32
      %cond3A_286 = arith.constant 0 : i32
      %cond3A_287 = arith.cmpi ne, %convert_element_type3A_285, %cond3A_286 : i32
      scf.if %cond3A_287 {
        %dma_wait3A_714 = arith.constant 0 : i32
        %dma_wait3A_715 = arith.constant 0 : i32
        %dma_wait3A_716 = arith.constant 0 : i32
        %dma_wait3A_717 = tpu.memref_slice %arg5[%dma_wait3A_714, %dma_wait3A_715, %dma_wait3A_716] : memref<77x1024x768xf32, #tpu.memory_space<hbm>> -> memref<1x8x768xf32, #tpu.memory_space<hbm>>
        %dma_wait3A_718 = tpu.memref_squeeze %dma_wait3A_717 : memref<1x8x768xf32, #tpu.memory_space<hbm>> -> memref<8x768xf32, #tpu.memory_space<hbm>>
        %dma_wait3A_719 = arith.constant 0 : i32
        %dma_wait3A_720 = arith.constant 0 : i32
        %dma_wait3A_721 = tpu.memref_slice %arg5[%dma_wait3A_714, %dma_wait3A_719, %dma_wait3A_720] : memref<77x1024x768xf32, #tpu.memory_space<hbm>> -> memref<1x8x768xf32, #tpu.memory_space<hbm>>
        %dma_wait3A_722 = tpu.memref_squeeze %dma_wait3A_721 : memref<1x8x768xf32, #tpu.memory_space<hbm>> -> memref<8x768xf32, #tpu.memory_space<hbm>>
        tpu.wait_dma2 semaphore(%arg22 : memref<!tpu.dma_semaphore, #tpu.memory_space<semaphore_mem>>) src(%arg8 : memref<8x768xf32, #tpu.memory_space<vmem>>) dst(%dma_wait3A_722 : memref<8x768xf32, #tpu.memory_space<hbm>>)
        %add3A_723 = arith.constant 7 : i32
        %add3A_724 = arith.addi %add3A_222, %add3A_723 : i32
        %jit3A_725 = arith.constant 4 : i32
        %div3A_726 = arith.divsi %add3A_724, %jit3A_725 : i32
        %sign3A_727 = arith.constant 0 : i32
        %sign3A_728 = arith.cmpi sgt, %add3A_724, %sign3A_727 : i32
        %sign3A_729 = arith.extui %sign3A_728 : i1 to i32
        %sign3A_730 = arith.constant 0 : i32
        %sign3A_731 = arith.cmpi slt, %add3A_724, %sign3A_730 : i32
        %sign3A_732 = arith.extui %sign3A_731 : i1 to i32
        %sign3A_733 = arith.subi %sign3A_729, %sign3A_732 : i32
        %sign3A_734 = arith.constant 0 : i32
        %sign3A_735 = arith.cmpi sgt, %jit3A_725, %sign3A_734 : i32
        %sign3A_736 = arith.extui %sign3A_735 : i1 to i32
        %sign3A_737 = arith.constant 0 : i32
        %sign3A_738 = arith.cmpi slt, %jit3A_725, %sign3A_737 : i32
        %sign3A_739 = arith.extui %sign3A_738 : i1 to i32
        %sign3A_740 = arith.subi %sign3A_736, %sign3A_739 : i32
        %ne3A_741 = arith.cmpi ne, %sign3A_733, %sign3A_740 : i32
        %rem3A_742 = arith.remsi %add3A_724, %jit3A_725 : i32
        %ne3A_743 = arith.constant 0 : i32
        %ne3A_744 = arith.cmpi ne, %rem3A_742, %ne3A_743 : i32
        %and3A_745 = arith.andi %ne3A_741, %ne3A_744 : i1
        %sub3A_746 = arith.constant 1 : i32
        %sub3A_747 = arith.subi %div3A_726, %sub3A_746 : i32
        %select_n3A_748 = arith.select %and3A_745, %sub3A_747, %div3A_726 : i32
        %jit3A_749 = arith.constant 4 : i32
        %eq3A_750 = arith.constant 0 : i32
        %eq3A_751 = arith.cmpi eq, %jit3A_749, %eq3A_750 : i32
        %jit3A_752 = arith.constant 1 : i32
        %select_n3A_753 = arith.select %eq3A_751, %jit3A_752, %jit3A_749 : i32
        %rem3A_754 = arith.remsi %add3A_724, %select_n3A_753 : i32
        %ne3A_755 = arith.constant 0 : i32
        %ne3A_756 = arith.cmpi ne, %rem3A_754, %ne3A_755 : i32
        %lt3A_757 = arith.constant 0 : i32
        %lt3A_758 = arith.cmpi slt, %rem3A_754, %lt3A_757 : i32
        %lt3A_759 = arith.constant 0 : i32
        %lt3A_760 = arith.cmpi slt, %select_n3A_753, %lt3A_759 : i32
        %ne3A_761 = arith.xori %lt3A_758, %lt3A_760 : i1
        %and3A_762 = arith.andi %ne3A_761, %ne3A_756 : i1
        %add3A_763 = arith.addi %rem3A_754, %select_n3A_753 : i32
        %select_n3A_764 = arith.select %and3A_762, %add3A_763, %rem3A_754 : i32
        %mul3A_765 = arith.constant 8 : i32
        %mul3A_766 = arith.muli %select_n3A_764, %mul3A_765 : i32
        %multiple_of3A_767 = tpu.assume_multiple %mul3A_766, 8 : i32
        %add3A_768 = arith.addi %mul3A_13, %multiple_of3A_767 : i32
        %dma_start3A_769 = tpu.memref_slice %arg6[%select_n3A_748, %add3A_768] : memref<77x128xi32, #tpu.memory_space<vmem>> -> memref<1x8xi32, #tpu.memory_space<vmem>>
        %dma_start3A_770 = tpu.memref_squeeze %dma_start3A_769 : memref<1x8xi32, #tpu.memory_space<vmem>> -> memref<8xi32, #tpu.memory_space<vmem>>
        %dma_start3A_771 = arith.constant 0 : i32
        %dma_start3A_772 = arith.constant 0 : i32
        %dma_start3A_773 = tpu.memref_slice %arg3[%dma_start3A_771, %dma_start3A_772] : memref<49408x768xf32, #tpu.memory_space<hbm>> -> memref<49408x768xf32, #tpu.memory_space<hbm>>
        tpu.enqueue_indirect_dma source(%dma_start3A_773 : memref<49408x768xf32, #tpu.memory_space<hbm>>) target(%arg8 : memref<8x768xf32, #tpu.memory_space<vmem>>) offsets(%dma_start3A_770 : memref<8xi32, #tpu.memory_space<vmem>>) semaphore(%arg15 : memref<!tpu.dma_semaphore, #tpu.memory_space<semaphore_mem>>)
      } else {
      }
      %mul3A_288 = arith.constant 7 : i32
      %mul3A_289 = arith.muli %scan3A_218, %mul3A_288 : i32
      %add3A_290 = arith.constant 1 : i32
      %add3A_291 = arith.addi %mul3A_289, %add3A_290 : i32
      %dma_wait3A_292 = arith.constant 0 : i32
      %dma_wait3A_293 = arith.constant 0 : i32
      %dma_wait3A_294 = tpu.memref_slice %arg6[%dma_wait3A_292, %dma_wait3A_293] : memref<77x128xi32, #tpu.memory_space<vmem>> -> memref<1x8xi32, #tpu.memory_space<vmem>>
      %dma_wait3A_295 = tpu.memref_squeeze %dma_wait3A_294 : memref<1x8xi32, #tpu.memory_space<vmem>> -> memref<8xi32, #tpu.memory_space<vmem>>
      %dma_wait3A_296 = arith.constant 0 : i32
      %dma_wait3A_297 = arith.constant 0 : i32
      %dma_wait3A_298 = tpu.memref_slice %arg3[%dma_wait3A_296, %dma_wait3A_297] : memref<49408x768xf32, #tpu.memory_space<hbm>> -> memref<49408x768xf32, #tpu.memory_space<hbm>>
      tpu.wait_indirect_dma semaphore(%arg16 : memref<!tpu.dma_semaphore, #tpu.memory_space<semaphore_mem>>) src(%dma_wait3A_298 : memref<49408x768xf32, #tpu.memory_space<hbm>>) dst(%arg9 : memref<8x768xf32, #tpu.memory_space<vmem>>)
      %convert_element_type3A_299 = arith.extui %ne3A_149 : i1 to i32
      %cond3A_300 = arith.constant 0 : i32
      %cond3A_301 = arith.cmpi ne, %convert_element_type3A_299, %cond3A_300 : i32
      scf.if %cond3A_301 {
        %jit3A_714 = arith.constant 4 : i32
        %div3A_715 = arith.divsi %add3A_291, %jit3A_714 : i32
        %sign3A_716 = arith.constant 0 : i32
        %sign3A_717 = arith.cmpi sgt, %add3A_291, %sign3A_716 : i32
        %sign3A_718 = arith.extui %sign3A_717 : i1 to i32
        %sign3A_719 = arith.constant 0 : i32
        %sign3A_720 = arith.cmpi slt, %add3A_291, %sign3A_719 : i32
        %sign3A_721 = arith.extui %sign3A_720 : i1 to i32
        %sign3A_722 = arith.subi %sign3A_718, %sign3A_721 : i32
        %sign3A_723 = arith.constant 0 : i32
        %sign3A_724 = arith.cmpi sgt, %jit3A_714, %sign3A_723 : i32
        %sign3A_725 = arith.extui %sign3A_724 : i1 to i32
        %sign3A_726 = arith.constant 0 : i32
        %sign3A_727 = arith.cmpi slt, %jit3A_714, %sign3A_726 : i32
        %sign3A_728 = arith.extui %sign3A_727 : i1 to i32
        %sign3A_729 = arith.subi %sign3A_725, %sign3A_728 : i32
        %ne3A_730 = arith.cmpi ne, %sign3A_722, %sign3A_729 : i32
        %rem3A_731 = arith.remsi %add3A_291, %jit3A_714 : i32
        %ne3A_732 = arith.constant 0 : i32
        %ne3A_733 = arith.cmpi ne, %rem3A_731, %ne3A_732 : i32
        %and3A_734 = arith.andi %ne3A_730, %ne3A_733 : i1
        %sub3A_735 = arith.constant 1 : i32
        %sub3A_736 = arith.subi %div3A_715, %sub3A_735 : i32
        %select_n3A_737 = arith.select %and3A_734, %sub3A_736, %div3A_715 : i32
        %jit3A_738 = arith.constant 4 : i32
        %eq3A_739 = arith.constant 0 : i32
        %eq3A_740 = arith.cmpi eq, %jit3A_738, %eq3A_739 : i32
        %jit3A_741 = arith.constant 1 : i32
        %select_n3A_742 = arith.select %eq3A_740, %jit3A_741, %jit3A_738 : i32
        %rem3A_743 = arith.remsi %add3A_291, %select_n3A_742 : i32
        %ne3A_744 = arith.constant 0 : i32
        %ne3A_745 = arith.cmpi ne, %rem3A_743, %ne3A_744 : i32
        %lt3A_746 = arith.constant 0 : i32
        %lt3A_747 = arith.cmpi slt, %rem3A_743, %lt3A_746 : i32
        %lt3A_748 = arith.constant 0 : i32
        %lt3A_749 = arith.cmpi slt, %select_n3A_742, %lt3A_748 : i32
        %ne3A_750 = arith.xori %lt3A_747, %lt3A_749 : i1
        %and3A_751 = arith.andi %ne3A_750, %ne3A_745 : i1
        %add3A_752 = arith.addi %rem3A_743, %select_n3A_742 : i32
        %select_n3A_753 = arith.select %and3A_751, %add3A_752, %rem3A_743 : i32
        %mul3A_754 = arith.constant 8 : i32
        %mul3A_755 = arith.muli %select_n3A_753, %mul3A_754 : i32
        %multiple_of3A_756 = tpu.assume_multiple %mul3A_755, 8 : i32
        %scan3A_757 = arith.constant 0 : i32
        %scan3A_758 = arith.constant 0 : i32
        %scan3A_759 = arith.constant 48 : i32
        %scan3A_760 = arith.addi %scan3A_758, %scan3A_759 : i32
        %scan3A_761 = arith.constant 1 : i32
        %scan3A_762 = scf.for %scan3A_764 = %scan3A_758 to %scan3A_760 step %scan3A_761 iter_args(%scan3A_765 = %scan3A_757) -> (i32)  : i32 {
          %mul3A_766 = arith.constant 16 : i32
          %mul3A_767 = arith.muli %scan3A_764, %mul3A_766 : i32
          %get3A = arith.index_cast %select_n3A_737 : i32 to index
          %get3A_768 = arith.index_cast %mul3A_767 : i32 to index
          %get3A_769 = tpu.vector_load %arg7[%get3A, %get3A_768] {strides = array<i32>} : memref<80x768xf32, #tpu.memory_space<vmem>>, vector<1x16xf32>,
          %get3A_770 = vector.shape_cast %get3A_769 : vector<1x16xf32> to vector<16xf32>
          %scan3A_771 = arith.constant 0 : i32
          %scan3A_772 = arith.constant 0 : i32
          %scan3A_773 = arith.constant 8 : i32
          %scan3A_774 = arith.addi %scan3A_772, %scan3A_773 : i32
          %scan3A_775 = arith.constant 1 : i32
          %scan3A_776 = scf.for %scan3A_778 = %scan3A_772 to %scan3A_774 step %scan3A_775 iter_args(%scan3A_779 = %scan3A_771) -> (i32)  : i32 {
            %get3A_780 = arith.index_cast %scan3A_778 : i32 to index
            %get3A_781 = arith.index_cast %mul3A_767 : i32 to index
            %get3A_782 = tpu.vector_load %arg9[%get3A_780, %get3A_781] {strides = array<i32>} : memref<8x768xf32, #tpu.memory_space<vmem>>, vector<1x16xf32>,
            %get3A_783 = vector.shape_cast %get3A_782 : vector<1x16xf32> to vector<16xf32>
            %add3A_784 = arith.addf %get3A_783, %get3A_770 : vector<16xf32>
            %swap3A = arith.index_cast %scan3A_778 : i32 to index
            %swap3A_785 = arith.index_cast %mul3A_767 : i32 to index
            %swap3A_786 = tpu.vector_load %arg9[%swap3A, %swap3A_785] {strides = array<i32>} : memref<8x768xf32, #tpu.memory_space<vmem>>, vector<1x16xf32>,
            %swap3A_787 = vector.shape_cast %swap3A_786 : vector<1x16xf32> to vector<16xf32>
            %swap3A_788 = vector.shape_cast %add3A_784 : vector<16xf32> to vector<1x16xf32>
            tpu.vector_store %arg9[%swap3A, %swap3A_785], %swap3A_788 {strides = array<i32>} : memref<8x768xf32, #tpu.memory_space<vmem>>, vector<1x16xf32>,
            %scan3A_789 = arith.constant 0 : i32
            scf.yield %scan3A_789 : i32
          }
          %scan3A_777 = arith.constant 8 : i32
          scf.yield %scan3A_776 : i32
        }
        %scan3A_763 = arith.constant 48 : i32
      } else {
      }
      %jit3A_302 = arith.constant 4 : i32
      %div3A_303 = arith.divsi %add3A_291, %jit3A_302 : i32
      %sign3A_304 = arith.constant 0 : i32
      %sign3A_305 = arith.cmpi sgt, %add3A_291, %sign3A_304 : i32
      %sign3A_306 = arith.extui %sign3A_305 : i1 to i32
      %sign3A_307 = arith.constant 0 : i32
      %sign3A_308 = arith.cmpi slt, %add3A_291, %sign3A_307 : i32
      %sign3A_309 = arith.extui %sign3A_308 : i1 to i32
      %sign3A_310 = arith.subi %sign3A_306, %sign3A_309 : i32
      %sign3A_311 = arith.constant 0 : i32
      %sign3A_312 = arith.cmpi sgt, %jit3A_302, %sign3A_311 : i32
      %sign3A_313 = arith.extui %sign3A_312 : i1 to i32
      %sign3A_314 = arith.constant 0 : i32
      %sign3A_315 = arith.cmpi slt, %jit3A_302, %sign3A_314 : i32
      %sign3A_316 = arith.extui %sign3A_315 : i1 to i32
      %sign3A_317 = arith.subi %sign3A_313, %sign3A_316 : i32
      %ne3A_318 = arith.cmpi ne, %sign3A_310, %sign3A_317 : i32
      %rem3A_319 = arith.remsi %add3A_291, %jit3A_302 : i32
      %ne3A_320 = arith.constant 0 : i32
      %ne3A_321 = arith.cmpi ne, %rem3A_319, %ne3A_320 : i32
      %and3A_322 = arith.andi %ne3A_318, %ne3A_321 : i1
      %sub3A_323 = arith.constant 1 : i32
      %sub3A_324 = arith.subi %div3A_303, %sub3A_323 : i32
      %select_n3A_325 = arith.select %and3A_322, %sub3A_324, %div3A_303 : i32
      %jit3A_326 = arith.constant 4 : i32
      %eq3A_327 = arith.constant 0 : i32
      %eq3A_328 = arith.cmpi eq, %jit3A_326, %eq3A_327 : i32
      %jit3A_329 = arith.constant 1 : i32
      %select_n3A_330 = arith.select %eq3A_328, %jit3A_329, %jit3A_326 : i32
      %rem3A_331 = arith.remsi %add3A_291, %select_n3A_330 : i32
      %ne3A_332 = arith.constant 0 : i32
      %ne3A_333 = arith.cmpi ne, %rem3A_331, %ne3A_332 : i32
      %lt3A_334 = arith.constant 0 : i32
      %lt3A_335 = arith.cmpi slt, %rem3A_331, %lt3A_334 : i32
      %lt3A_336 = arith.constant 0 : i32
      %lt3A_337 = arith.cmpi slt, %select_n3A_330, %lt3A_336 : i32
      %ne3A_338 = arith.xori %lt3A_335, %lt3A_337 : i1
      %and3A_339 = arith.andi %ne3A_338, %ne3A_333 : i1
      %add3A_340 = arith.addi %rem3A_331, %select_n3A_330 : i32
      %select_n3A_341 = arith.select %and3A_339, %add3A_340, %rem3A_331 : i32
      %mul3A_342 = arith.constant 8 : i32
      %mul3A_343 = arith.muli %select_n3A_341, %mul3A_342 : i32
      %multiple_of3A_344 = tpu.assume_multiple %mul3A_343, 8 : i32
      %add3A_345 = arith.addi %mul3A_2, %multiple_of3A_344 : i32
      %dma_start3A_346 = arith.constant 0 : i32
      %dma_start3A_347 = tpu.memref_slice %arg5[%select_n3A_325, %add3A_345, %dma_start3A_346] : memref<77x1024x768xf32, #tpu.memory_space<hbm>> -> memref<1x8x768xf32, #tpu.memory_space<hbm>>
      %dma_start3A_348 = tpu.memref_squeeze %dma_start3A_347 : memref<1x8x768xf32, #tpu.memory_space<hbm>> -> memref<8x768xf32, #tpu.memory_space<hbm>>
      %dma_start3A_349 = arith.constant 0 : i32
      %dma_start3A_350 = tpu.memref_slice %arg5[%select_n3A_325, %add3A_345, %dma_start3A_349] : memref<77x1024x768xf32, #tpu.memory_space<hbm>> -> memref<1x8x768xf32, #tpu.memory_space<hbm>>
      %dma_start3A_351 = tpu.memref_squeeze %dma_start3A_350 : memref<1x8x768xf32, #tpu.memory_space<hbm>> -> memref<8x768xf32, #tpu.memory_space<hbm>>
      tpu.enqueue_dma source(%arg9 : memref<8x768xf32, #tpu.memory_space<vmem>>) target(%dma_start3A_351 : memref<8x768xf32, #tpu.memory_space<hbm>>) target_semaphore(%arg23 : memref<!tpu.dma_semaphore, #tpu.memory_space<semaphore_mem>>)
      %add3A_352 = arith.constant 7 : i32
      %add3A_353 = arith.addi %add3A_291, %add3A_352 : i32
      %lt3A_354 = arith.constant 308 : i32
      %lt3A_355 = arith.cmpi slt, %add3A_353, %lt3A_354 : i32
      %convert_element_type3A_356 = arith.extui %lt3A_355 : i1 to i32
      %cond3A_357 = arith.constant 0 : i32
      %cond3A_358 = arith.cmpi ne, %convert_element_type3A_356, %cond3A_357 : i32
      scf.if %cond3A_358 {
        %dma_wait3A_714 = arith.constant 0 : i32
        %dma_wait3A_715 = arith.constant 0 : i32
        %dma_wait3A_716 = arith.constant 0 : i32
        %dma_wait3A_717 = tpu.memref_slice %arg5[%dma_wait3A_714, %dma_wait3A_715, %dma_wait3A_716] : memref<77x1024x768xf32, #tpu.memory_space<hbm>> -> memref<1x8x768xf32, #tpu.memory_space<hbm>>
        %dma_wait3A_718 = tpu.memref_squeeze %dma_wait3A_717 : memref<1x8x768xf32, #tpu.memory_space<hbm>> -> memref<8x768xf32, #tpu.memory_space<hbm>>
        %dma_wait3A_719 = arith.constant 0 : i32
        %dma_wait3A_720 = arith.constant 0 : i32
        %dma_wait3A_721 = tpu.memref_slice %arg5[%dma_wait3A_714, %dma_wait3A_719, %dma_wait3A_720] : memref<77x1024x768xf32, #tpu.memory_space<hbm>> -> memref<1x8x768xf32, #tpu.memory_space<hbm>>
        %dma_wait3A_722 = tpu.memref_squeeze %dma_wait3A_721 : memref<1x8x768xf32, #tpu.memory_space<hbm>> -> memref<8x768xf32, #tpu.memory_space<hbm>>
        tpu.wait_dma2 semaphore(%arg23 : memref<!tpu.dma_semaphore, #tpu.memory_space<semaphore_mem>>) src(%arg9 : memref<8x768xf32, #tpu.memory_space<vmem>>) dst(%dma_wait3A_722 : memref<8x768xf32, #tpu.memory_space<hbm>>)
        %add3A_723 = arith.constant 7 : i32
        %add3A_724 = arith.addi %add3A_291, %add3A_723 : i32
        %jit3A_725 = arith.constant 4 : i32
        %div3A_726 = arith.divsi %add3A_724, %jit3A_725 : i32
        %sign3A_727 = arith.constant 0 : i32
        %sign3A_728 = arith.cmpi sgt, %add3A_724, %sign3A_727 : i32
        %sign3A_729 = arith.extui %sign3A_728 : i1 to i32
        %sign3A_730 = arith.constant 0 : i32
        %sign3A_731 = arith.cmpi slt, %add3A_724, %sign3A_730 : i32
        %sign3A_732 = arith.extui %sign3A_731 : i1 to i32
        %sign3A_733 = arith.subi %sign3A_729, %sign3A_732 : i32
        %sign3A_734 = arith.constant 0 : i32
        %sign3A_735 = arith.cmpi sgt, %jit3A_725, %sign3A_734 : i32
        %sign3A_736 = arith.extui %sign3A_735 : i1 to i32
        %sign3A_737 = arith.constant 0 : i32
        %sign3A_738 = arith.cmpi slt, %jit3A_725, %sign3A_737 : i32
        %sign3A_739 = arith.extui %sign3A_738 : i1 to i32
        %sign3A_740 = arith.subi %sign3A_736, %sign3A_739 : i32
        %ne3A_741 = arith.cmpi ne, %sign3A_733, %sign3A_740 : i32
        %rem3A_742 = arith.remsi %add3A_724, %jit3A_725 : i32
        %ne3A_743 = arith.constant 0 : i32
        %ne3A_744 = arith.cmpi ne, %rem3A_742, %ne3A_743 : i32
        %and3A_745 = arith.andi %ne3A_741, %ne3A_744 : i1
        %sub3A_746 = arith.constant 1 : i32
        %sub3A_747 = arith.subi %div3A_726, %sub3A_746 : i32
        %select_n3A_748 = arith.select %and3A_745, %sub3A_747, %div3A_726 : i32
        %jit3A_749 = arith.constant 4 : i32
        %eq3A_750 = arith.constant 0 : i32
        %eq3A_751 = arith.cmpi eq, %jit3A_749, %eq3A_750 : i32
        %jit3A_752 = arith.constant 1 : i32
        %select_n3A_753 = arith.select %eq3A_751, %jit3A_752, %jit3A_749 : i32
        %rem3A_754 = arith.remsi %add3A_724, %select_n3A_753 : i32
        %ne3A_755 = arith.constant 0 : i32
        %ne3A_756 = arith.cmpi ne, %rem3A_754, %ne3A_755 : i32
        %lt3A_757 = arith.constant 0 : i32
        %lt3A_758 = arith.cmpi slt, %rem3A_754, %lt3A_757 : i32
        %lt3A_759 = arith.constant 0 : i32
        %lt3A_760 = arith.cmpi slt, %select_n3A_753, %lt3A_759 : i32
        %ne3A_761 = arith.xori %lt3A_758, %lt3A_760 : i1
        %and3A_762 = arith.andi %ne3A_761, %ne3A_756 : i1
        %add3A_763 = arith.addi %rem3A_754, %select_n3A_753 : i32
        %select_n3A_764 = arith.select %and3A_762, %add3A_763, %rem3A_754 : i32
        %mul3A_765 = arith.constant 8 : i32
        %mul3A_766 = arith.muli %select_n3A_764, %mul3A_765 : i32
        %multiple_of3A_767 = tpu.assume_multiple %mul3A_766, 8 : i32
        %add3A_768 = arith.addi %mul3A_13, %multiple_of3A_767 : i32
        %dma_start3A_769 = tpu.memref_slice %arg6[%select_n3A_748, %add3A_768] : memref<77x128xi32, #tpu.memory_space<vmem>> -> memref<1x8xi32, #tpu.memory_space<vmem>>
        %dma_start3A_770 = tpu.memref_squeeze %dma_start3A_769 : memref<1x8xi32, #tpu.memory_space<vmem>> -> memref<8xi32, #tpu.memory_space<vmem>>
        %dma_start3A_771 = arith.constant 0 : i32
        %dma_start3A_772 = arith.constant 0 : i32
        %dma_start3A_773 = tpu.memref_slice %arg3[%dma_start3A_771, %dma_start3A_772] : memref<49408x768xf32, #tpu.memory_space<hbm>> -> memref<49408x768xf32, #tpu.memory_space<hbm>>
        tpu.enqueue_indirect_dma source(%dma_start3A_773 : memref<49408x768xf32, #tpu.memory_space<hbm>>) target(%arg9 : memref<8x768xf32, #tpu.memory_space<vmem>>) offsets(%dma_start3A_770 : memref<8xi32, #tpu.memory_space<vmem>>) semaphore(%arg16 : memref<!tpu.dma_semaphore, #tpu.memory_space<semaphore_mem>>)
      } else {
      }
      %mul3A_359 = arith.constant 7 : i32
      %mul3A_360 = arith.muli %scan3A_218, %mul3A_359 : i32
      %add3A_361 = arith.constant 2 : i32
      %add3A_362 = arith.addi %mul3A_360, %add3A_361 : i32
      %dma_wait3A_363 = arith.constant 0 : i32
      %dma_wait3A_364 = arith.constant 0 : i32
      %dma_wait3A_365 = tpu.memref_slice %arg6[%dma_wait3A_363, %dma_wait3A_364] : memref<77x128xi32, #tpu.memory_space<vmem>> -> memref<1x8xi32, #tpu.memory_space<vmem>>
      %dma_wait3A_366 = tpu.memref_squeeze %dma_wait3A_365 : memref<1x8xi32, #tpu.memory_space<vmem>> -> memref<8xi32, #tpu.memory_space<vmem>>
      %dma_wait3A_367 = arith.constant 0 : i32
      %dma_wait3A_368 = arith.constant 0 : i32
      %dma_wait3A_369 = tpu.memref_slice %arg3[%dma_wait3A_367, %dma_wait3A_368] : memref<49408x768xf32, #tpu.memory_space<hbm>> -> memref<49408x768xf32, #tpu.memory_space<hbm>>
      tpu.wait_indirect_dma semaphore(%arg17 : memref<!tpu.dma_semaphore, #tpu.memory_space<semaphore_mem>>) src(%dma_wait3A_369 : memref<49408x768xf32, #tpu.memory_space<hbm>>) dst(%arg10 : memref<8x768xf32, #tpu.memory_space<vmem>>)
      %convert_element_type3A_370 = arith.extui %ne3A_149 : i1 to i32
      %cond3A_371 = arith.constant 0 : i32
      %cond3A_372 = arith.cmpi ne, %convert_element_type3A_370, %cond3A_371 : i32
      scf.if %cond3A_372 {
        %jit3A_714 = arith.constant 4 : i32
        %div3A_715 = arith.divsi %add3A_362, %jit3A_714 : i32
        %sign3A_716 = arith.constant 0 : i32
        %sign3A_717 = arith.cmpi sgt, %add3A_362, %sign3A_716 : i32
        %sign3A_718 = arith.extui %sign3A_717 : i1 to i32
        %sign3A_719 = arith.constant 0 : i32
        %sign3A_720 = arith.cmpi slt, %add3A_362, %sign3A_719 : i32
        %sign3A_721 = arith.extui %sign3A_720 : i1 to i32
        %sign3A_722 = arith.subi %sign3A_718, %sign3A_721 : i32
        %sign3A_723 = arith.constant 0 : i32
        %sign3A_724 = arith.cmpi sgt, %jit3A_714, %sign3A_723 : i32
        %sign3A_725 = arith.extui %sign3A_724 : i1 to i32
        %sign3A_726 = arith.constant 0 : i32
        %sign3A_727 = arith.cmpi slt, %jit3A_714, %sign3A_726 : i32
        %sign3A_728 = arith.extui %sign3A_727 : i1 to i32
        %sign3A_729 = arith.subi %sign3A_725, %sign3A_728 : i32
        %ne3A_730 = arith.cmpi ne, %sign3A_722, %sign3A_729 : i32
        %rem3A_731 = arith.remsi %add3A_362, %jit3A_714 : i32
        %ne3A_732 = arith.constant 0 : i32
        %ne3A_733 = arith.cmpi ne, %rem3A_731, %ne3A_732 : i32
        %and3A_734 = arith.andi %ne3A_730, %ne3A_733 : i1
        %sub3A_735 = arith.constant 1 : i32
        %sub3A_736 = arith.subi %div3A_715, %sub3A_735 : i32
        %select_n3A_737 = arith.select %and3A_734, %sub3A_736, %div3A_715 : i32
        %jit3A_738 = arith.constant 4 : i32
        %eq3A_739 = arith.constant 0 : i32
        %eq3A_740 = arith.cmpi eq, %jit3A_738, %eq3A_739 : i32
        %jit3A_741 = arith.constant 1 : i32
        %select_n3A_742 = arith.select %eq3A_740, %jit3A_741, %jit3A_738 : i32
        %rem3A_743 = arith.remsi %add3A_362, %select_n3A_742 : i32
        %ne3A_744 = arith.constant 0 : i32
        %ne3A_745 = arith.cmpi ne, %rem3A_743, %ne3A_744 : i32
        %lt3A_746 = arith.constant 0 : i32
        %lt3A_747 = arith.cmpi slt, %rem3A_743, %lt3A_746 : i32
        %lt3A_748 = arith.constant 0 : i32
        %lt3A_749 = arith.cmpi slt, %select_n3A_742, %lt3A_748 : i32
        %ne3A_750 = arith.xori %lt3A_747, %lt3A_749 : i1
        %and3A_751 = arith.andi %ne3A_750, %ne3A_745 : i1
        %add3A_752 = arith.addi %rem3A_743, %select_n3A_742 : i32
        %select_n3A_753 = arith.select %and3A_751, %add3A_752, %rem3A_743 : i32
        %mul3A_754 = arith.constant 8 : i32
        %mul3A_755 = arith.muli %select_n3A_753, %mul3A_754 : i32
        %multiple_of3A_756 = tpu.assume_multiple %mul3A_755, 8 : i32
        %scan3A_757 = arith.constant 0 : i32
        %scan3A_758 = arith.constant 0 : i32
        %scan3A_759 = arith.constant 48 : i32
        %scan3A_760 = arith.addi %scan3A_758, %scan3A_759 : i32
        %scan3A_761 = arith.constant 1 : i32
        %scan3A_762 = scf.for %scan3A_764 = %scan3A_758 to %scan3A_760 step %scan3A_761 iter_args(%scan3A_765 = %scan3A_757) -> (i32)  : i32 {
          %mul3A_766 = arith.constant 16 : i32
          %mul3A_767 = arith.muli %scan3A_764, %mul3A_766 : i32
          %get3A = arith.index_cast %select_n3A_737 : i32 to index
          %get3A_768 = arith.index_cast %mul3A_767 : i32 to index
          %get3A_769 = tpu.vector_load %arg7[%get3A, %get3A_768] {strides = array<i32>} : memref<80x768xf32, #tpu.memory_space<vmem>>, vector<1x16xf32>,
          %get3A_770 = vector.shape_cast %get3A_769 : vector<1x16xf32> to vector<16xf32>
          %scan3A_771 = arith.constant 0 : i32
          %scan3A_772 = arith.constant 0 : i32
          %scan3A_773 = arith.constant 8 : i32
          %scan3A_774 = arith.addi %scan3A_772, %scan3A_773 : i32
          %scan3A_775 = arith.constant 1 : i32
          %scan3A_776 = scf.for %scan3A_778 = %scan3A_772 to %scan3A_774 step %scan3A_775 iter_args(%scan3A_779 = %scan3A_771) -> (i32)  : i32 {
            %get3A_780 = arith.index_cast %scan3A_778 : i32 to index
            %get3A_781 = arith.index_cast %mul3A_767 : i32 to index
            %get3A_782 = tpu.vector_load %arg10[%get3A_780, %get3A_781] {strides = array<i32>} : memref<8x768xf32, #tpu.memory_space<vmem>>, vector<1x16xf32>,
            %get3A_783 = vector.shape_cast %get3A_782 : vector<1x16xf32> to vector<16xf32>
            %add3A_784 = arith.addf %get3A_783, %get3A_770 : vector<16xf32>
            %swap3A = arith.index_cast %scan3A_778 : i32 to index
            %swap3A_785 = arith.index_cast %mul3A_767 : i32 to index
            %swap3A_786 = tpu.vector_load %arg10[%swap3A, %swap3A_785] {strides = array<i32>} : memref<8x768xf32, #tpu.memory_space<vmem>>, vector<1x16xf32>,
            %swap3A_787 = vector.shape_cast %swap3A_786 : vector<1x16xf32> to vector<16xf32>
            %swap3A_788 = vector.shape_cast %add3A_784 : vector<16xf32> to vector<1x16xf32>
            tpu.vector_store %arg10[%swap3A, %swap3A_785], %swap3A_788 {strides = array<i32>} : memref<8x768xf32, #tpu.memory_space<vmem>>, vector<1x16xf32>,
            %scan3A_789 = arith.constant 0 : i32
            scf.yield %scan3A_789 : i32
          }
          %scan3A_777 = arith.constant 8 : i32
          scf.yield %scan3A_776 : i32
        }
        %scan3A_763 = arith.constant 48 : i32
      } else {
      }
      %jit3A_373 = arith.constant 4 : i32
      %div3A_374 = arith.divsi %add3A_362, %jit3A_373 : i32
      %sign3A_375 = arith.constant 0 : i32
      %sign3A_376 = arith.cmpi sgt, %add3A_362, %sign3A_375 : i32
      %sign3A_377 = arith.extui %sign3A_376 : i1 to i32
      %sign3A_378 = arith.constant 0 : i32
      %sign3A_379 = arith.cmpi slt, %add3A_362, %sign3A_378 : i32
      %sign3A_380 = arith.extui %sign3A_379 : i1 to i32
      %sign3A_381 = arith.subi %sign3A_377, %sign3A_380 : i32
      %sign3A_382 = arith.constant 0 : i32
      %sign3A_383 = arith.cmpi sgt, %jit3A_373, %sign3A_382 : i32
      %sign3A_384 = arith.extui %sign3A_383 : i1 to i32
      %sign3A_385 = arith.constant 0 : i32
      %sign3A_386 = arith.cmpi slt, %jit3A_373, %sign3A_385 : i32
      %sign3A_387 = arith.extui %sign3A_386 : i1 to i32
      %sign3A_388 = arith.subi %sign3A_384, %sign3A_387 : i32
      %ne3A_389 = arith.cmpi ne, %sign3A_381, %sign3A_388 : i32
      %rem3A_390 = arith.remsi %add3A_362, %jit3A_373 : i32
      %ne3A_391 = arith.constant 0 : i32
      %ne3A_392 = arith.cmpi ne, %rem3A_390, %ne3A_391 : i32
      %and3A_393 = arith.andi %ne3A_389, %ne3A_392 : i1
      %sub3A_394 = arith.constant 1 : i32
      %sub3A_395 = arith.subi %div3A_374, %sub3A_394 : i32
      %select_n3A_396 = arith.select %and3A_393, %sub3A_395, %div3A_374 : i32
      %jit3A_397 = arith.constant 4 : i32
      %eq3A_398 = arith.constant 0 : i32
      %eq3A_399 = arith.cmpi eq, %jit3A_397, %eq3A_398 : i32
      %jit3A_400 = arith.constant 1 : i32
      %select_n3A_401 = arith.select %eq3A_399, %jit3A_400, %jit3A_397 : i32
      %rem3A_402 = arith.remsi %add3A_362, %select_n3A_401 : i32
      %ne3A_403 = arith.constant 0 : i32
      %ne3A_404 = arith.cmpi ne, %rem3A_402, %ne3A_403 : i32
      %lt3A_405 = arith.constant 0 : i32
      %lt3A_406 = arith.cmpi slt, %rem3A_402, %lt3A_405 : i32
      %lt3A_407 = arith.constant 0 : i32
      %lt3A_408 = arith.cmpi slt, %select_n3A_401, %lt3A_407 : i32
      %ne3A_409 = arith.xori %lt3A_406, %lt3A_408 : i1
      %and3A_410 = arith.andi %ne3A_409, %ne3A_404 : i1
      %add3A_411 = arith.addi %rem3A_402, %select_n3A_401 : i32
      %select_n3A_412 = arith.select %and3A_410, %add3A_411, %rem3A_402 : i32
      %mul3A_413 = arith.constant 8 : i32
      %mul3A_414 = arith.muli %select_n3A_412, %mul3A_413 : i32
      %multiple_of3A_415 = tpu.assume_multiple %mul3A_414, 8 : i32
      %add3A_416 = arith.addi %mul3A_2, %multiple_of3A_415 : i32
      %dma_start3A_417 = arith.constant 0 : i32
      %dma_start3A_418 = tpu.memref_slice %arg5[%select_n3A_396, %add3A_416, %dma_start3A_417] : memref<77x1024x768xf32, #tpu.memory_space<hbm>> -> memref<1x8x768xf32, #tpu.memory_space<hbm>>
      %dma_start3A_419 = tpu.memref_squeeze %dma_start3A_418 : memref<1x8x768xf32, #tpu.memory_space<hbm>> -> memref<8x768xf32, #tpu.memory_space<hbm>>
      %dma_start3A_420 = arith.constant 0 : i32
      %dma_start3A_421 = tpu.memref_slice %arg5[%select_n3A_396, %add3A_416, %dma_start3A_420] : memref<77x1024x768xf32, #tpu.memory_space<hbm>> -> memref<1x8x768xf32, #tpu.memory_space<hbm>>
      %dma_start3A_422 = tpu.memref_squeeze %dma_start3A_421 : memref<1x8x768xf32, #tpu.memory_space<hbm>> -> memref<8x768xf32, #tpu.memory_space<hbm>>
      tpu.enqueue_dma source(%arg10 : memref<8x768xf32, #tpu.memory_space<vmem>>) target(%dma_start3A_422 : memref<8x768xf32, #tpu.memory_space<hbm>>) target_semaphore(%arg24 : memref<!tpu.dma_semaphore, #tpu.memory_space<semaphore_mem>>)
      %add3A_423 = arith.constant 7 : i32
      %add3A_424 = arith.addi %add3A_362, %add3A_423 : i32
      %lt3A_425 = arith.constant 308 : i32
      %lt3A_426 = arith.cmpi slt, %add3A_424, %lt3A_425 : i32
      %convert_element_type3A_427 = arith.extui %lt3A_426 : i1 to i32
      %cond3A_428 = arith.constant 0 : i32
      %cond3A_429 = arith.cmpi ne, %convert_element_type3A_427, %cond3A_428 : i32
      scf.if %cond3A_429 {
        %dma_wait3A_714 = arith.constant 0 : i32
        %dma_wait3A_715 = arith.constant 0 : i32
        %dma_wait3A_716 = arith.constant 0 : i32
        %dma_wait3A_717 = tpu.memref_slice %arg5[%dma_wait3A_714, %dma_wait3A_715, %dma_wait3A_716] : memref<77x1024x768xf32, #tpu.memory_space<hbm>> -> memref<1x8x768xf32, #tpu.memory_space<hbm>>
        %dma_wait3A_718 = tpu.memref_squeeze %dma_wait3A_717 : memref<1x8x768xf32, #tpu.memory_space<hbm>> -> memref<8x768xf32, #tpu.memory_space<hbm>>
        %dma_wait3A_719 = arith.constant 0 : i32
        %dma_wait3A_720 = arith.constant 0 : i32
        %dma_wait3A_721 = tpu.memref_slice %arg5[%dma_wait3A_714, %dma_wait3A_719, %dma_wait3A_720] : memref<77x1024x768xf32, #tpu.memory_space<hbm>> -> memref<1x8x768xf32, #tpu.memory_space<hbm>>
        %dma_wait3A_722 = tpu.memref_squeeze %dma_wait3A_721 : memref<1x8x768xf32, #tpu.memory_space<hbm>> -> memref<8x768xf32, #tpu.memory_space<hbm>>
        tpu.wait_dma2 semaphore(%arg24 : memref<!tpu.dma_semaphore, #tpu.memory_space<semaphore_mem>>) src(%arg10 : memref<8x768xf32, #tpu.memory_space<vmem>>) dst(%dma_wait3A_722 : memref<8x768xf32, #tpu.memory_space<hbm>>)
        %add3A_723 = arith.constant 7 : i32
        %add3A_724 = arith.addi %add3A_362, %add3A_723 : i32
        %jit3A_725 = arith.constant 4 : i32
        %div3A_726 = arith.divsi %add3A_724, %jit3A_725 : i32
        %sign3A_727 = arith.constant 0 : i32
        %sign3A_728 = arith.cmpi sgt, %add3A_724, %sign3A_727 : i32
        %sign3A_729 = arith.extui %sign3A_728 : i1 to i32
        %sign3A_730 = arith.constant 0 : i32
        %sign3A_731 = arith.cmpi slt, %add3A_724, %sign3A_730 : i32
        %sign3A_732 = arith.extui %sign3A_731 : i1 to i32
        %sign3A_733 = arith.subi %sign3A_729, %sign3A_732 : i32
        %sign3A_734 = arith.constant 0 : i32
        %sign3A_735 = arith.cmpi sgt, %jit3A_725, %sign3A_734 : i32
        %sign3A_736 = arith.extui %sign3A_735 : i1 to i32
        %sign3A_737 = arith.constant 0 : i32
        %sign3A_738 = arith.cmpi slt, %jit3A_725, %sign3A_737 : i32
        %sign3A_739 = arith.extui %sign3A_738 : i1 to i32
        %sign3A_740 = arith.subi %sign3A_736, %sign3A_739 : i32
        %ne3A_741 = arith.cmpi ne, %sign3A_733, %sign3A_740 : i32
        %rem3A_742 = arith.remsi %add3A_724, %jit3A_725 : i32
        %ne3A_743 = arith.constant 0 : i32
        %ne3A_744 = arith.cmpi ne, %rem3A_742, %ne3A_743 : i32
        %and3A_745 = arith.andi %ne3A_741, %ne3A_744 : i1
        %sub3A_746 = arith.constant 1 : i32
        %sub3A_747 = arith.subi %div3A_726, %sub3A_746 : i32
        %select_n3A_748 = arith.select %and3A_745, %sub3A_747, %div3A_726 : i32
        %jit3A_749 = arith.constant 4 : i32
        %eq3A_750 = arith.constant 0 : i32
        %eq3A_751 = arith.cmpi eq, %jit3A_749, %eq3A_750 : i32
        %jit3A_752 = arith.constant 1 : i32
        %select_n3A_753 = arith.select %eq3A_751, %jit3A_752, %jit3A_749 : i32
        %rem3A_754 = arith.remsi %add3A_724, %select_n3A_753 : i32
        %ne3A_755 = arith.constant 0 : i32
        %ne3A_756 = arith.cmpi ne, %rem3A_754, %ne3A_755 : i32
        %lt3A_757 = arith.constant 0 : i32
        %lt3A_758 = arith.cmpi slt, %rem3A_754, %lt3A_757 : i32
        %lt3A_759 = arith.constant 0 : i32
        %lt3A_760 = arith.cmpi slt, %select_n3A_753, %lt3A_759 : i32
        %ne3A_761 = arith.xori %lt3A_758, %lt3A_760 : i1
        %and3A_762 = arith.andi %ne3A_761, %ne3A_756 : i1
        %add3A_763 = arith.addi %rem3A_754, %select_n3A_753 : i32
        %select_n3A_764 = arith.select %and3A_762, %add3A_763, %rem3A_754 : i32
        %mul3A_765 = arith.constant 8 : i32
        %mul3A_766 = arith.muli %select_n3A_764, %mul3A_765 : i32
        %multiple_of3A_767 = tpu.assume_multiple %mul3A_766, 8 : i32
        %add3A_768 = arith.addi %mul3A_13, %multiple_of3A_767 : i32
        %dma_start3A_769 = tpu.memref_slice %arg6[%select_n3A_748, %add3A_768] : memref<77x128xi32, #tpu.memory_space<vmem>> -> memref<1x8xi32, #tpu.memory_space<vmem>>
        %dma_start3A_770 = tpu.memref_squeeze %dma_start3A_769 : memref<1x8xi32, #tpu.memory_space<vmem>> -> memref<8xi32, #tpu.memory_space<vmem>>
        %dma_start3A_771 = arith.constant 0 : i32
        %dma_start3A_772 = arith.constant 0 : i32
        %dma_start3A_773 = tpu.memref_slice %arg3[%dma_start3A_771, %dma_start3A_772] : memref<49408x768xf32, #tpu.memory_space<hbm>> -> memref<49408x768xf32, #tpu.memory_space<hbm>>
        tpu.enqueue_indirect_dma source(%dma_start3A_773 : memref<49408x768xf32, #tpu.memory_space<hbm>>) target(%arg10 : memref<8x768xf32, #tpu.memory_space<vmem>>) offsets(%dma_start3A_770 : memref<8xi32, #tpu.memory_space<vmem>>) semaphore(%arg17 : memref<!tpu.dma_semaphore, #tpu.memory_space<semaphore_mem>>)
      } else {
      }
      %mul3A_430 = arith.constant 7 : i32
      %mul3A_431 = arith.muli %scan3A_218, %mul3A_430 : i32
      %add3A_432 = arith.constant 3 : i32
      %add3A_433 = arith.addi %mul3A_431, %add3A_432 : i32
      %dma_wait3A_434 = arith.constant 0 : i32
      %dma_wait3A_435 = arith.constant 0 : i32
      %dma_wait3A_436 = tpu.memref_slice %arg6[%dma_wait3A_434, %dma_wait3A_435] : memref<77x128xi32, #tpu.memory_space<vmem>> -> memref<1x8xi32, #tpu.memory_space<vmem>>
      %dma_wait3A_437 = tpu.memref_squeeze %dma_wait3A_436 : memref<1x8xi32, #tpu.memory_space<vmem>> -> memref<8xi32, #tpu.memory_space<vmem>>
      %dma_wait3A_438 = arith.constant 0 : i32
      %dma_wait3A_439 = arith.constant 0 : i32
      %dma_wait3A_440 = tpu.memref_slice %arg3[%dma_wait3A_438, %dma_wait3A_439] : memref<49408x768xf32, #tpu.memory_space<hbm>> -> memref<49408x768xf32, #tpu.memory_space<hbm>>
      tpu.wait_indirect_dma semaphore(%arg18 : memref<!tpu.dma_semaphore, #tpu.memory_space<semaphore_mem>>) src(%dma_wait3A_440 : memref<49408x768xf32, #tpu.memory_space<hbm>>) dst(%arg11 : memref<8x768xf32, #tpu.memory_space<vmem>>)
      %convert_element_type3A_441 = arith.extui %ne3A_149 : i1 to i32
      %cond3A_442 = arith.constant 0 : i32
      %cond3A_443 = arith.cmpi ne, %convert_element_type3A_441, %cond3A_442 : i32
      scf.if %cond3A_443 {
        %jit3A_714 = arith.constant 4 : i32
        %div3A_715 = arith.divsi %add3A_433, %jit3A_714 : i32
        %sign3A_716 = arith.constant 0 : i32
        %sign3A_717 = arith.cmpi sgt, %add3A_433, %sign3A_716 : i32
        %sign3A_718 = arith.extui %sign3A_717 : i1 to i32
        %sign3A_719 = arith.constant 0 : i32
        %sign3A_720 = arith.cmpi slt, %add3A_433, %sign3A_719 : i32
        %sign3A_721 = arith.extui %sign3A_720 : i1 to i32
        %sign3A_722 = arith.subi %sign3A_718, %sign3A_721 : i32
        %sign3A_723 = arith.constant 0 : i32
        %sign3A_724 = arith.cmpi sgt, %jit3A_714, %sign3A_723 : i32
        %sign3A_725 = arith.extui %sign3A_724 : i1 to i32
        %sign3A_726 = arith.constant 0 : i32
        %sign3A_727 = arith.cmpi slt, %jit3A_714, %sign3A_726 : i32
        %sign3A_728 = arith.extui %sign3A_727 : i1 to i32
        %sign3A_729 = arith.subi %sign3A_725, %sign3A_728 : i32
        %ne3A_730 = arith.cmpi ne, %sign3A_722, %sign3A_729 : i32
        %rem3A_731 = arith.remsi %add3A_433, %jit3A_714 : i32
        %ne3A_732 = arith.constant 0 : i32
        %ne3A_733 = arith.cmpi ne, %rem3A_731, %ne3A_732 : i32
        %and3A_734 = arith.andi %ne3A_730, %ne3A_733 : i1
        %sub3A_735 = arith.constant 1 : i32
        %sub3A_736 = arith.subi %div3A_715, %sub3A_735 : i32
        %select_n3A_737 = arith.select %and3A_734, %sub3A_736, %div3A_715 : i32
        %jit3A_738 = arith.constant 4 : i32
        %eq3A_739 = arith.constant 0 : i32
        %eq3A_740 = arith.cmpi eq, %jit3A_738, %eq3A_739 : i32
        %jit3A_741 = arith.constant 1 : i32
        %select_n3A_742 = arith.select %eq3A_740, %jit3A_741, %jit3A_738 : i32
        %rem3A_743 = arith.remsi %add3A_433, %select_n3A_742 : i32
        %ne3A_744 = arith.constant 0 : i32
        %ne3A_745 = arith.cmpi ne, %rem3A_743, %ne3A_744 : i32
        %lt3A_746 = arith.constant 0 : i32
        %lt3A_747 = arith.cmpi slt, %rem3A_743, %lt3A_746 : i32
        %lt3A_748 = arith.constant 0 : i32
        %lt3A_749 = arith.cmpi slt, %select_n3A_742, %lt3A_748 : i32
        %ne3A_750 = arith.xori %lt3A_747, %lt3A_749 : i1
        %and3A_751 = arith.andi %ne3A_750, %ne3A_745 : i1
        %add3A_752 = arith.addi %rem3A_743, %select_n3A_742 : i32
        %select_n3A_753 = arith.select %and3A_751, %add3A_752, %rem3A_743 : i32
        %mul3A_754 = arith.constant 8 : i32
        %mul3A_755 = arith.muli %select_n3A_753, %mul3A_754 : i32
        %multiple_of3A_756 = tpu.assume_multiple %mul3A_755, 8 : i32
        %scan3A_757 = arith.constant 0 : i32
        %scan3A_758 = arith.constant 0 : i32
        %scan3A_759 = arith.constant 48 : i32
        %scan3A_760 = arith.addi %scan3A_758, %scan3A_759 : i32
        %scan3A_761 = arith.constant 1 : i32
        %scan3A_762 = scf.for %scan3A_764 = %scan3A_758 to %scan3A_760 step %scan3A_761 iter_args(%scan3A_765 = %scan3A_757) -> (i32)  : i32 {
          %mul3A_766 = arith.constant 16 : i32
          %mul3A_767 = arith.muli %scan3A_764, %mul3A_766 : i32
          %get3A = arith.index_cast %select_n3A_737 : i32 to index
          %get3A_768 = arith.index_cast %mul3A_767 : i32 to index
          %get3A_769 = tpu.vector_load %arg7[%get3A, %get3A_768] {strides = array<i32>} : memref<80x768xf32, #tpu.memory_space<vmem>>, vector<1x16xf32>,
          %get3A_770 = vector.shape_cast %get3A_769 : vector<1x16xf32> to vector<16xf32>
          %scan3A_771 = arith.constant 0 : i32
          %scan3A_772 = arith.constant 0 : i32
          %scan3A_773 = arith.constant 8 : i32
          %scan3A_774 = arith.addi %scan3A_772, %scan3A_773 : i32
          %scan3A_775 = arith.constant 1 : i32
          %scan3A_776 = scf.for %scan3A_778 = %scan3A_772 to %scan3A_774 step %scan3A_775 iter_args(%scan3A_779 = %scan3A_771) -> (i32)  : i32 {
            %get3A_780 = arith.index_cast %scan3A_778 : i32 to index
            %get3A_781 = arith.index_cast %mul3A_767 : i32 to index
            %get3A_782 = tpu.vector_load %arg11[%get3A_780, %get3A_781] {strides = array<i32>} : memref<8x768xf32, #tpu.memory_space<vmem>>, vector<1x16xf32>,
            %get3A_783 = vector.shape_cast %get3A_782 : vector<1x16xf32> to vector<16xf32>
            %add3A_784 = arith.addf %get3A_783, %get3A_770 : vector<16xf32>
            %swap3A = arith.index_cast %scan3A_778 : i32 to index
            %swap3A_785 = arith.index_cast %mul3A_767 : i32 to index
            %swap3A_786 = tpu.vector_load %arg11[%swap3A, %swap3A_785] {strides = array<i32>} : memref<8x768xf32, #tpu.memory_space<vmem>>, vector<1x16xf32>,
            %swap3A_787 = vector.shape_cast %swap3A_786 : vector<1x16xf32> to vector<16xf32>
            %swap3A_788 = vector.shape_cast %add3A_784 : vector<16xf32> to vector<1x16xf32>
            tpu.vector_store %arg11[%swap3A, %swap3A_785], %swap3A_788 {strides = array<i32>} : memref<8x768xf32, #tpu.memory_space<vmem>>, vector<1x16xf32>,
            %scan3A_789 = arith.constant 0 : i32
            scf.yield %scan3A_789 : i32
          }
          %scan3A_777 = arith.constant 8 : i32
          scf.yield %scan3A_776 : i32
        }
        %scan3A_763 = arith.constant 48 : i32
      } else {
      }
      %jit3A_444 = arith.constant 4 : i32
      %div3A_445 = arith.divsi %add3A_433, %jit3A_444 : i32
      %sign3A_446 = arith.constant 0 : i32
      %sign3A_447 = arith.cmpi sgt, %add3A_433, %sign3A_446 : i32
      %sign3A_448 = arith.extui %sign3A_447 : i1 to i32
      %sign3A_449 = arith.constant 0 : i32
      %sign3A_450 = arith.cmpi slt, %add3A_433, %sign3A_449 : i32
      %sign3A_451 = arith.extui %sign3A_450 : i1 to i32
      %sign3A_452 = arith.subi %sign3A_448, %sign3A_451 : i32
      %sign3A_453 = arith.constant 0 : i32
      %sign3A_454 = arith.cmpi sgt, %jit3A_444, %sign3A_453 : i32
      %sign3A_455 = arith.extui %sign3A_454 : i1 to i32
      %sign3A_456 = arith.constant 0 : i32
      %sign3A_457 = arith.cmpi slt, %jit3A_444, %sign3A_456 : i32
      %sign3A_458 = arith.extui %sign3A_457 : i1 to i32
      %sign3A_459 = arith.subi %sign3A_455, %sign3A_458 : i32
      %ne3A_460 = arith.cmpi ne, %sign3A_452, %sign3A_459 : i32
      %rem3A_461 = arith.remsi %add3A_433, %jit3A_444 : i32
      %ne3A_462 = arith.constant 0 : i32
      %ne3A_463 = arith.cmpi ne, %rem3A_461, %ne3A_462 : i32
      %and3A_464 = arith.andi %ne3A_460, %ne3A_463 : i1
      %sub3A_465 = arith.constant 1 : i32
      %sub3A_466 = arith.subi %div3A_445, %sub3A_465 : i32
      %select_n3A_467 = arith.select %and3A_464, %sub3A_466, %div3A_445 : i32
      %jit3A_468 = arith.constant 4 : i32
      %eq3A_469 = arith.constant 0 : i32
      %eq3A_470 = arith.cmpi eq, %jit3A_468, %eq3A_469 : i32
      %jit3A_471 = arith.constant 1 : i32
      %select_n3A_472 = arith.select %eq3A_470, %jit3A_471, %jit3A_468 : i32
      %rem3A_473 = arith.remsi %add3A_433, %select_n3A_472 : i32
      %ne3A_474 = arith.constant 0 : i32
      %ne3A_475 = arith.cmpi ne, %rem3A_473, %ne3A_474 : i32
      %lt3A_476 = arith.constant 0 : i32
      %lt3A_477 = arith.cmpi slt, %rem3A_473, %lt3A_476 : i32
      %lt3A_478 = arith.constant 0 : i32
      %lt3A_479 = arith.cmpi slt, %select_n3A_472, %lt3A_478 : i32
      %ne3A_480 = arith.xori %lt3A_477, %lt3A_479 : i1
      %and3A_481 = arith.andi %ne3A_480, %ne3A_475 : i1
      %add3A_482 = arith.addi %rem3A_473, %select_n3A_472 : i32
      %select_n3A_483 = arith.select %and3A_481, %add3A_482, %rem3A_473 : i32
      %mul3A_484 = arith.constant 8 : i32
      %mul3A_485 = arith.muli %select_n3A_483, %mul3A_484 : i32
      %multiple_of3A_486 = tpu.assume_multiple %mul3A_485, 8 : i32
      %add3A_487 = arith.addi %mul3A_2, %multiple_of3A_486 : i32
      %dma_start3A_488 = arith.constant 0 : i32
      %dma_start3A_489 = tpu.memref_slice %arg5[%select_n3A_467, %add3A_487, %dma_start3A_488] : memref<77x1024x768xf32, #tpu.memory_space<hbm>> -> memref<1x8x768xf32, #tpu.memory_space<hbm>>
      %dma_start3A_490 = tpu.memref_squeeze %dma_start3A_489 : memref<1x8x768xf32, #tpu.memory_space<hbm>> -> memref<8x768xf32, #tpu.memory_space<hbm>>
      %dma_start3A_491 = arith.constant 0 : i32
      %dma_start3A_492 = tpu.memref_slice %arg5[%select_n3A_467, %add3A_487, %dma_start3A_491] : memref<77x1024x768xf32, #tpu.memory_space<hbm>> -> memref<1x8x768xf32, #tpu.memory_space<hbm>>
      %dma_start3A_493 = tpu.memref_squeeze %dma_start3A_492 : memref<1x8x768xf32, #tpu.memory_space<hbm>> -> memref<8x768xf32, #tpu.memory_space<hbm>>
      tpu.enqueue_dma source(%arg11 : memref<8x768xf32, #tpu.memory_space<vmem>>) target(%dma_start3A_493 : memref<8x768xf32, #tpu.memory_space<hbm>>) target_semaphore(%arg25 : memref<!tpu.dma_semaphore, #tpu.memory_space<semaphore_mem>>)
      %add3A_494 = arith.constant 7 : i32
      %add3A_495 = arith.addi %add3A_433, %add3A_494 : i32
      %lt3A_496 = arith.constant 308 : i32
      %lt3A_497 = arith.cmpi slt, %add3A_495, %lt3A_496 : i32
      %convert_element_type3A_498 = arith.extui %lt3A_497 : i1 to i32
      %cond3A_499 = arith.constant 0 : i32
      %cond3A_500 = arith.cmpi ne, %convert_element_type3A_498, %cond3A_499 : i32
      scf.if %cond3A_500 {
        %dma_wait3A_714 = arith.constant 0 : i32
        %dma_wait3A_715 = arith.constant 0 : i32
        %dma_wait3A_716 = arith.constant 0 : i32
        %dma_wait3A_717 = tpu.memref_slice %arg5[%dma_wait3A_714, %dma_wait3A_715, %dma_wait3A_716] : memref<77x1024x768xf32, #tpu.memory_space<hbm>> -> memref<1x8x768xf32, #tpu.memory_space<hbm>>
        %dma_wait3A_718 = tpu.memref_squeeze %dma_wait3A_717 : memref<1x8x768xf32, #tpu.memory_space<hbm>> -> memref<8x768xf32, #tpu.memory_space<hbm>>
        %dma_wait3A_719 = arith.constant 0 : i32
        %dma_wait3A_720 = arith.constant 0 : i32
        %dma_wait3A_721 = tpu.memref_slice %arg5[%dma_wait3A_714, %dma_wait3A_719, %dma_wait3A_720] : memref<77x1024x768xf32, #tpu.memory_space<hbm>> -> memref<1x8x768xf32, #tpu.memory_space<hbm>>
        %dma_wait3A_722 = tpu.memref_squeeze %dma_wait3A_721 : memref<1x8x768xf32, #tpu.memory_space<hbm>> -> memref<8x768xf32, #tpu.memory_space<hbm>>
        tpu.wait_dma2 semaphore(%arg25 : memref<!tpu.dma_semaphore, #tpu.memory_space<semaphore_mem>>) src(%arg11 : memref<8x768xf32, #tpu.memory_space<vmem>>) dst(%dma_wait3A_722 : memref<8x768xf32, #tpu.memory_space<hbm>>)
        %add3A_723 = arith.constant 7 : i32
        %add3A_724 = arith.addi %add3A_433, %add3A_723 : i32
        %jit3A_725 = arith.constant 4 : i32
        %div3A_726 = arith.divsi %add3A_724, %jit3A_725 : i32
        %sign3A_727 = arith.constant 0 : i32
        %sign3A_728 = arith.cmpi sgt, %add3A_724, %sign3A_727 : i32
        %sign3A_729 = arith.extui %sign3A_728 : i1 to i32
        %sign3A_730 = arith.constant 0 : i32
        %sign3A_731 = arith.cmpi slt, %add3A_724, %sign3A_730 : i32
        %sign3A_732 = arith.extui %sign3A_731 : i1 to i32
        %sign3A_733 = arith.subi %sign3A_729, %sign3A_732 : i32
        %sign3A_734 = arith.constant 0 : i32
        %sign3A_735 = arith.cmpi sgt, %jit3A_725, %sign3A_734 : i32
        %sign3A_736 = arith.extui %sign3A_735 : i1 to i32
        %sign3A_737 = arith.constant 0 : i32
        %sign3A_738 = arith.cmpi slt, %jit3A_725, %sign3A_737 : i32
        %sign3A_739 = arith.extui %sign3A_738 : i1 to i32
        %sign3A_740 = arith.subi %sign3A_736, %sign3A_739 : i32
        %ne3A_741 = arith.cmpi ne, %sign3A_733, %sign3A_740 : i32
        %rem3A_742 = arith.remsi %add3A_724, %jit3A_725 : i32
        %ne3A_743 = arith.constant 0 : i32
        %ne3A_744 = arith.cmpi ne, %rem3A_742, %ne3A_743 : i32
        %and3A_745 = arith.andi %ne3A_741, %ne3A_744 : i1
        %sub3A_746 = arith.constant 1 : i32
        %sub3A_747 = arith.subi %div3A_726, %sub3A_746 : i32
        %select_n3A_748 = arith.select %and3A_745, %sub3A_747, %div3A_726 : i32
        %jit3A_749 = arith.constant 4 : i32
        %eq3A_750 = arith.constant 0 : i32
        %eq3A_751 = arith.cmpi eq, %jit3A_749, %eq3A_750 : i32
        %jit3A_752 = arith.constant 1 : i32
        %select_n3A_753 = arith.select %eq3A_751, %jit3A_752, %jit3A_749 : i32
        %rem3A_754 = arith.remsi %add3A_724, %select_n3A_753 : i32
        %ne3A_755 = arith.constant 0 : i32
        %ne3A_756 = arith.cmpi ne, %rem3A_754, %ne3A_755 : i32
        %lt3A_757 = arith.constant 0 : i32
        %lt3A_758 = arith.cmpi slt, %rem3A_754, %lt3A_757 : i32
        %lt3A_759 = arith.constant 0 : i32
        %lt3A_760 = arith.cmpi slt, %select_n3A_753, %lt3A_759 : i32
        %ne3A_761 = arith.xori %lt3A_758, %lt3A_760 : i1
        %and3A_762 = arith.andi %ne3A_761, %ne3A_756 : i1
        %add3A_763 = arith.addi %rem3A_754, %select_n3A_753 : i32
        %select_n3A_764 = arith.select %and3A_762, %add3A_763, %rem3A_754 : i32
        %mul3A_765 = arith.constant 8 : i32
        %mul3A_766 = arith.muli %select_n3A_764, %mul3A_765 : i32
        %multiple_of3A_767 = tpu.assume_multiple %mul3A_766, 8 : i32
        %add3A_768 = arith.addi %mul3A_13, %multiple_of3A_767 : i32
        %dma_start3A_769 = tpu.memref_slice %arg6[%select_n3A_748, %add3A_768] : memref<77x128xi32, #tpu.memory_space<vmem>> -> memref<1x8xi32, #tpu.memory_space<vmem>>
        %dma_start3A_770 = tpu.memref_squeeze %dma_start3A_769 : memref<1x8xi32, #tpu.memory_space<vmem>> -> memref<8xi32, #tpu.memory_space<vmem>>
        %dma_start3A_771 = arith.constant 0 : i32
        %dma_start3A_772 = arith.constant 0 : i32
        %dma_start3A_773 = tpu.memref_slice %arg3[%dma_start3A_771, %dma_start3A_772] : memref<49408x768xf32, #tpu.memory_space<hbm>> -> memref<49408x768xf32, #tpu.memory_space<hbm>>
        tpu.enqueue_indirect_dma source(%dma_start3A_773 : memref<49408x768xf32, #tpu.memory_space<hbm>>) target(%arg11 : memref<8x768xf32, #tpu.memory_space<vmem>>) offsets(%dma_start3A_770 : memref<8xi32, #tpu.memory_space<vmem>>) semaphore(%arg18 : memref<!tpu.dma_semaphore, #tpu.memory_space<semaphore_mem>>)
      } else {
      }
      %mul3A_501 = arith.constant 7 : i32
      %mul3A_502 = arith.muli %scan3A_218, %mul3A_501 : i32
      %add3A_503 = arith.constant 4 : i32
      %add3A_504 = arith.addi %mul3A_502, %add3A_503 : i32
      %dma_wait3A_505 = arith.constant 0 : i32
      %dma_wait3A_506 = arith.constant 0 : i32
      %dma_wait3A_507 = tpu.memref_slice %arg6[%dma_wait3A_505, %dma_wait3A_506] : memref<77x128xi32, #tpu.memory_space<vmem>> -> memref<1x8xi32, #tpu.memory_space<vmem>>
      %dma_wait3A_508 = tpu.memref_squeeze %dma_wait3A_507 : memref<1x8xi32, #tpu.memory_space<vmem>> -> memref<8xi32, #tpu.memory_space<vmem>>
      %dma_wait3A_509 = arith.constant 0 : i32
      %dma_wait3A_510 = arith.constant 0 : i32
      %dma_wait3A_511 = tpu.memref_slice %arg3[%dma_wait3A_509, %dma_wait3A_510] : memref<49408x768xf32, #tpu.memory_space<hbm>> -> memref<49408x768xf32, #tpu.memory_space<hbm>>
      tpu.wait_indirect_dma semaphore(%arg19 : memref<!tpu.dma_semaphore, #tpu.memory_space<semaphore_mem>>) src(%dma_wait3A_511 : memref<49408x768xf32, #tpu.memory_space<hbm>>) dst(%arg12 : memref<8x768xf32, #tpu.memory_space<vmem>>)
      %convert_element_type3A_512 = arith.extui %ne3A_149 : i1 to i32
      %cond3A_513 = arith.constant 0 : i32
      %cond3A_514 = arith.cmpi ne, %convert_element_type3A_512, %cond3A_513 : i32
      scf.if %cond3A_514 {
        %jit3A_714 = arith.constant 4 : i32
        %div3A_715 = arith.divsi %add3A_504, %jit3A_714 : i32
        %sign3A_716 = arith.constant 0 : i32
        %sign3A_717 = arith.cmpi sgt, %add3A_504, %sign3A_716 : i32
        %sign3A_718 = arith.extui %sign3A_717 : i1 to i32
        %sign3A_719 = arith.constant 0 : i32
        %sign3A_720 = arith.cmpi slt, %add3A_504, %sign3A_719 : i32
        %sign3A_721 = arith.extui %sign3A_720 : i1 to i32
        %sign3A_722 = arith.subi %sign3A_718, %sign3A_721 : i32
        %sign3A_723 = arith.constant 0 : i32
        %sign3A_724 = arith.cmpi sgt, %jit3A_714, %sign3A_723 : i32
        %sign3A_725 = arith.extui %sign3A_724 : i1 to i32
        %sign3A_726 = arith.constant 0 : i32
        %sign3A_727 = arith.cmpi slt, %jit3A_714, %sign3A_726 : i32
        %sign3A_728 = arith.extui %sign3A_727 : i1 to i32
        %sign3A_729 = arith.subi %sign3A_725, %sign3A_728 : i32
        %ne3A_730 = arith.cmpi ne, %sign3A_722, %sign3A_729 : i32
        %rem3A_731 = arith.remsi %add3A_504, %jit3A_714 : i32
        %ne3A_732 = arith.constant 0 : i32
        %ne3A_733 = arith.cmpi ne, %rem3A_731, %ne3A_732 : i32
        %and3A_734 = arith.andi %ne3A_730, %ne3A_733 : i1
        %sub3A_735 = arith.constant 1 : i32
        %sub3A_736 = arith.subi %div3A_715, %sub3A_735 : i32
        %select_n3A_737 = arith.select %and3A_734, %sub3A_736, %div3A_715 : i32
        %jit3A_738 = arith.constant 4 : i32
        %eq3A_739 = arith.constant 0 : i32
        %eq3A_740 = arith.cmpi eq, %jit3A_738, %eq3A_739 : i32
        %jit3A_741 = arith.constant 1 : i32
        %select_n3A_742 = arith.select %eq3A_740, %jit3A_741, %jit3A_738 : i32
        %rem3A_743 = arith.remsi %add3A_504, %select_n3A_742 : i32
        %ne3A_744 = arith.constant 0 : i32
        %ne3A_745 = arith.cmpi ne, %rem3A_743, %ne3A_744 : i32
        %lt3A_746 = arith.constant 0 : i32
        %lt3A_747 = arith.cmpi slt, %rem3A_743, %lt3A_746 : i32
        %lt3A_748 = arith.constant 0 : i32
        %lt3A_749 = arith.cmpi slt, %select_n3A_742, %lt3A_748 : i32
        %ne3A_750 = arith.xori %lt3A_747, %lt3A_749 : i1
        %and3A_751 = arith.andi %ne3A_750, %ne3A_745 : i1
        %add3A_752 = arith.addi %rem3A_743, %select_n3A_742 : i32
        %select_n3A_753 = arith.select %and3A_751, %add3A_752, %rem3A_743 : i32
        %mul3A_754 = arith.constant 8 : i32
        %mul3A_755 = arith.muli %select_n3A_753, %mul3A_754 : i32
        %multiple_of3A_756 = tpu.assume_multiple %mul3A_755, 8 : i32
        %scan3A_757 = arith.constant 0 : i32
        %scan3A_758 = arith.constant 0 : i32
        %scan3A_759 = arith.constant 48 : i32
        %scan3A_760 = arith.addi %scan3A_758, %scan3A_759 : i32
        %scan3A_761 = arith.constant 1 : i32
        %scan3A_762 = scf.for %scan3A_764 = %scan3A_758 to %scan3A_760 step %scan3A_761 iter_args(%scan3A_765 = %scan3A_757) -> (i32)  : i32 {
          %mul3A_766 = arith.constant 16 : i32
          %mul3A_767 = arith.muli %scan3A_764, %mul3A_766 : i32
          %get3A = arith.index_cast %select_n3A_737 : i32 to index
          %get3A_768 = arith.index_cast %mul3A_767 : i32 to index
          %get3A_769 = tpu.vector_load %arg7[%get3A, %get3A_768] {strides = array<i32>} : memref<80x768xf32, #tpu.memory_space<vmem>>, vector<1x16xf32>,
          %get3A_770 = vector.shape_cast %get3A_769 : vector<1x16xf32> to vector<16xf32>
          %scan3A_771 = arith.constant 0 : i32
          %scan3A_772 = arith.constant 0 : i32
          %scan3A_773 = arith.constant 8 : i32
          %scan3A_774 = arith.addi %scan3A_772, %scan3A_773 : i32
          %scan3A_775 = arith.constant 1 : i32
          %scan3A_776 = scf.for %scan3A_778 = %scan3A_772 to %scan3A_774 step %scan3A_775 iter_args(%scan3A_779 = %scan3A_771) -> (i32)  : i32 {
            %get3A_780 = arith.index_cast %scan3A_778 : i32 to index
            %get3A_781 = arith.index_cast %mul3A_767 : i32 to index
            %get3A_782 = tpu.vector_load %arg12[%get3A_780, %get3A_781] {strides = array<i32>} : memref<8x768xf32, #tpu.memory_space<vmem>>, vector<1x16xf32>,
            %get3A_783 = vector.shape_cast %get3A_782 : vector<1x16xf32> to vector<16xf32>
            %add3A_784 = arith.addf %get3A_783, %get3A_770 : vector<16xf32>
            %swap3A = arith.index_cast %scan3A_778 : i32 to index
            %swap3A_785 = arith.index_cast %mul3A_767 : i32 to index
            %swap3A_786 = tpu.vector_load %arg12[%swap3A, %swap3A_785] {strides = array<i32>} : memref<8x768xf32, #tpu.memory_space<vmem>>, vector<1x16xf32>,
            %swap3A_787 = vector.shape_cast %swap3A_786 : vector<1x16xf32> to vector<16xf32>
            %swap3A_788 = vector.shape_cast %add3A_784 : vector<16xf32> to vector<1x16xf32>
            tpu.vector_store %arg12[%swap3A, %swap3A_785], %swap3A_788 {strides = array<i32>} : memref<8x768xf32, #tpu.memory_space<vmem>>, vector<1x16xf32>,
            %scan3A_789 = arith.constant 0 : i32
            scf.yield %scan3A_789 : i32
          }
          %scan3A_777 = arith.constant 8 : i32
          scf.yield %scan3A_776 : i32
        }
        %scan3A_763 = arith.constant 48 : i32
      } else {
      }
      %jit3A_515 = arith.constant 4 : i32
      %div3A_516 = arith.divsi %add3A_504, %jit3A_515 : i32
      %sign3A_517 = arith.constant 0 : i32
      %sign3A_518 = arith.cmpi sgt, %add3A_504, %sign3A_517 : i32
      %sign3A_519 = arith.extui %sign3A_518 : i1 to i32
      %sign3A_520 = arith.constant 0 : i32
      %sign3A_521 = arith.cmpi slt, %add3A_504, %sign3A_520 : i32
      %sign3A_522 = arith.extui %sign3A_521 : i1 to i32
      %sign3A_523 = arith.subi %sign3A_519, %sign3A_522 : i32
      %sign3A_524 = arith.constant 0 : i32
      %sign3A_525 = arith.cmpi sgt, %jit3A_515, %sign3A_524 : i32
      %sign3A_526 = arith.extui %sign3A_525 : i1 to i32
      %sign3A_527 = arith.constant 0 : i32
      %sign3A_528 = arith.cmpi slt, %jit3A_515, %sign3A_527 : i32
      %sign3A_529 = arith.extui %sign3A_528 : i1 to i32
      %sign3A_530 = arith.subi %sign3A_526, %sign3A_529 : i32
      %ne3A_531 = arith.cmpi ne, %sign3A_523, %sign3A_530 : i32
      %rem3A_532 = arith.remsi %add3A_504, %jit3A_515 : i32
      %ne3A_533 = arith.constant 0 : i32
      %ne3A_534 = arith.cmpi ne, %rem3A_532, %ne3A_533 : i32
      %and3A_535 = arith.andi %ne3A_531, %ne3A_534 : i1
      %sub3A_536 = arith.constant 1 : i32
      %sub3A_537 = arith.subi %div3A_516, %sub3A_536 : i32
      %select_n3A_538 = arith.select %and3A_535, %sub3A_537, %div3A_516 : i32
      %jit3A_539 = arith.constant 4 : i32
      %eq3A_540 = arith.constant 0 : i32
      %eq3A_541 = arith.cmpi eq, %jit3A_539, %eq3A_540 : i32
      %jit3A_542 = arith.constant 1 : i32
      %select_n3A_543 = arith.select %eq3A_541, %jit3A_542, %jit3A_539 : i32
      %rem3A_544 = arith.remsi %add3A_504, %select_n3A_543 : i32
      %ne3A_545 = arith.constant 0 : i32
      %ne3A_546 = arith.cmpi ne, %rem3A_544, %ne3A_545 : i32
      %lt3A_547 = arith.constant 0 : i32
      %lt3A_548 = arith.cmpi slt, %rem3A_544, %lt3A_547 : i32
      %lt3A_549 = arith.constant 0 : i32
      %lt3A_550 = arith.cmpi slt, %select_n3A_543, %lt3A_549 : i32
      %ne3A_551 = arith.xori %lt3A_548, %lt3A_550 : i1
      %and3A_552 = arith.andi %ne3A_551, %ne3A_546 : i1
      %add3A_553 = arith.addi %rem3A_544, %select_n3A_543 : i32
      %select_n3A_554 = arith.select %and3A_552, %add3A_553, %rem3A_544 : i32
      %mul3A_555 = arith.constant 8 : i32
      %mul3A_556 = arith.muli %select_n3A_554, %mul3A_555 : i32
      %multiple_of3A_557 = tpu.assume_multiple %mul3A_556, 8 : i32
      %add3A_558 = arith.addi %mul3A_2, %multiple_of3A_557 : i32
      %dma_start3A_559 = arith.constant 0 : i32
      %dma_start3A_560 = tpu.memref_slice %arg5[%select_n3A_538, %add3A_558, %dma_start3A_559] : memref<77x1024x768xf32, #tpu.memory_space<hbm>> -> memref<1x8x768xf32, #tpu.memory_space<hbm>>
      %dma_start3A_561 = tpu.memref_squeeze %dma_start3A_560 : memref<1x8x768xf32, #tpu.memory_space<hbm>> -> memref<8x768xf32, #tpu.memory_space<hbm>>
      %dma_start3A_562 = arith.constant 0 : i32
      %dma_start3A_563 = tpu.memref_slice %arg5[%select_n3A_538, %add3A_558, %dma_start3A_562] : memref<77x1024x768xf32, #tpu.memory_space<hbm>> -> memref<1x8x768xf32, #tpu.memory_space<hbm>>
      %dma_start3A_564 = tpu.memref_squeeze %dma_start3A_563 : memref<1x8x768xf32, #tpu.memory_space<hbm>> -> memref<8x768xf32, #tpu.memory_space<hbm>>
      tpu.enqueue_dma source(%arg12 : memref<8x768xf32, #tpu.memory_space<vmem>>) target(%dma_start3A_564 : memref<8x768xf32, #tpu.memory_space<hbm>>) target_semaphore(%arg26 : memref<!tpu.dma_semaphore, #tpu.memory_space<semaphore_mem>>)
      %add3A_565 = arith.constant 7 : i32
      %add3A_566 = arith.addi %add3A_504, %add3A_565 : i32
      %lt3A_567 = arith.constant 308 : i32
      %lt3A_568 = arith.cmpi slt, %add3A_566, %lt3A_567 : i32
      %convert_element_type3A_569 = arith.extui %lt3A_568 : i1 to i32
      %cond3A_570 = arith.constant 0 : i32
      %cond3A_571 = arith.cmpi ne, %convert_element_type3A_569, %cond3A_570 : i32
      scf.if %cond3A_571 {
        %dma_wait3A_714 = arith.constant 0 : i32
        %dma_wait3A_715 = arith.constant 0 : i32
        %dma_wait3A_716 = arith.constant 0 : i32
        %dma_wait3A_717 = tpu.memref_slice %arg5[%dma_wait3A_714, %dma_wait3A_715, %dma_wait3A_716] : memref<77x1024x768xf32, #tpu.memory_space<hbm>> -> memref<1x8x768xf32, #tpu.memory_space<hbm>>
        %dma_wait3A_718 = tpu.memref_squeeze %dma_wait3A_717 : memref<1x8x768xf32, #tpu.memory_space<hbm>> -> memref<8x768xf32, #tpu.memory_space<hbm>>
        %dma_wait3A_719 = arith.constant 0 : i32
        %dma_wait3A_720 = arith.constant 0 : i32
        %dma_wait3A_721 = tpu.memref_slice %arg5[%dma_wait3A_714, %dma_wait3A_719, %dma_wait3A_720] : memref<77x1024x768xf32, #tpu.memory_space<hbm>> -> memref<1x8x768xf32, #tpu.memory_space<hbm>>
        %dma_wait3A_722 = tpu.memref_squeeze %dma_wait3A_721 : memref<1x8x768xf32, #tpu.memory_space<hbm>> -> memref<8x768xf32, #tpu.memory_space<hbm>>
        tpu.wait_dma2 semaphore(%arg26 : memref<!tpu.dma_semaphore, #tpu.memory_space<semaphore_mem>>) src(%arg12 : memref<8x768xf32, #tpu.memory_space<vmem>>) dst(%dma_wait3A_722 : memref<8x768xf32, #tpu.memory_space<hbm>>)
        %add3A_723 = arith.constant 7 : i32
        %add3A_724 = arith.addi %add3A_504, %add3A_723 : i32
        %jit3A_725 = arith.constant 4 : i32
        %div3A_726 = arith.divsi %add3A_724, %jit3A_725 : i32
        %sign3A_727 = arith.constant 0 : i32
        %sign3A_728 = arith.cmpi sgt, %add3A_724, %sign3A_727 : i32
        %sign3A_729 = arith.extui %sign3A_728 : i1 to i32
        %sign3A_730 = arith.constant 0 : i32
        %sign3A_731 = arith.cmpi slt, %add3A_724, %sign3A_730 : i32
        %sign3A_732 = arith.extui %sign3A_731 : i1 to i32
        %sign3A_733 = arith.subi %sign3A_729, %sign3A_732 : i32
        %sign3A_734 = arith.constant 0 : i32
        %sign3A_735 = arith.cmpi sgt, %jit3A_725, %sign3A_734 : i32
        %sign3A_736 = arith.extui %sign3A_735 : i1 to i32
        %sign3A_737 = arith.constant 0 : i32
        %sign3A_738 = arith.cmpi slt, %jit3A_725, %sign3A_737 : i32
        %sign3A_739 = arith.extui %sign3A_738 : i1 to i32
        %sign3A_740 = arith.subi %sign3A_736, %sign3A_739 : i32
        %ne3A_741 = arith.cmpi ne, %sign3A_733, %sign3A_740 : i32
        %rem3A_742 = arith.remsi %add3A_724, %jit3A_725 : i32
        %ne3A_743 = arith.constant 0 : i32
        %ne3A_744 = arith.cmpi ne, %rem3A_742, %ne3A_743 : i32
        %and3A_745 = arith.andi %ne3A_741, %ne3A_744 : i1
        %sub3A_746 = arith.constant 1 : i32
        %sub3A_747 = arith.subi %div3A_726, %sub3A_746 : i32
        %select_n3A_748 = arith.select %and3A_745, %sub3A_747, %div3A_726 : i32
        %jit3A_749 = arith.constant 4 : i32
        %eq3A_750 = arith.constant 0 : i32
        %eq3A_751 = arith.cmpi eq, %jit3A_749, %eq3A_750 : i32
        %jit3A_752 = arith.constant 1 : i32
        %select_n3A_753 = arith.select %eq3A_751, %jit3A_752, %jit3A_749 : i32
        %rem3A_754 = arith.remsi %add3A_724, %select_n3A_753 : i32
        %ne3A_755 = arith.constant 0 : i32
        %ne3A_756 = arith.cmpi ne, %rem3A_754, %ne3A_755 : i32
        %lt3A_757 = arith.constant 0 : i32
        %lt3A_758 = arith.cmpi slt, %rem3A_754, %lt3A_757 : i32
        %lt3A_759 = arith.constant 0 : i32
        %lt3A_760 = arith.cmpi slt, %select_n3A_753, %lt3A_759 : i32
        %ne3A_761 = arith.xori %lt3A_758, %lt3A_760 : i1
        %and3A_762 = arith.andi %ne3A_761, %ne3A_756 : i1
        %add3A_763 = arith.addi %rem3A_754, %select_n3A_753 : i32
        %select_n3A_764 = arith.select %and3A_762, %add3A_763, %rem3A_754 : i32
        %mul3A_765 = arith.constant 8 : i32
        %mul3A_766 = arith.muli %select_n3A_764, %mul3A_765 : i32
        %multiple_of3A_767 = tpu.assume_multiple %mul3A_766, 8 : i32
        %add3A_768 = arith.addi %mul3A_13, %multiple_of3A_767 : i32
        %dma_start3A_769 = tpu.memref_slice %arg6[%select_n3A_748, %add3A_768] : memref<77x128xi32, #tpu.memory_space<vmem>> -> memref<1x8xi32, #tpu.memory_space<vmem>>
        %dma_start3A_770 = tpu.memref_squeeze %dma_start3A_769 : memref<1x8xi32, #tpu.memory_space<vmem>> -> memref<8xi32, #tpu.memory_space<vmem>>
        %dma_start3A_771 = arith.constant 0 : i32
        %dma_start3A_772 = arith.constant 0 : i32
        %dma_start3A_773 = tpu.memref_slice %arg3[%dma_start3A_771, %dma_start3A_772] : memref<49408x768xf32, #tpu.memory_space<hbm>> -> memref<49408x768xf32, #tpu.memory_space<hbm>>
        tpu.enqueue_indirect_dma source(%dma_start3A_773 : memref<49408x768xf32, #tpu.memory_space<hbm>>) target(%arg12 : memref<8x768xf32, #tpu.memory_space<vmem>>) offsets(%dma_start3A_770 : memref<8xi32, #tpu.memory_space<vmem>>) semaphore(%arg19 : memref<!tpu.dma_semaphore, #tpu.memory_space<semaphore_mem>>)
      } else {
      }
      %mul3A_572 = arith.constant 7 : i32
      %mul3A_573 = arith.muli %scan3A_218, %mul3A_572 : i32
      %add3A_574 = arith.constant 5 : i32
      %add3A_575 = arith.addi %mul3A_573, %add3A_574 : i32
      %dma_wait3A_576 = arith.constant 0 : i32
      %dma_wait3A_577 = arith.constant 0 : i32
      %dma_wait3A_578 = tpu.memref_slice %arg6[%dma_wait3A_576, %dma_wait3A_577] : memref<77x128xi32, #tpu.memory_space<vmem>> -> memref<1x8xi32, #tpu.memory_space<vmem>>
      %dma_wait3A_579 = tpu.memref_squeeze %dma_wait3A_578 : memref<1x8xi32, #tpu.memory_space<vmem>> -> memref<8xi32, #tpu.memory_space<vmem>>
      %dma_wait3A_580 = arith.constant 0 : i32
      %dma_wait3A_581 = arith.constant 0 : i32
      %dma_wait3A_582 = tpu.memref_slice %arg3[%dma_wait3A_580, %dma_wait3A_581] : memref<49408x768xf32, #tpu.memory_space<hbm>> -> memref<49408x768xf32, #tpu.memory_space<hbm>>
      tpu.wait_indirect_dma semaphore(%arg20 : memref<!tpu.dma_semaphore, #tpu.memory_space<semaphore_mem>>) src(%dma_wait3A_582 : memref<49408x768xf32, #tpu.memory_space<hbm>>) dst(%arg13 : memref<8x768xf32, #tpu.memory_space<vmem>>)
      %convert_element_type3A_583 = arith.extui %ne3A_149 : i1 to i32
      %cond3A_584 = arith.constant 0 : i32
      %cond3A_585 = arith.cmpi ne, %convert_element_type3A_583, %cond3A_584 : i32
      scf.if %cond3A_585 {
        %jit3A_714 = arith.constant 4 : i32
        %div3A_715 = arith.divsi %add3A_575, %jit3A_714 : i32
        %sign3A_716 = arith.constant 0 : i32
        %sign3A_717 = arith.cmpi sgt, %add3A_575, %sign3A_716 : i32
        %sign3A_718 = arith.extui %sign3A_717 : i1 to i32
        %sign3A_719 = arith.constant 0 : i32
        %sign3A_720 = arith.cmpi slt, %add3A_575, %sign3A_719 : i32
        %sign3A_721 = arith.extui %sign3A_720 : i1 to i32
        %sign3A_722 = arith.subi %sign3A_718, %sign3A_721 : i32
        %sign3A_723 = arith.constant 0 : i32
        %sign3A_724 = arith.cmpi sgt, %jit3A_714, %sign3A_723 : i32
        %sign3A_725 = arith.extui %sign3A_724 : i1 to i32
        %sign3A_726 = arith.constant 0 : i32
        %sign3A_727 = arith.cmpi slt, %jit3A_714, %sign3A_726 : i32
        %sign3A_728 = arith.extui %sign3A_727 : i1 to i32
        %sign3A_729 = arith.subi %sign3A_725, %sign3A_728 : i32
        %ne3A_730 = arith.cmpi ne, %sign3A_722, %sign3A_729 : i32
        %rem3A_731 = arith.remsi %add3A_575, %jit3A_714 : i32
        %ne3A_732 = arith.constant 0 : i32
        %ne3A_733 = arith.cmpi ne, %rem3A_731, %ne3A_732 : i32
        %and3A_734 = arith.andi %ne3A_730, %ne3A_733 : i1
        %sub3A_735 = arith.constant 1 : i32
        %sub3A_736 = arith.subi %div3A_715, %sub3A_735 : i32
        %select_n3A_737 = arith.select %and3A_734, %sub3A_736, %div3A_715 : i32
        %jit3A_738 = arith.constant 4 : i32
        %eq3A_739 = arith.constant 0 : i32
        %eq3A_740 = arith.cmpi eq, %jit3A_738, %eq3A_739 : i32
        %jit3A_741 = arith.constant 1 : i32
        %select_n3A_742 = arith.select %eq3A_740, %jit3A_741, %jit3A_738 : i32
        %rem3A_743 = arith.remsi %add3A_575, %select_n3A_742 : i32
        %ne3A_744 = arith.constant 0 : i32
        %ne3A_745 = arith.cmpi ne, %rem3A_743, %ne3A_744 : i32
        %lt3A_746 = arith.constant 0 : i32
        %lt3A_747 = arith.cmpi slt, %rem3A_743, %lt3A_746 : i32
        %lt3A_748 = arith.constant 0 : i32
        %lt3A_749 = arith.cmpi slt, %select_n3A_742, %lt3A_748 : i32
        %ne3A_750 = arith.xori %lt3A_747, %lt3A_749 : i1
        %and3A_751 = arith.andi %ne3A_750, %ne3A_745 : i1
        %add3A_752 = arith.addi %rem3A_743, %select_n3A_742 : i32
        %select_n3A_753 = arith.select %and3A_751, %add3A_752, %rem3A_743 : i32
        %mul3A_754 = arith.constant 8 : i32
        %mul3A_755 = arith.muli %select_n3A_753, %mul3A_754 : i32
        %multiple_of3A_756 = tpu.assume_multiple %mul3A_755, 8 : i32
        %scan3A_757 = arith.constant 0 : i32
        %scan3A_758 = arith.constant 0 : i32
        %scan3A_759 = arith.constant 48 : i32
        %scan3A_760 = arith.addi %scan3A_758, %scan3A_759 : i32
        %scan3A_761 = arith.constant 1 : i32
        %scan3A_762 = scf.for %scan3A_764 = %scan3A_758 to %scan3A_760 step %scan3A_761 iter_args(%scan3A_765 = %scan3A_757) -> (i32)  : i32 {
          %mul3A_766 = arith.constant 16 : i32
          %mul3A_767 = arith.muli %scan3A_764, %mul3A_766 : i32
          %get3A = arith.index_cast %select_n3A_737 : i32 to index
          %get3A_768 = arith.index_cast %mul3A_767 : i32 to index
          %get3A_769 = tpu.vector_load %arg7[%get3A, %get3A_768] {strides = array<i32>} : memref<80x768xf32, #tpu.memory_space<vmem>>, vector<1x16xf32>,
          %get3A_770 = vector.shape_cast %get3A_769 : vector<1x16xf32> to vector<16xf32>
          %scan3A_771 = arith.constant 0 : i32
          %scan3A_772 = arith.constant 0 : i32
          %scan3A_773 = arith.constant 8 : i32
          %scan3A_774 = arith.addi %scan3A_772, %scan3A_773 : i32
          %scan3A_775 = arith.constant 1 : i32
          %scan3A_776 = scf.for %scan3A_778 = %scan3A_772 to %scan3A_774 step %scan3A_775 iter_args(%scan3A_779 = %scan3A_771) -> (i32)  : i32 {
            %get3A_780 = arith.index_cast %scan3A_778 : i32 to index
            %get3A_781 = arith.index_cast %mul3A_767 : i32 to index
            %get3A_782 = tpu.vector_load %arg13[%get3A_780, %get3A_781] {strides = array<i32>} : memref<8x768xf32, #tpu.memory_space<vmem>>, vector<1x16xf32>,
            %get3A_783 = vector.shape_cast %get3A_782 : vector<1x16xf32> to vector<16xf32>
            %add3A_784 = arith.addf %get3A_783, %get3A_770 : vector<16xf32>
            %swap3A = arith.index_cast %scan3A_778 : i32 to index
            %swap3A_785 = arith.index_cast %mul3A_767 : i32 to index
            %swap3A_786 = tpu.vector_load %arg13[%swap3A, %swap3A_785] {strides = array<i32>} : memref<8x768xf32, #tpu.memory_space<vmem>>, vector<1x16xf32>,
            %swap3A_787 = vector.shape_cast %swap3A_786 : vector<1x16xf32> to vector<16xf32>
            %swap3A_788 = vector.shape_cast %add3A_784 : vector<16xf32> to vector<1x16xf32>
            tpu.vector_store %arg13[%swap3A, %swap3A_785], %swap3A_788 {strides = array<i32>} : memref<8x768xf32, #tpu.memory_space<vmem>>, vector<1x16xf32>,
            %scan3A_789 = arith.constant 0 : i32
            scf.yield %scan3A_789 : i32
          }
          %scan3A_777 = arith.constant 8 : i32
          scf.yield %scan3A_776 : i32
        }
        %scan3A_763 = arith.constant 48 : i32
      } else {
      }
      %jit3A_586 = arith.constant 4 : i32
      %div3A_587 = arith.divsi %add3A_575, %jit3A_586 : i32
      %sign3A_588 = arith.constant 0 : i32
      %sign3A_589 = arith.cmpi sgt, %add3A_575, %sign3A_588 : i32
      %sign3A_590 = arith.extui %sign3A_589 : i1 to i32
      %sign3A_591 = arith.constant 0 : i32
      %sign3A_592 = arith.cmpi slt, %add3A_575, %sign3A_591 : i32
      %sign3A_593 = arith.extui %sign3A_592 : i1 to i32
      %sign3A_594 = arith.subi %sign3A_590, %sign3A_593 : i32
      %sign3A_595 = arith.constant 0 : i32
      %sign3A_596 = arith.cmpi sgt, %jit3A_586, %sign3A_595 : i32
      %sign3A_597 = arith.extui %sign3A_596 : i1 to i32
      %sign3A_598 = arith.constant 0 : i32
      %sign3A_599 = arith.cmpi slt, %jit3A_586, %sign3A_598 : i32
      %sign3A_600 = arith.extui %sign3A_599 : i1 to i32
      %sign3A_601 = arith.subi %sign3A_597, %sign3A_600 : i32
      %ne3A_602 = arith.cmpi ne, %sign3A_594, %sign3A_601 : i32
      %rem3A_603 = arith.remsi %add3A_575, %jit3A_586 : i32
      %ne3A_604 = arith.constant 0 : i32
      %ne3A_605 = arith.cmpi ne, %rem3A_603, %ne3A_604 : i32
      %and3A_606 = arith.andi %ne3A_602, %ne3A_605 : i1
      %sub3A_607 = arith.constant 1 : i32
      %sub3A_608 = arith.subi %div3A_587, %sub3A_607 : i32
      %select_n3A_609 = arith.select %and3A_606, %sub3A_608, %div3A_587 : i32
      %jit3A_610 = arith.constant 4 : i32
      %eq3A_611 = arith.constant 0 : i32
      %eq3A_612 = arith.cmpi eq, %jit3A_610, %eq3A_611 : i32
      %jit3A_613 = arith.constant 1 : i32
      %select_n3A_614 = arith.select %eq3A_612, %jit3A_613, %jit3A_610 : i32
      %rem3A_615 = arith.remsi %add3A_575, %select_n3A_614 : i32
      %ne3A_616 = arith.constant 0 : i32
      %ne3A_617 = arith.cmpi ne, %rem3A_615, %ne3A_616 : i32
      %lt3A_618 = arith.constant 0 : i32
      %lt3A_619 = arith.cmpi slt, %rem3A_615, %lt3A_618 : i32
      %lt3A_620 = arith.constant 0 : i32
      %lt3A_621 = arith.cmpi slt, %select_n3A_614, %lt3A_620 : i32
      %ne3A_622 = arith.xori %lt3A_619, %lt3A_621 : i1
      %and3A_623 = arith.andi %ne3A_622, %ne3A_617 : i1
      %add3A_624 = arith.addi %rem3A_615, %select_n3A_614 : i32
      %select_n3A_625 = arith.select %and3A_623, %add3A_624, %rem3A_615 : i32
      %mul3A_626 = arith.constant 8 : i32
      %mul3A_627 = arith.muli %select_n3A_625, %mul3A_626 : i32
      %multiple_of3A_628 = tpu.assume_multiple %mul3A_627, 8 : i32
      %add3A_629 = arith.addi %mul3A_2, %multiple_of3A_628 : i32
      %dma_start3A_630 = arith.constant 0 : i32
      %dma_start3A_631 = tpu.memref_slice %arg5[%select_n3A_609, %add3A_629, %dma_start3A_630] : memref<77x1024x768xf32, #tpu.memory_space<hbm>> -> memref<1x8x768xf32, #tpu.memory_space<hbm>>
      %dma_start3A_632 = tpu.memref_squeeze %dma_start3A_631 : memref<1x8x768xf32, #tpu.memory_space<hbm>> -> memref<8x768xf32, #tpu.memory_space<hbm>>
      %dma_start3A_633 = arith.constant 0 : i32
      %dma_start3A_634 = tpu.memref_slice %arg5[%select_n3A_609, %add3A_629, %dma_start3A_633] : memref<77x1024x768xf32, #tpu.memory_space<hbm>> -> memref<1x8x768xf32, #tpu.memory_space<hbm>>
      %dma_start3A_635 = tpu.memref_squeeze %dma_start3A_634 : memref<1x8x768xf32, #tpu.memory_space<hbm>> -> memref<8x768xf32, #tpu.memory_space<hbm>>
      tpu.enqueue_dma source(%arg13 : memref<8x768xf32, #tpu.memory_space<vmem>>) target(%dma_start3A_635 : memref<8x768xf32, #tpu.memory_space<hbm>>) target_semaphore(%arg27 : memref<!tpu.dma_semaphore, #tpu.memory_space<semaphore_mem>>)
      %add3A_636 = arith.constant 7 : i32
      %add3A_637 = arith.addi %add3A_575, %add3A_636 : i32
      %lt3A_638 = arith.constant 308 : i32
      %lt3A_639 = arith.cmpi slt, %add3A_637, %lt3A_638 : i32
      %convert_element_type3A_640 = arith.extui %lt3A_639 : i1 to i32
      %cond3A_641 = arith.constant 0 : i32
      %cond3A_642 = arith.cmpi ne, %convert_element_type3A_640, %cond3A_641 : i32
      scf.if %cond3A_642 {
        %dma_wait3A_714 = arith.constant 0 : i32
        %dma_wait3A_715 = arith.constant 0 : i32
        %dma_wait3A_716 = arith.constant 0 : i32
        %dma_wait3A_717 = tpu.memref_slice %arg5[%dma_wait3A_714, %dma_wait3A_715, %dma_wait3A_716] : memref<77x1024x768xf32, #tpu.memory_space<hbm>> -> memref<1x8x768xf32, #tpu.memory_space<hbm>>
        %dma_wait3A_718 = tpu.memref_squeeze %dma_wait3A_717 : memref<1x8x768xf32, #tpu.memory_space<hbm>> -> memref<8x768xf32, #tpu.memory_space<hbm>>
        %dma_wait3A_719 = arith.constant 0 : i32
        %dma_wait3A_720 = arith.constant 0 : i32
        %dma_wait3A_721 = tpu.memref_slice %arg5[%dma_wait3A_714, %dma_wait3A_719, %dma_wait3A_720] : memref<77x1024x768xf32, #tpu.memory_space<hbm>> -> memref<1x8x768xf32, #tpu.memory_space<hbm>>
        %dma_wait3A_722 = tpu.memref_squeeze %dma_wait3A_721 : memref<1x8x768xf32, #tpu.memory_space<hbm>> -> memref<8x768xf32, #tpu.memory_space<hbm>>
        tpu.wait_dma2 semaphore(%arg27 : memref<!tpu.dma_semaphore, #tpu.memory_space<semaphore_mem>>) src(%arg13 : memref<8x768xf32, #tpu.memory_space<vmem>>) dst(%dma_wait3A_722 : memref<8x768xf32, #tpu.memory_space<hbm>>)
        %add3A_723 = arith.constant 7 : i32
        %add3A_724 = arith.addi %add3A_575, %add3A_723 : i32
        %jit3A_725 = arith.constant 4 : i32
        %div3A_726 = arith.divsi %add3A_724, %jit3A_725 : i32
        %sign3A_727 = arith.constant 0 : i32
        %sign3A_728 = arith.cmpi sgt, %add3A_724, %sign3A_727 : i32
        %sign3A_729 = arith.extui %sign3A_728 : i1 to i32
        %sign3A_730 = arith.constant 0 : i32
        %sign3A_731 = arith.cmpi slt, %add3A_724, %sign3A_730 : i32
        %sign3A_732 = arith.extui %sign3A_731 : i1 to i32
        %sign3A_733 = arith.subi %sign3A_729, %sign3A_732 : i32
        %sign3A_734 = arith.constant 0 : i32
        %sign3A_735 = arith.cmpi sgt, %jit3A_725, %sign3A_734 : i32
        %sign3A_736 = arith.extui %sign3A_735 : i1 to i32
        %sign3A_737 = arith.constant 0 : i32
        %sign3A_738 = arith.cmpi slt, %jit3A_725, %sign3A_737 : i32
        %sign3A_739 = arith.extui %sign3A_738 : i1 to i32
        %sign3A_740 = arith.subi %sign3A_736, %sign3A_739 : i32
        %ne3A_741 = arith.cmpi ne, %sign3A_733, %sign3A_740 : i32
        %rem3A_742 = arith.remsi %add3A_724, %jit3A_725 : i32
        %ne3A_743 = arith.constant 0 : i32
        %ne3A_744 = arith.cmpi ne, %rem3A_742, %ne3A_743 : i32
        %and3A_745 = arith.andi %ne3A_741, %ne3A_744 : i1
        %sub3A_746 = arith.constant 1 : i32
        %sub3A_747 = arith.subi %div3A_726, %sub3A_746 : i32
        %select_n3A_748 = arith.select %and3A_745, %sub3A_747, %div3A_726 : i32
        %jit3A_749 = arith.constant 4 : i32
        %eq3A_750 = arith.constant 0 : i32
        %eq3A_751 = arith.cmpi eq, %jit3A_749, %eq3A_750 : i32
        %jit3A_752 = arith.constant 1 : i32
        %select_n3A_753 = arith.select %eq3A_751, %jit3A_752, %jit3A_749 : i32
        %rem3A_754 = arith.remsi %add3A_724, %select_n3A_753 : i32
        %ne3A_755 = arith.constant 0 : i32
        %ne3A_756 = arith.cmpi ne, %rem3A_754, %ne3A_755 : i32
        %lt3A_757 = arith.constant 0 : i32
        %lt3A_758 = arith.cmpi slt, %rem3A_754, %lt3A_757 : i32
        %lt3A_759 = arith.constant 0 : i32
        %lt3A_760 = arith.cmpi slt, %select_n3A_753, %lt3A_759 : i32
        %ne3A_761 = arith.xori %lt3A_758, %lt3A_760 : i1
        %and3A_762 = arith.andi %ne3A_761, %ne3A_756 : i1
        %add3A_763 = arith.addi %rem3A_754, %select_n3A_753 : i32
        %select_n3A_764 = arith.select %and3A_762, %add3A_763, %rem3A_754 : i32
        %mul3A_765 = arith.constant 8 : i32
        %mul3A_766 = arith.muli %select_n3A_764, %mul3A_765 : i32
        %multiple_of3A_767 = tpu.assume_multiple %mul3A_766, 8 : i32
        %add3A_768 = arith.addi %mul3A_13, %multiple_of3A_767 : i32
        %dma_start3A_769 = tpu.memref_slice %arg6[%select_n3A_748, %add3A_768] : memref<77x128xi32, #tpu.memory_space<vmem>> -> memref<1x8xi32, #tpu.memory_space<vmem>>
        %dma_start3A_770 = tpu.memref_squeeze %dma_start3A_769 : memref<1x8xi32, #tpu.memory_space<vmem>> -> memref<8xi32, #tpu.memory_space<vmem>>
        %dma_start3A_771 = arith.constant 0 : i32
        %dma_start3A_772 = arith.constant 0 : i32
        %dma_start3A_773 = tpu.memref_slice %arg3[%dma_start3A_771, %dma_start3A_772] : memref<49408x768xf32, #tpu.memory_space<hbm>> -> memref<49408x768xf32, #tpu.memory_space<hbm>>
        tpu.enqueue_indirect_dma source(%dma_start3A_773 : memref<49408x768xf32, #tpu.memory_space<hbm>>) target(%arg13 : memref<8x768xf32, #tpu.memory_space<vmem>>) offsets(%dma_start3A_770 : memref<8xi32, #tpu.memory_space<vmem>>) semaphore(%arg20 : memref<!tpu.dma_semaphore, #tpu.memory_space<semaphore_mem>>)
      } else {
      }
      %mul3A_643 = arith.constant 7 : i32
      %mul3A_644 = arith.muli %scan3A_218, %mul3A_643 : i32
      %add3A_645 = arith.constant 6 : i32
      %add3A_646 = arith.addi %mul3A_644, %add3A_645 : i32
      %dma_wait3A_647 = arith.constant 0 : i32
      %dma_wait3A_648 = arith.constant 0 : i32
      %dma_wait3A_649 = tpu.memref_slice %arg6[%dma_wait3A_647, %dma_wait3A_648] : memref<77x128xi32, #tpu.memory_space<vmem>> -> memref<1x8xi32, #tpu.memory_space<vmem>>
      %dma_wait3A_650 = tpu.memref_squeeze %dma_wait3A_649 : memref<1x8xi32, #tpu.memory_space<vmem>> -> memref<8xi32, #tpu.memory_space<vmem>>
      %dma_wait3A_651 = arith.constant 0 : i32
      %dma_wait3A_652 = arith.constant 0 : i32
      %dma_wait3A_653 = tpu.memref_slice %arg3[%dma_wait3A_651, %dma_wait3A_652] : memref<49408x768xf32, #tpu.memory_space<hbm>> -> memref<49408x768xf32, #tpu.memory_space<hbm>>
      tpu.wait_indirect_dma semaphore(%arg21 : memref<!tpu.dma_semaphore, #tpu.memory_space<semaphore_mem>>) src(%dma_wait3A_653 : memref<49408x768xf32, #tpu.memory_space<hbm>>) dst(%arg14 : memref<8x768xf32, #tpu.memory_space<vmem>>)
      %convert_element_type3A_654 = arith.extui %ne3A_149 : i1 to i32
      %cond3A_655 = arith.constant 0 : i32
      %cond3A_656 = arith.cmpi ne, %convert_element_type3A_654, %cond3A_655 : i32
      scf.if %cond3A_656 {
        %jit3A_714 = arith.constant 4 : i32
        %div3A_715 = arith.divsi %add3A_646, %jit3A_714 : i32
        %sign3A_716 = arith.constant 0 : i32
        %sign3A_717 = arith.cmpi sgt, %add3A_646, %sign3A_716 : i32
        %sign3A_718 = arith.extui %sign3A_717 : i1 to i32
        %sign3A_719 = arith.constant 0 : i32
        %sign3A_720 = arith.cmpi slt, %add3A_646, %sign3A_719 : i32
        %sign3A_721 = arith.extui %sign3A_720 : i1 to i32
        %sign3A_722 = arith.subi %sign3A_718, %sign3A_721 : i32
        %sign3A_723 = arith.constant 0 : i32
        %sign3A_724 = arith.cmpi sgt, %jit3A_714, %sign3A_723 : i32
        %sign3A_725 = arith.extui %sign3A_724 : i1 to i32
        %sign3A_726 = arith.constant 0 : i32
        %sign3A_727 = arith.cmpi slt, %jit3A_714, %sign3A_726 : i32
        %sign3A_728 = arith.extui %sign3A_727 : i1 to i32
        %sign3A_729 = arith.subi %sign3A_725, %sign3A_728 : i32
        %ne3A_730 = arith.cmpi ne, %sign3A_722, %sign3A_729 : i32
        %rem3A_731 = arith.remsi %add3A_646, %jit3A_714 : i32
        %ne3A_732 = arith.constant 0 : i32
        %ne3A_733 = arith.cmpi ne, %rem3A_731, %ne3A_732 : i32
        %and3A_734 = arith.andi %ne3A_730, %ne3A_733 : i1
        %sub3A_735 = arith.constant 1 : i32
        %sub3A_736 = arith.subi %div3A_715, %sub3A_735 : i32
        %select_n3A_737 = arith.select %and3A_734, %sub3A_736, %div3A_715 : i32
        %jit3A_738 = arith.constant 4 : i32
        %eq3A_739 = arith.constant 0 : i32
        %eq3A_740 = arith.cmpi eq, %jit3A_738, %eq3A_739 : i32
        %jit3A_741 = arith.constant 1 : i32
        %select_n3A_742 = arith.select %eq3A_740, %jit3A_741, %jit3A_738 : i32
        %rem3A_743 = arith.remsi %add3A_646, %select_n3A_742 : i32
        %ne3A_744 = arith.constant 0 : i32
        %ne3A_745 = arith.cmpi ne, %rem3A_743, %ne3A_744 : i32
        %lt3A_746 = arith.constant 0 : i32
        %lt3A_747 = arith.cmpi slt, %rem3A_743, %lt3A_746 : i32
        %lt3A_748 = arith.constant 0 : i32
        %lt3A_749 = arith.cmpi slt, %select_n3A_742, %lt3A_748 : i32
        %ne3A_750 = arith.xori %lt3A_747, %lt3A_749 : i1
        %and3A_751 = arith.andi %ne3A_750, %ne3A_745 : i1
        %add3A_752 = arith.addi %rem3A_743, %select_n3A_742 : i32
        %select_n3A_753 = arith.select %and3A_751, %add3A_752, %rem3A_743 : i32
        %mul3A_754 = arith.constant 8 : i32
        %mul3A_755 = arith.muli %select_n3A_753, %mul3A_754 : i32
        %multiple_of3A_756 = tpu.assume_multiple %mul3A_755, 8 : i32
        %scan3A_757 = arith.constant 0 : i32
        %scan3A_758 = arith.constant 0 : i32
        %scan3A_759 = arith.constant 48 : i32
        %scan3A_760 = arith.addi %scan3A_758, %scan3A_759 : i32
        %scan3A_761 = arith.constant 1 : i32
        %scan3A_762 = scf.for %scan3A_764 = %scan3A_758 to %scan3A_760 step %scan3A_761 iter_args(%scan3A_765 = %scan3A_757) -> (i32)  : i32 {
          %mul3A_766 = arith.constant 16 : i32
          %mul3A_767 = arith.muli %scan3A_764, %mul3A_766 : i32
          %get3A = arith.index_cast %select_n3A_737 : i32 to index
          %get3A_768 = arith.index_cast %mul3A_767 : i32 to index
          %get3A_769 = tpu.vector_load %arg7[%get3A, %get3A_768] {strides = array<i32>} : memref<80x768xf32, #tpu.memory_space<vmem>>, vector<1x16xf32>,
          %get3A_770 = vector.shape_cast %get3A_769 : vector<1x16xf32> to vector<16xf32>
          %scan3A_771 = arith.constant 0 : i32
          %scan3A_772 = arith.constant 0 : i32
          %scan3A_773 = arith.constant 8 : i32
          %scan3A_774 = arith.addi %scan3A_772, %scan3A_773 : i32
          %scan3A_775 = arith.constant 1 : i32
          %scan3A_776 = scf.for %scan3A_778 = %scan3A_772 to %scan3A_774 step %scan3A_775 iter_args(%scan3A_779 = %scan3A_771) -> (i32)  : i32 {
            %get3A_780 = arith.index_cast %scan3A_778 : i32 to index
            %get3A_781 = arith.index_cast %mul3A_767 : i32 to index
            %get3A_782 = tpu.vector_load %arg14[%get3A_780, %get3A_781] {strides = array<i32>} : memref<8x768xf32, #tpu.memory_space<vmem>>, vector<1x16xf32>,
            %get3A_783 = vector.shape_cast %get3A_782 : vector<1x16xf32> to vector<16xf32>
            %add3A_784 = arith.addf %get3A_783, %get3A_770 : vector<16xf32>
            %swap3A = arith.index_cast %scan3A_778 : i32 to index
            %swap3A_785 = arith.index_cast %mul3A_767 : i32 to index
            %swap3A_786 = tpu.vector_load %arg14[%swap3A, %swap3A_785] {strides = array<i32>} : memref<8x768xf32, #tpu.memory_space<vmem>>, vector<1x16xf32>,
            %swap3A_787 = vector.shape_cast %swap3A_786 : vector<1x16xf32> to vector<16xf32>
            %swap3A_788 = vector.shape_cast %add3A_784 : vector<16xf32> to vector<1x16xf32>
            tpu.vector_store %arg14[%swap3A, %swap3A_785], %swap3A_788 {strides = array<i32>} : memref<8x768xf32, #tpu.memory_space<vmem>>, vector<1x16xf32>,
            %scan3A_789 = arith.constant 0 : i32
            scf.yield %scan3A_789 : i32
          }
          %scan3A_777 = arith.constant 8 : i32
          scf.yield %scan3A_776 : i32
        }
        %scan3A_763 = arith.constant 48 : i32
      } else {
      }
      %jit3A_657 = arith.constant 4 : i32
      %div3A_658 = arith.divsi %add3A_646, %jit3A_657 : i32
      %sign3A_659 = arith.constant 0 : i32
      %sign3A_660 = arith.cmpi sgt, %add3A_646, %sign3A_659 : i32
      %sign3A_661 = arith.extui %sign3A_660 : i1 to i32
      %sign3A_662 = arith.constant 0 : i32
      %sign3A_663 = arith.cmpi slt, %add3A_646, %sign3A_662 : i32
      %sign3A_664 = arith.extui %sign3A_663 : i1 to i32
      %sign3A_665 = arith.subi %sign3A_661, %sign3A_664 : i32
      %sign3A_666 = arith.constant 0 : i32
      %sign3A_667 = arith.cmpi sgt, %jit3A_657, %sign3A_666 : i32
      %sign3A_668 = arith.extui %sign3A_667 : i1 to i32
      %sign3A_669 = arith.constant 0 : i32
      %sign3A_670 = arith.cmpi slt, %jit3A_657, %sign3A_669 : i32
      %sign3A_671 = arith.extui %sign3A_670 : i1 to i32
      %sign3A_672 = arith.subi %sign3A_668, %sign3A_671 : i32
      %ne3A_673 = arith.cmpi ne, %sign3A_665, %sign3A_672 : i32
      %rem3A_674 = arith.remsi %add3A_646, %jit3A_657 : i32
      %ne3A_675 = arith.constant 0 : i32
      %ne3A_676 = arith.cmpi ne, %rem3A_674, %ne3A_675 : i32
      %and3A_677 = arith.andi %ne3A_673, %ne3A_676 : i1
      %sub3A_678 = arith.constant 1 : i32
      %sub3A_679 = arith.subi %div3A_658, %sub3A_678 : i32
      %select_n3A_680 = arith.select %and3A_677, %sub3A_679, %div3A_658 : i32
      %jit3A_681 = arith.constant 4 : i32
      %eq3A_682 = arith.constant 0 : i32
      %eq3A_683 = arith.cmpi eq, %jit3A_681, %eq3A_682 : i32
      %jit3A_684 = arith.constant 1 : i32
      %select_n3A_685 = arith.select %eq3A_683, %jit3A_684, %jit3A_681 : i32
      %rem3A_686 = arith.remsi %add3A_646, %select_n3A_685 : i32
      %ne3A_687 = arith.constant 0 : i32
      %ne3A_688 = arith.cmpi ne, %rem3A_686, %ne3A_687 : i32
      %lt3A_689 = arith.constant 0 : i32
      %lt3A_690 = arith.cmpi slt, %rem3A_686, %lt3A_689 : i32
      %lt3A_691 = arith.constant 0 : i32
      %lt3A_692 = arith.cmpi slt, %select_n3A_685, %lt3A_691 : i32
      %ne3A_693 = arith.xori %lt3A_690, %lt3A_692 : i1
      %and3A_694 = arith.andi %ne3A_693, %ne3A_688 : i1
      %add3A_695 = arith.addi %rem3A_686, %select_n3A_685 : i32
      %select_n3A_696 = arith.select %and3A_694, %add3A_695, %rem3A_686 : i32
      %mul3A_697 = arith.constant 8 : i32
      %mul3A_698 = arith.muli %select_n3A_696, %mul3A_697 : i32
      %multiple_of3A_699 = tpu.assume_multiple %mul3A_698, 8 : i32
      %add3A_700 = arith.addi %mul3A_2, %multiple_of3A_699 : i32
      %dma_start3A_701 = arith.constant 0 : i32
      %dma_start3A_702 = tpu.memref_slice %arg5[%select_n3A_680, %add3A_700, %dma_start3A_701] : memref<77x1024x768xf32, #tpu.memory_space<hbm>> -> memref<1x8x768xf32, #tpu.memory_space<hbm>>
      %dma_start3A_703 = tpu.memref_squeeze %dma_start3A_702 : memref<1x8x768xf32, #tpu.memory_space<hbm>> -> memref<8x768xf32, #tpu.memory_space<hbm>>
      %dma_start3A_704 = arith.constant 0 : i32
      %dma_start3A_705 = tpu.memref_slice %arg5[%select_n3A_680, %add3A_700, %dma_start3A_704] : memref<77x1024x768xf32, #tpu.memory_space<hbm>> -> memref<1x8x768xf32, #tpu.memory_space<hbm>>
      %dma_start3A_706 = tpu.memref_squeeze %dma_start3A_705 : memref<1x8x768xf32, #tpu.memory_space<hbm>> -> memref<8x768xf32, #tpu.memory_space<hbm>>
      tpu.enqueue_dma source(%arg14 : memref<8x768xf32, #tpu.memory_space<vmem>>) target(%dma_start3A_706 : memref<8x768xf32, #tpu.memory_space<hbm>>) target_semaphore(%arg28 : memref<!tpu.dma_semaphore, #tpu.memory_space<semaphore_mem>>)
      %add3A_707 = arith.constant 7 : i32
      %add3A_708 = arith.addi %add3A_646, %add3A_707 : i32
      %lt3A_709 = arith.constant 308 : i32
      %lt3A_710 = arith.cmpi slt, %add3A_708, %lt3A_709 : i32
      %convert_element_type3A_711 = arith.extui %lt3A_710 : i1 to i32
      %cond3A_712 = arith.constant 0 : i32
      %cond3A_713 = arith.cmpi ne, %convert_element_type3A_711, %cond3A_712 : i32
      scf.if %cond3A_713 {
        %dma_wait3A_714 = arith.constant 0 : i32
        %dma_wait3A_715 = arith.constant 0 : i32
        %dma_wait3A_716 = arith.constant 0 : i32
        %dma_wait3A_717 = tpu.memref_slice %arg5[%dma_wait3A_714, %dma_wait3A_715, %dma_wait3A_716] : memref<77x1024x768xf32, #tpu.memory_space<hbm>> -> memref<1x8x768xf32, #tpu.memory_space<hbm>>
        %dma_wait3A_718 = tpu.memref_squeeze %dma_wait3A_717 : memref<1x8x768xf32, #tpu.memory_space<hbm>> -> memref<8x768xf32, #tpu.memory_space<hbm>>
        %dma_wait3A_719 = arith.constant 0 : i32
        %dma_wait3A_720 = arith.constant 0 : i32
        %dma_wait3A_721 = tpu.memref_slice %arg5[%dma_wait3A_714, %dma_wait3A_719, %dma_wait3A_720] : memref<77x1024x768xf32, #tpu.memory_space<hbm>> -> memref<1x8x768xf32, #tpu.memory_space<hbm>>
        %dma_wait3A_722 = tpu.memref_squeeze %dma_wait3A_721 : memref<1x8x768xf32, #tpu.memory_space<hbm>> -> memref<8x768xf32, #tpu.memory_space<hbm>>
        tpu.wait_dma2 semaphore(%arg28 : memref<!tpu.dma_semaphore, #tpu.memory_space<semaphore_mem>>) src(%arg14 : memref<8x768xf32, #tpu.memory_space<vmem>>) dst(%dma_wait3A_722 : memref<8x768xf32, #tpu.memory_space<hbm>>)
        %add3A_723 = arith.constant 7 : i32
        %add3A_724 = arith.addi %add3A_646, %add3A_723 : i32
        %jit3A_725 = arith.constant 4 : i32
        %div3A_726 = arith.divsi %add3A_724, %jit3A_725 : i32
        %sign3A_727 = arith.constant 0 : i32
        %sign3A_728 = arith.cmpi sgt, %add3A_724, %sign3A_727 : i32
        %sign3A_729 = arith.extui %sign3A_728 : i1 to i32
        %sign3A_730 = arith.constant 0 : i32
        %sign3A_731 = arith.cmpi slt, %add3A_724, %sign3A_730 : i32
        %sign3A_732 = arith.extui %sign3A_731 : i1 to i32
        %sign3A_733 = arith.subi %sign3A_729, %sign3A_732 : i32
        %sign3A_734 = arith.constant 0 : i32
        %sign3A_735 = arith.cmpi sgt, %jit3A_725, %sign3A_734 : i32
        %sign3A_736 = arith.extui %sign3A_735 : i1 to i32
        %sign3A_737 = arith.constant 0 : i32
        %sign3A_738 = arith.cmpi slt, %jit3A_725, %sign3A_737 : i32
        %sign3A_739 = arith.extui %sign3A_738 : i1 to i32
        %sign3A_740 = arith.subi %sign3A_736, %sign3A_739 : i32
        %ne3A_741 = arith.cmpi ne, %sign3A_733, %sign3A_740 : i32
        %rem3A_742 = arith.remsi %add3A_724, %jit3A_725 : i32
        %ne3A_743 = arith.constant 0 : i32
        %ne3A_744 = arith.cmpi ne, %rem3A_742, %ne3A_743 : i32
        %and3A_745 = arith.andi %ne3A_741, %ne3A_744 : i1
        %sub3A_746 = arith.constant 1 : i32
        %sub3A_747 = arith.subi %div3A_726, %sub3A_746 : i32
        %select_n3A_748 = arith.select %and3A_745, %sub3A_747, %div3A_726 : i32
        %jit3A_749 = arith.constant 4 : i32
        %eq3A_750 = arith.constant 0 : i32
        %eq3A_751 = arith.cmpi eq, %jit3A_749, %eq3A_750 : i32
        %jit3A_752 = arith.constant 1 : i32
        %select_n3A_753 = arith.select %eq3A_751, %jit3A_752, %jit3A_749 : i32
        %rem3A_754 = arith.remsi %add3A_724, %select_n3A_753 : i32
        %ne3A_755 = arith.constant 0 : i32
        %ne3A_756 = arith.cmpi ne, %rem3A_754, %ne3A_755 : i32
        %lt3A_757 = arith.constant 0 : i32
        %lt3A_758 = arith.cmpi slt, %rem3A_754, %lt3A_757 : i32
        %lt3A_759 = arith.constant 0 : i32
        %lt3A_760 = arith.cmpi slt, %select_n3A_753, %lt3A_759 : i32
        %ne3A_761 = arith.xori %lt3A_758, %lt3A_760 : i1
        %and3A_762 = arith.andi %ne3A_761, %ne3A_756 : i1
        %add3A_763 = arith.addi %rem3A_754, %select_n3A_753 : i32
        %select_n3A_764 = arith.select %and3A_762, %add3A_763, %rem3A_754 : i32
        %mul3A_765 = arith.constant 8 : i32
        %mul3A_766 = arith.muli %select_n3A_764, %mul3A_765 : i32
        %multiple_of3A_767 = tpu.assume_multiple %mul3A_766, 8 : i32
        %add3A_768 = arith.addi %mul3A_13, %multiple_of3A_767 : i32
        %dma_start3A_769 = tpu.memref_slice %arg6[%select_n3A_748, %add3A_768] : memref<77x128xi32, #tpu.memory_space<vmem>> -> memref<1x8xi32, #tpu.memory_space<vmem>>
        %dma_start3A_770 = tpu.memref_squeeze %dma_start3A_769 : memref<1x8xi32, #tpu.memory_space<vmem>> -> memref<8xi32, #tpu.memory_space<vmem>>
        %dma_start3A_771 = arith.constant 0 : i32
        %dma_start3A_772 = arith.constant 0 : i32
        %dma_start3A_773 = tpu.memref_slice %arg3[%dma_start3A_771, %dma_start3A_772] : memref<49408x768xf32, #tpu.memory_space<hbm>> -> memref<49408x768xf32, #tpu.memory_space<hbm>>
        tpu.enqueue_indirect_dma source(%dma_start3A_773 : memref<49408x768xf32, #tpu.memory_space<hbm>>) target(%arg14 : memref<8x768xf32, #tpu.memory_space<vmem>>) offsets(%dma_start3A_770 : memref<8xi32, #tpu.memory_space<vmem>>) semaphore(%arg21 : memref<!tpu.dma_semaphore, #tpu.memory_space<semaphore_mem>>)
      } else {
      }
    }
    %scan3A_155 = arith.constant 44 : i32
    %dma_wait3A = arith.constant 0 : i32
    %dma_wait3A_156 = arith.constant 0 : i32
    %dma_wait3A_157 = arith.constant 0 : i32
    %dma_wait3A_158 = tpu.memref_slice %arg5[%dma_wait3A, %dma_wait3A_156, %dma_wait3A_157] : memref<77x1024x768xf32, #tpu.memory_space<hbm>> -> memref<1x8x768xf32, #tpu.memory_space<hbm>>
    %dma_wait3A_159 = tpu.memref_squeeze %dma_wait3A_158 : memref<1x8x768xf32, #tpu.memory_space<hbm>> -> memref<8x768xf32, #tpu.memory_space<hbm>>
    %dma_wait3A_160 = arith.constant 0 : i32
    %dma_wait3A_161 = arith.constant 0 : i32
    %dma_wait3A_162 = tpu.memref_slice %arg5[%dma_wait3A, %dma_wait3A_160, %dma_wait3A_161] : memref<77x1024x768xf32, #tpu.memory_space<hbm>> -> memref<1x8x768xf32, #tpu.memory_space<hbm>>
    %dma_wait3A_163 = tpu.memref_squeeze %dma_wait3A_162 : memref<1x8x768xf32, #tpu.memory_space<hbm>> -> memref<8x768xf32, #tpu.memory_space<hbm>>
    tpu.wait_dma2 semaphore(%arg22 : memref<!tpu.dma_semaphore, #tpu.memory_space<semaphore_mem>>) src(%arg8 : memref<8x768xf32, #tpu.memory_space<vmem>>) dst(%dma_wait3A_163 : memref<8x768xf32, #tpu.memory_space<hbm>>)
    %dma_wait3A_164 = arith.constant 0 : i32
    %dma_wait3A_165 = arith.constant 0 : i32
    %dma_wait3A_166 = arith.constant 0 : i32
    %dma_wait3A_167 = tpu.memref_slice %arg5[%dma_wait3A_164, %dma_wait3A_165, %dma_wait3A_166] : memref<77x1024x768xf32, #tpu.memory_space<hbm>> -> memref<1x8x768xf32, #tpu.memory_space<hbm>>
    %dma_wait3A_168 = tpu.memref_squeeze %dma_wait3A_167 : memref<1x8x768xf32, #tpu.memory_space<hbm>> -> memref<8x768xf32, #tpu.memory_space<hbm>>
    %dma_wait3A_169 = arith.constant 0 : i32
    %dma_wait3A_170 = arith.constant 0 : i32
    %dma_wait3A_171 = tpu.memref_slice %arg5[%dma_wait3A_164, %dma_wait3A_169, %dma_wait3A_170] : memref<77x1024x768xf32, #tpu.memory_space<hbm>> -> memref<1x8x768xf32, #tpu.memory_space<hbm>>
    %dma_wait3A_172 = tpu.memref_squeeze %dma_wait3A_171 : memref<1x8x768xf32, #tpu.memory_space<hbm>> -> memref<8x768xf32, #tpu.memory_space<hbm>>
    tpu.wait_dma2 semaphore(%arg23 : memref<!tpu.dma_semaphore, #tpu.memory_space<semaphore_mem>>) src(%arg9 : memref<8x768xf32, #tpu.memory_space<vmem>>) dst(%dma_wait3A_172 : memref<8x768xf32, #tpu.memory_space<hbm>>)
    %dma_wait3A_173 = arith.constant 0 : i32
    %dma_wait3A_174 = arith.constant 0 : i32
    %dma_wait3A_175 = arith.constant 0 : i32
    %dma_wait3A_176 = tpu.memref_slice %arg5[%dma_wait3A_173, %dma_wait3A_174, %dma_wait3A_175] : memref<77x1024x768xf32, #tpu.memory_space<hbm>> -> memref<1x8x768xf32, #tpu.memory_space<hbm>>
    %dma_wait3A_177 = tpu.memref_squeeze %dma_wait3A_176 : memref<1x8x768xf32, #tpu.memory_space<hbm>> -> memref<8x768xf32, #tpu.memory_space<hbm>>
    %dma_wait3A_178 = arith.constant 0 : i32
    %dma_wait3A_179 = arith.constant 0 : i32
    %dma_wait3A_180 = tpu.memref_slice %arg5[%dma_wait3A_173, %dma_wait3A_178, %dma_wait3A_179] : memref<77x1024x768xf32, #tpu.memory_space<hbm>> -> memref<1x8x768xf32, #tpu.memory_space<hbm>>
    %dma_wait3A_181 = tpu.memref_squeeze %dma_wait3A_180 : memref<1x8x768xf32, #tpu.memory_space<hbm>> -> memref<8x768xf32, #tpu.memory_space<hbm>>
    tpu.wait_dma2 semaphore(%arg24 : memref<!tpu.dma_semaphore, #tpu.memory_space<semaphore_mem>>) src(%arg10 : memref<8x768xf32, #tpu.memory_space<vmem>>) dst(%dma_wait3A_181 : memref<8x768xf32, #tpu.memory_space<hbm>>)
    %dma_wait3A_182 = arith.constant 0 : i32
    %dma_wait3A_183 = arith.constant 0 : i32
    %dma_wait3A_184 = arith.constant 0 : i32
    %dma_wait3A_185 = tpu.memref_slice %arg5[%dma_wait3A_182, %dma_wait3A_183, %dma_wait3A_184] : memref<77x1024x768xf32, #tpu.memory_space<hbm>> -> memref<1x8x768xf32, #tpu.memory_space<hbm>>
    %dma_wait3A_186 = tpu.memref_squeeze %dma_wait3A_185 : memref<1x8x768xf32, #tpu.memory_space<hbm>> -> memref<8x768xf32, #tpu.memory_space<hbm>>
    %dma_wait3A_187 = arith.constant 0 : i32
    %dma_wait3A_188 = arith.constant 0 : i32
    %dma_wait3A_189 = tpu.memref_slice %arg5[%dma_wait3A_182, %dma_wait3A_187, %dma_wait3A_188] : memref<77x1024x768xf32, #tpu.memory_space<hbm>> -> memref<1x8x768xf32, #tpu.memory_space<hbm>>
    %dma_wait3A_190 = tpu.memref_squeeze %dma_wait3A_189 : memref<1x8x768xf32, #tpu.memory_space<hbm>> -> memref<8x768xf32, #tpu.memory_space<hbm>>
    tpu.wait_dma2 semaphore(%arg25 : memref<!tpu.dma_semaphore, #tpu.memory_space<semaphore_mem>>) src(%arg11 : memref<8x768xf32, #tpu.memory_space<vmem>>) dst(%dma_wait3A_190 : memref<8x768xf32, #tpu.memory_space<hbm>>)
    %dma_wait3A_191 = arith.constant 0 : i32
    %dma_wait3A_192 = arith.constant 0 : i32
    %dma_wait3A_193 = arith.constant 0 : i32
    %dma_wait3A_194 = tpu.memref_slice %arg5[%dma_wait3A_191, %dma_wait3A_192, %dma_wait3A_193] : memref<77x1024x768xf32, #tpu.memory_space<hbm>> -> memref<1x8x768xf32, #tpu.memory_space<hbm>>
    %dma_wait3A_195 = tpu.memref_squeeze %dma_wait3A_194 : memref<1x8x768xf32, #tpu.memory_space<hbm>> -> memref<8x768xf32, #tpu.memory_space<hbm>>
    %dma_wait3A_196 = arith.constant 0 : i32
    %dma_wait3A_197 = arith.constant 0 : i32
    %dma_wait3A_198 = tpu.memref_slice %arg5[%dma_wait3A_191, %dma_wait3A_196, %dma_wait3A_197] : memref<77x1024x768xf32, #tpu.memory_space<hbm>> -> memref<1x8x768xf32, #tpu.memory_space<hbm>>
    %dma_wait3A_199 = tpu.memref_squeeze %dma_wait3A_198 : memref<1x8x768xf32, #tpu.memory_space<hbm>> -> memref<8x768xf32, #tpu.memory_space<hbm>>
    tpu.wait_dma2 semaphore(%arg26 : memref<!tpu.dma_semaphore, #tpu.memory_space<semaphore_mem>>) src(%arg12 : memref<8x768xf32, #tpu.memory_space<vmem>>) dst(%dma_wait3A_199 : memref<8x768xf32, #tpu.memory_space<hbm>>)
    %dma_wait3A_200 = arith.constant 0 : i32
    %dma_wait3A_201 = arith.constant 0 : i32
    %dma_wait3A_202 = arith.constant 0 : i32
    %dma_wait3A_203 = tpu.memref_slice %arg5[%dma_wait3A_200, %dma_wait3A_201, %dma_wait3A_202] : memref<77x1024x768xf32, #tpu.memory_space<hbm>> -> memref<1x8x768xf32, #tpu.memory_space<hbm>>
    %dma_wait3A_204 = tpu.memref_squeeze %dma_wait3A_203 : memref<1x8x768xf32, #tpu.memory_space<hbm>> -> memref<8x768xf32, #tpu.memory_space<hbm>>
    %dma_wait3A_205 = arith.constant 0 : i32
    %dma_wait3A_206 = arith.constant 0 : i32
    %dma_wait3A_207 = tpu.memref_slice %arg5[%dma_wait3A_200, %dma_wait3A_205, %dma_wait3A_206] : memref<77x1024x768xf32, #tpu.memory_space<hbm>> -> memref<1x8x768xf32, #tpu.memory_space<hbm>>
    %dma_wait3A_208 = tpu.memref_squeeze %dma_wait3A_207 : memref<1x8x768xf32, #tpu.memory_space<hbm>> -> memref<8x768xf32, #tpu.memory_space<hbm>>
    tpu.wait_dma2 semaphore(%arg27 : memref<!tpu.dma_semaphore, #tpu.memory_space<semaphore_mem>>) src(%arg13 : memref<8x768xf32, #tpu.memory_space<vmem>>) dst(%dma_wait3A_208 : memref<8x768xf32, #tpu.memory_space<hbm>>)
    %dma_wait3A_209 = arith.constant 0 : i32
    %dma_wait3A_210 = arith.constant 0 : i32
    %dma_wait3A_211 = arith.constant 0 : i32
    %dma_wait3A_212 = tpu.memref_slice %arg5[%dma_wait3A_209, %dma_wait3A_210, %dma_wait3A_211] : memref<77x1024x768xf32, #tpu.memory_space<hbm>> -> memref<1x8x768xf32, #tpu.memory_space<hbm>>
    %dma_wait3A_213 = tpu.memref_squeeze %dma_wait3A_212 : memref<1x8x768xf32, #tpu.memory_space<hbm>> -> memref<8x768xf32, #tpu.memory_space<hbm>>
    %dma_wait3A_214 = arith.constant 0 : i32
    %dma_wait3A_215 = arith.constant 0 : i32
    %dma_wait3A_216 = tpu.memref_slice %arg5[%dma_wait3A_209, %dma_wait3A_214, %dma_wait3A_215] : memref<77x1024x768xf32, #tpu.memory_space<hbm>> -> memref<1x8x768xf32, #tpu.memory_space<hbm>>
    %dma_wait3A_217 = tpu.memref_squeeze %dma_wait3A_216 : memref<1x8x768xf32, #tpu.memory_space<hbm>> -> memref<8x768xf32, #tpu.memory_space<hbm>>
    tpu.wait_dma2 semaphore(%arg28 : memref<!tpu.dma_semaphore, #tpu.memory_space<semaphore_mem>>) src(%arg14 : memref<8x768xf32, #tpu.memory_space<vmem>>) dst(%dma_wait3A_217 : memref<8x768xf32, #tpu.memory_space<hbm>>)
    return
  }
}

</mosaic_0001>

<sc_bundles>
// kernel: kernel.3.cloned.1.call-start
scs
__scs_entry_jumppad:
0x0: {  	(pc) =	sbr.rel $0x88, $3  }
0x1: {  	(tag) =	ssettag $0x0;
	lr =	simm.s32 $0x1  }
0x2: {  	[smem:$0x3F9E] =	sst lr;
	_ =	strace $0xD0000000  }
0x3: {  	_ = 	snop  }
0x4: {  	_ = 	snop  }
0x5: {  	_ = 	snop  }
0x6: {  	_ = 	snop  }
0x7: {  	_ = 	snop  }
__scs_overlays_trampoline_lowered:
0x8: {  	[smem:$0x3FAD] =	sst s0  }
0x9: {  	[smem:$0x3FAE] =	sst s1  }
0xa: {  	[smem:$0x3FAF] =	sst s2  }
0xb: {  	[smem:$0x3FB0] =	sst s3  }
0xc: {  	[smem:$0x3FB1] =	sst s4  }
0xd: {  	[smem:$0x3FB2] =	sst s5  }
0xe: {  	[smem:$0x3FB3] =	sst s6  }
0xf: {  	[smem:$0x3FB4] =	sst s7  }
0x10: {  	[smem:$0x3FB5] =	sst s8  }
0x11: {  	[smem:$0x3FB6] =	sst s9;
	s0 =	simm.s32 @!p0 $0x0  }
0x12: {  	s1 =	sld [smem:$0x3F9C];
	s0 =	simm.s32 @p0 $0x1  }
0x13: {  	[smem:$0x3FB7] =	sst s0;
	s0 =	simm.s32 @!p1 $0x0  }
0x14: {  	s2 =	sld [smem:$0x3F9B];
	s0 =	simm.s32 @p1 $0x1  }
0x15: {  	[smem:$0x3FB8] =	sst s0;
	s0 =	simm.s32 @!p2 $0x0  }
0x16: {  	s3 =	sld [smem:$0x3FDB];
	s0 =	simm.s32 @p2 $0x1  }
0x17: {  	s4 =	simm.s32 $0x1BF5;
	[smem:$0x3FBA] =	sst s0  }
0x18: {  	s0 =	sld [smem:$0x3F9D];
	_ =	swait.ge [sflag:s4], $0x0  }
0x19: {  	s7 =	sld [smem:$0x3F9E]  }
0x1a: {  	s8 =	sadd.s32 $0xFFFFE003, lr  }
0x1b: {  	s9 =	sadd.s32 $0xFFFFFEF7, lr;
	s5 =	simm.s32 $0xFFFFFFFF;
	p2 =	slt.u32 s8, $0xFFFFF086  }
0x1c: {  	p1 =	slt.u32 s9, $0xF7A;
	s5 =	simm.s32 @!p2 $0x0  }
0x1d: {  	s5 =	simm.s32 @p1 $0x1;
	p0 =	seq.s32 s7, s2  }
0x1e: {  	s7 =	smul.u32 @!p0 $0xF7A, s2;
	p2 =	seq.s32 @!p0 s5, $0x0  }
0x1f: {  	s9 =	smul.u32 $0xF7A, s1;
	s8 =	simm.s32 @!p0 $0x1BF5;
	p2 =	por !p2, p0  }
0x20: {  	[sflag:s8] =	ssyncset.s32 @!p0 $0xFFFFF086;
	s6 =	sadd.s32 @!p0 s3, s7;
	s7 =	simm.s32 @!p0 $0x108  }
0x21: {  	s3 =	sadd.s32 s3, s9;
	s6 =	sadd.s32 @!p0 $0x88, s6;
	s7 =	simm.s32 @p2 $0x1082  }
0x22: {  	[simem:s7], [sflag:s8] =	dma.local @!p0 [hbm:s6], $0xF7A  }
0x23: {  	s9 =	sor.u32 $0xD0000000, s2;
	s6 =	simm.s32 $0x108;
	_ =	swait.ge @!p0 [sflag:s8], $0x0  }
0x24: {  	s3 =	sadd.s32 $0x88, s3;
	s6 =	simm.s32 @!p1 $0x1082;
	[sflag:s4] =	ssyncset.s32 $0xFFFFF086  }
0x25: {  	[simem:s6], [sflag:s4] =	dma.local [hbm:s3], $0xF7A  }
0x26: {  	[smem:$0x3F9E] =	sst s1;
	(tag) =	ssettag s2;
	_ =	strace s9  }
0x27: {  	s1 =	sld [smem:$0x3FAE]  }
0x28: {  	s2 =	sld [smem:$0x3FAF]  }
0x29: {  	s4 =	sld [smem:$0x3FB1]  }
0x2a: {  	p0 =	seq.s32 s5, $0x0;
	s5 =	sld [smem:$0x3FB2]  }
0x2b: {  	s6 =	sld [smem:$0x3FB3]  }
0x2c: {  	s7 =	sld [smem:$0x3FB4]  }
0x2d: {  	s3 =	simm.s32 $0x108;
	s8 =	sld [smem:$0x3FB5]  }
0x2e: {  	s3 =	simm.s32 @!p0 $0x1082;
	s9 =	sld [smem:$0x3FB6]  }
0x2f: {  	lr =	sadd.s32 s0, s3;
	s0 =	sld [smem:$0x3FAD]  }
0x30: {  	s3 =	sld [smem:$0x3FB0]  }
0x31: {  	[smem:$0x3FB9] =	sst s10  }
0x32: {  	s10 =	sld [smem:$0x3FB7];
	_ =	sdelay $0x3  }
0x33: {  	p0 =	seq.s32 s10, $0x1;
	s10 =	sld [smem:$0x3FB9];
	_ =	sdelay $0x3  }
0x34: {  	[smem:$0x3FB9] =	sst s10  }
0x35: {  	s10 =	sld [smem:$0x3FB8];
	_ =	sdelay $0x3  }
0x36: {  	p1 =	seq.s32 s10, $0x1;
	s10 =	sld [smem:$0x3FB9];
	_ =	sdelay $0x3  }
0x37: {  	[smem:$0x3FB9] =	sst s10  }
0x38: {  	s10 =	sld [smem:$0x3FBA]  }
0x39: {  	_ = 	snop;
	(pc) =	sbr.ind lr, $3  }
0x3a: {  	_ = 	snop  }
0x3b: {  	_ = 	snop  }
0x3c: {  	p2 =	seq.s32 s10, $0x1;
	s10 =	sld [smem:$0x3FB9]  }
0x3d: {  	_ =	shalt  }
0x3e: {  	_ =	shalt  }
0x3f: {  	_ =	shalt  }
0x40: {  	_ =	shalt  }
0x41: {  	_ =	shalt  }
0x42: {  	_ =	shalt  }
0x43: {  	_ =	shalt  }
0x44: {  	_ =	shalt  }
0x45: {  	_ =	shalt  }
0x46: {  	_ =	shalt  }
0x47: {  	_ =	shalt  }
0x48: {  	_ =	shalt  }
0x49: {  	_ =	shalt  }
0x4a: {  	_ =	shalt  }
0x4b: {  	_ =	shalt  }
0x4c: {  	_ =	shalt  }
0x4d: {  	_ =	shalt  }
0x4e: {  	_ =	shalt  }
0x4f: {  	_ =	shalt  }
0x50: {  	_ =	shalt  }
0x51: {  	_ =	shalt  }
0x52: {  	_ =	shalt  }
0x53: {  	_ =	shalt  }
0x54: {  	_ =	shalt  }
0x55: {  	_ =	shalt  }
0x56: {  	_ =	shalt  }
0x57: {  	_ =	shalt  }
0x58: {  	_ =	shalt  }
0x59: {  	_ =	shalt  }
0x5a: {  	_ =	shalt  }
0x5b: {  	_ =	shalt  }
0x5c: {  	_ =	shalt  }
0x5d: {  	_ =	shalt  }
0x5e: {  	_ =	shalt  }
0x5f: {  	_ =	shalt  }
0x60: {  	_ =	shalt  }
0x61: {  	_ =	shalt  }
0x62: {  	_ =	shalt  }
0x63: {  	_ =	shalt  }
0x64: {  	_ =	shalt  }
0x65: {  	_ =	shalt  }
0x66: {  	_ =	shalt  }
0x67: {  	_ =	shalt  }
0x68: {  	_ =	shalt  }
0x69: {  	_ =	shalt  }
0x6a: {  	_ =	shalt  }
0x6b: {  	_ =	shalt  }
0x6c: {  	_ =	shalt  }
0x6d: {  	_ =	shalt  }
0x6e: {  	_ =	shalt  }
0x6f: {  	_ =	shalt  }
0x70: {  	_ =	shalt  }
0x71: {  	_ =	shalt  }
0x72: {  	_ =	shalt  }
0x73: {  	_ =	shalt  }
0x74: {  	_ =	shalt  }
0x75: {  	_ =	shalt  }
0x76: {  	_ =	shalt  }
0x77: {  	_ =	shalt  }
0x78: {  	_ =	shalt  }
0x79: {  	_ =	shalt  }
0x7a: {  	_ =	shalt  }
0x7b: {  	_ =	shalt  }
0x7c: {  	_ =	shalt  }
0x7d: {  	_ =	shalt  }
0x7e: {  	_ =	shalt  }
0x7f: {  	_ =	shalt  }
0x80: {  	_ =	shalt  }
0x81: {  	_ =	shalt  }
0x82: {  	_ =	shalt  }
0x83: {  	_ =	shalt  }
0x84: {  	_ =	shalt  }
0x85: {  	_ =	shalt  }
0x86: {  	_ =	shalt  }
0x87: {  	_ =	shalt  }
.Lfunc_end0:
.L_simem_size_0:
called_computation_lowered:
.L_overlay_start_0:
0x88: {  	s2 =	sld [smem:$0x3FD9]  }
0x89: {  	s3 =	sld [smem:$0x3FFE];
	_ =	sdelay $0x1  }
0x8a: {  	s1 =	srdreg.scid  }
0x8b: {  	s0 =	sand.u32 $0x1, s1  }
0x8c: {  	s17 =	sshll.u32 s0, $0xA;
	s2 =	sadd.s32 s3, s2  }
0x8d: {  	s2 =	sadd.s32 s2, s17  }
0x8e: {  	[smem:$0x3FC5] =	sst s2  }
0x8f: {  	_ = 	snop  }
0x90: {  	s2 =	sld [smem:$0x3FC9]  }
0x91: {  	s18 =	sld [smem:$0x3FC8]  }
0x92: {  	s4 =	sld [smem:$0x3FD0];
	(tm) =	ssettm $0x1  }
0x93: {  	s5 =	sld [smem:$0x3FFB];
	_ =	sdelay $0x3  }
0x94: {  	_ =	strace s5  }
0x95: {  	s5 =	sld [smem:$0x3FFC];
	_ =	sdelay $0x3  }
0x96: {  	_ =	strace s5  }
0x97: {  	s5 =	sld [smem:$0x3FFD];
	_ =	sdelay $0x3  }
0x98: {  	_ =	strace s5  }
0x99: {  	_ =	strace $0x8FFFFFFF  }
0x9a: {  	s19 =	sld [smem:$0x3FDB];
	_ =	sdelay $0x1  }
0x9b: {  	s6 =	simm.s32 $_scs_section_size  }
0x9c: {  	s7 =	simm.s32 $_size__tile_overlayer_lowered;
	s8 =	simm.s32 $_tile_overlayer_lowered  }
0x9d: {  	s22 =	simm.s32 $0x1BFF;
	s21 =	sshll.u32 s8, $0x1;
	s5 =	sadd.s32 s6, s19  }
0x9e: {  	s9 =	simm.s32 $0x0;
	s20 =	sshll.u32 s7, $0x1;
	s7 =	sadd.s32 s21, s5  }
0x9f: {  	[timem:s9], [sflag:s22] =	dma.local [hbm:s7], s20  }
0xa0: {  	_ =	swait.ge [sflag:s22], s20  }
0xa1: {  	s6 =	ssub.s32 $0x0, s20;
	[sflag:s22] =	ssyncset.done $0x0  }
0xa2: {  	[sflag:s22] =	ssyncadd.s32 s6;
	_ =	sdelay $0x1  }
0xa3: {  	s23 =	simm.s32 $0x1B8B  }
0xa4: {  	_ =	swait.ge [sflag:s23], $0x1  }
0xa5: {  	[sflag:s23] =	ssyncset.done $0x0  }
0xa6: {  	s25 =	simm.s32 $0x1B8E;
	s24 =	sld [smem:$0x3FFE];
	[sflag:s23] =	ssyncadd.s32 $0xFFFFFFFF  }
0xa7: {  	s26 =	simm.s32 $execute0_lowered;
	[smem:$0x3FD2] =	sst s25  }
0xa8: {  	s7 =	sshll.u32 s26, $0x1;
	_ =	strace $0x80000046;
	[dreg:$0x1] =	wrdreg $0xFFFFFFFF  }
0xa9: {  	s28 =	simm.s32 $_size_execute0_lowered;
	s5 =	sadd.s32 s5, s7;
	[dreg:$0x0] =	wrdreg $0x0  }
0xaa: {  	s7 =	sshll.u32 s28, $0x1;
	[dreg:$0x2] =	wrdreg s5  }
0xab: {  	[dreg:$0x3] =	wrdreg s7  }
0xac: {  	[dreg:$0x4] =	wrdreg $0xC0  }
0xad: {  	_ =	task [dreg:s9], $0x5FFFF  }
0xae: {  	[dreg:$0x1] =	wrdreg $0xFFFFFFFF  }
0xaf: {  	[dreg:$0x0] =	wrdreg $0x60  }
0xb0: {  	[dreg:$0x2] =	wrdreg s2  }
0xb1: {  	[dreg:$0x3] =	wrdreg s18  }
0xb2: {  	[dreg:$0x4] =	wrdreg s24  }
0xb3: {  	[dreg:$0x5] =	wrdreg s4  }
0xb4: {  	[dreg:$0x6] =	wrdreg $0x9  }
0xb5: {  	_ =	task.clear_ibuf [dreg:s9], $0x7FFFF;
	_ =	strace $0x90000046  }
0xb6: {  	s29 =	simm.s32 $0x9;
	_ =	strace $0x80000048  }
0xb7: {  	_ =	swait.ge [sflag:s29], $0x1  }
0xb8: {  	[sflag:s29] =	ssyncadd.s32 $0xFFFFFFFF  }
0xb9: {  	_ =	strace $0x90000048  }
0xba: {  	_ =	sfence  }
0xbb: {  	s30 =	sld [smem:$0x0];
	_ =	sdelay $0x2  }
0xbc: {  	s31 =	sshll.u32 s1, $0xD;
	s1 =	sshrl.u32 s1, $0x2  }
0xbd: {  	s3 =	sand.u32 $0x4000, s31;
	s1 =	sadd.s32 s1, s30  }
0xbe: {  	s0 =	sor.u32 s3, s0;
	s1 =	sshll.u32 s1, $0x11  }
0xbf: {  	s0 =	sor.u32 s1, s0  }
0xc0: {  	s0 =	sadd.s32 $0x8F2B, s0  }
0xc1: {  	[sflag:s0] =	ssyncadd.remote.s32 $0x1  }
0xc2: {  	_ =	sfence.sel $0xFFFF  }
0xc3: {  	[dreg:$0x0] =	wrdreg $0xFFFFFFFF;
	(pc) =	sbr.abs _section_cstart, $3  }
0xc4: {  	[dreg:$0x1] =	wrdreg $0xFFFFFFFF  }
0xc5: {  	_ =	task.clear_ibuf [dreg:s9], $0x2FFFF;
	_ =	strace $0x9FFFFFFF  }
0xc6: {  	(tm) =	ssettm $0x7FFFFFFF  }
0xc7: {  	_ =	shalt  }
tec
execute0_lowered:
.L_overlay_start_1:
0x0: {  	(tag) =	ssettag $0x1  }
0x1: {  	s0 =	rddreg [dreg:$0x0]  }
0x2: {  	s1 =	rddreg [dreg:$0x1]  }
0x3: {  	s4 =	rddreg [dreg:$0x2]  }
0x4: {  	s2 =	rddreg [dreg:$0x3]  }
0x5: {  	s3 =	simm.s32 $0x0;
	s5 =	srdreg.scid;
	s6 =	stileid.u32  }
0x6: {  	s29 =	simm.s32 $0x2;
	s31 =	simm.s32 $0x3;
	s9 =	simm.s32 $0x6  }
0x7: {  	s12 =	simm.s32 $0x7;
	[smem:$0x7FF] =	sst s3;
	s4 =	sadd.s32 $0x400, s4  }
0x8: {  	s19 =	sand.u32 $0x1, s5;
	s7 =	sshll.u32 s6, $0x6;
	s10 =	sadd.s32 $0x100, s1  }
0x9: {  	s11 =	sadd.s32 $0x200, s1;
	_ =	strace $0x80000047;
	s20 =	sand.u32 $0x380, s7  }
0xa: {  	[dreg:$0x5] =	wrdreg s4;
	s4 =	sshll.u32 s19, $0x5;
	s0 =	sadd.s32 s0, s20  }
0xb: {  	s6 =	sor.u32 s4, s7;
	[dreg:$0x7] =	wrdreg s0;
	s0 =	sadd.s32 $0x2400, s0  }
0xc: {  	s5 =	ssub.s32 $0x2, s19;
	s21 =	sand.u32 $0x60, s6;
	[dreg:$0x8] =	wrdreg s0  }
0xd: {  	s8 =	sshrl.u32 s5, $0x1;
	s22 =	sor.u32 $0x8, s21;
	[dreg:$0x6] =	wrdreg s21  }
0xe: {  	s7 =	simm.s32 $0x0;
	s23 =	sor.u32 $0x10, s21;
	[dreg:$0x9] =	wrdreg s22  }
0xf: {  	s5 =	ssub.s32 s5, s8;
	s24 =	sor.u32 $0x18, s21;
	[dreg:$0xa] =	wrdreg s23  }
.Ltmp0:
0x10: {  	s25 =	sor.u32 $0x80, s21;
	[dreg:$0xb] =	wrdreg s24;
	(pc) =	sbr.rel .LBB2_1-.Ltmp0, $4  }
0x11: {  	s8 =	simm.s32 $0xE;
	s26 =	sor.u32 $0x88, s21;
	[dreg:$0xc] =	wrdreg s25  }
0x12: {  	v1 =	vlaneseq.u32;
	s28 =	sor.u32 $0x90, s21;
	s30 =	smax.u32 s5, $0x1;
	[dreg:$0xd] =	wrdreg s26  }
0x13: {  	v0 =	vand.u32 $0x7, v1;
	v1 =	vshrl.u32 v1, $0x3;
	s0 =	simm.s32 $0x1A800;
	s5 =	simm.s32 $0x5;
	[dreg:$0xe] =	wrdreg s28  }
0x14: {  	vm0 =	vmmov $0xffff;
	v1 =	vmul.u32 $0x8, v1;
	v2 =	vmov s21;
	[dreg:$0xf] =	wrdreg s30;
	s25 =	simm.s32 $0x1;
	s24 =	simm.s32 $0x4  }
.LBB2_36:
0x15: {  	s4 =	simm.s32 $0x8  }
0x16: {  	_ =	swait.ge [sflag:s4], $0x1800  }
0x17: {  	[sflag:s4] =	ssyncset.done $0x0  }
0x18: {  	s21 =	simm.s32 $0x9;
	[sflag:s4] =	ssyncadd.s32 $0xFFFFE800  }
0x19: {  	_ =	swait.ge [sflag:s21], $0x1800  }
0x1a: {  	[sflag:s21] =	ssyncset.done $0x0  }
0x1b: {  	s22 =	simm.s32 $0xA;
	[sflag:s21] =	ssyncadd.s32 $0xFFFFE800  }
0x1c: {  	_ =	swait.ge [sflag:s22], $0x1800  }
0x1d: {  	[sflag:s22] =	ssyncset.done $0x0  }
0x1e: {  	s23 =	simm.s32 $0xB;
	[sflag:s22] =	ssyncadd.s32 $0xFFFFE800  }
0x1f: {  	_ =	swait.ge [sflag:s23], $0x1800  }
0x20: {  	[sflag:s23] =	ssyncset.done $0x0  }
0x21: {  	s26 =	simm.s32 $0xC;
	[sflag:s23] =	ssyncadd.s32 $0xFFFFE800  }
0x22: {  	_ =	swait.ge [sflag:s26], $0x1800  }
0x23: {  	[sflag:s26] =	ssyncset.done $0x0  }
0x24: {  	s28 =	simm.s32 $0xD;
	[sflag:s26] =	ssyncadd.s32 $0xFFFFE800  }
0x25: {  	_ =	swait.ge [sflag:s28], $0x1800  }
0x26: {  	[sflag:s28] =	ssyncset.done $0x0  }
0x27: {  	[sflag:s28] =	ssyncadd.s32 $0xFFFFE800  }
0x28: {  	_ =	swait.ge [sflag:s8], $0x1800  }
0x29: {  	s7 =	rddreg [dreg:$0x10]  }
0x2a: {  	s30 =	rddreg [dreg:$0xf];
	s7 =	sadd.s32 $0x1, s7  }
0x2b: {  	p0 =	sne.s32 s7, s30  }
.Ltmp1:
0x2c: {  	_ = 	snop;
	(pc) =	sbr.rel @!p0 .LBB2_37-.Ltmp1, $3  }
0x2d: {  	_ =	sdelay $0x1  }
0x2e: {  	[sflag:s8] =	ssyncset.done $0x0  }
0x2f: {  	[sflag:s8] =	ssyncadd.s32 $0xFFFFE800  }
.LBB2_1:
0x30: {  	[dreg:$0x10] =	wrdreg s7  }
0x31: {  	s4 =	rddreg [dreg:$0x7];
	s23 =	simm.s32 $0x400;
	s13 =	simm.s32 $0x2000  }
0x32: {  	[tilespmem:s3], [sflag:$0xF] =	stream.strided.gather [hbm4b:s4+s23], $0x2400, s13, s23, $0x38;
	[tilespmem:$0x1C000] =	vst v63  }
0x33: {  	s26 =	rddreg [dreg:$0x8];
	s28 =	simm.s32 $0x2400;
	s7 =	simm.s32 $0xF  }
0x34: {  	[tilespmem:s28], [sflag:$0xF] =	stream.linear.gather [hbm4b:s26+s3], $0x280, $0x38;
	[tilespmem:$0x1C000] =	vst v63  }
0x35: {  	_ =	swait.ge [sflag:s7], $0x2680  }
0x36: {  	[sflag:s7] =	ssyncset.done $0x0  }
0x37: {  	s30 =	rddreg [dreg:$0x6];
	[sflag:s7] =	ssyncadd.s32 $0xFFFFD980  }
0x38: {  	v3 =	vld.msk [tilespmem:s30+$0x0], $0xff;
	_ =	sdelay $0x4  }
0x39: {  	v4 =	vshrl.u32 v3, $0x3  }
0x3a: {  	v4 =	vmul.u32 $0x30, v4  }
0x3b: {  	v3 =	vand.u32 $0x7, v3  }
0x3c: {  	v3 =	vor.u32 v3, v4  }
0x3d: {  	v3 =	vperm.xlane v3, v0;
	_ =	sdelay $0x1  }
0x3e: {  	v3 =	vadd.s32 v1, v3;
	_ =	sdelay $0x3  }
0x3f: {  	s13 =	simm.s32 $0x11800  }
0x40: {  	[tilespmem:s13], [sflag:$0x1] =	stream.indirect_vreg.gather [hbm4b:s1+s3], $0x80, v3, vm0, $0xb8;
	[tilespmem:$0x1C000] =	vst v63  }
0x41: {  	s14 =	simm.s32 $0x12000  }
0x42: {  	[tilespmem:s14], [sflag:$0x1] =	stream.indirect_vreg.gather [hbm4b:s10+s3], $0x80, v3, vm0, $0xb8;
	[tilespmem:$0x1C000] =	vst v63  }
0x43: {  	s15 =	simm.s32 $0x12800;
	s16 =	rddreg [dreg:$0x9]  }
0x44: {  	[tilespmem:s15], [sflag:$0x1] =	stream.indirect_vreg.gather [hbm4b:s11+s3], $0x80, v3, vm0, $0xb8;
	[tilespmem:$0x1C000] =	vst v63  }
0x45: {  	v3 =	vld.msk [tilespmem:s16+$0x0], $0xff;
	_ =	sdelay $0x4  }
0x46: {  	v4 =	vshrl.u32 v3, $0x3  }
0x47: {  	v4 =	vmul.u32 $0x30, v4  }
0x48: {  	v3 =	vand.u32 $0x7, v3  }
0x49: {  	v3 =	vor.u32 v3, v4  }
0x4a: {  	v3 =	vperm.xlane v3, v0;
	_ =	sdelay $0x1  }
0x4b: {  	v3 =	vadd.s32 v1, v3;
	_ =	sdelay $0x3  }
0x4c: {  	s17 =	simm.s32 $0x13000  }
0x4d: {  	[tilespmem:s17], [sflag:$0x2] =	stream.indirect_vreg.gather [hbm4b:s1+s3], $0x80, v3, vm0, $0xb8;
	[tilespmem:$0x1C000] =	vst v63  }
0x4e: {  	s18 =	simm.s32 $0x13800  }
0x4f: {  	[tilespmem:s18], [sflag:$0x2] =	stream.indirect_vreg.gather [hbm4b:s10+s3], $0x80, v3, vm0, $0xb8;
	[tilespmem:$0x1C000] =	vst v63  }
0x50: {  	s19 =	simm.s32 $0x14000;
	s20 =	rddreg [dreg:$0xa]  }
0x51: {  	[tilespmem:s19], [sflag:$0x2] =	stream.indirect_vreg.gather [hbm4b:s11+s3], $0x80, v3, vm0, $0xb8;
	[tilespmem:$0x1C000] =	vst v63  }
0x52: {  	v3 =	vld.msk [tilespmem:s20+$0x0], $0xff;
	_ =	sdelay $0x4  }
0x53: {  	v4 =	vshrl.u32 v3, $0x3  }
0x54: {  	v4 =	vmul.u32 $0x30, v4  }
0x55: {  	v3 =	vand.u32 $0x7, v3  }
0x56: {  	v3 =	vor.u32 v3, v4  }
0x57: {  	v3 =	vperm.xlane v3, v0;
	_ =	sdelay $0x1  }
0x58: {  	v3 =	vadd.s32 v1, v3;
	_ =	sdelay $0x3  }
0x59: {  	s21 =	simm.s32 $0x14800  }
0x5a: {  	[tilespmem:s21], [sflag:$0x3] =	stream.indirect_vreg.gather [hbm4b:s1+s3], $0x80, v3, vm0, $0xb8;
	[tilespmem:$0x1C000] =	vst v63  }
0x5b: {  	s22 =	simm.s32 $0x15000  }
0x5c: {  	[tilespmem:s22], [sflag:$0x3] =	stream.indirect_vreg.gather [hbm4b:s10+s3], $0x80, v3, vm0, $0xb8;
	[tilespmem:$0x1C000] =	vst v63  }
0x5d: {  	s23 =	simm.s32 $0x15800;
	s26 =	rddreg [dreg:$0xb]  }
0x5e: {  	[tilespmem:s23], [sflag:$0x3] =	stream.indirect_vreg.gather [hbm4b:s11+s3], $0x80, v3, vm0, $0xb8;
	[tilespmem:$0x1C000] =	vst v63  }
0x5f: {  	v3 =	vld.msk [tilespmem:s26+$0x0], $0xff;
	_ =	sdelay $0x4  }
0x60: {  	v4 =	vshrl.u32 v3, $0x3  }
0x61: {  	v4 =	vmul.u32 $0x30, v4  }
0x62: {  	v3 =	vand.u32 $0x7, v3  }
0x63: {  	v3 =	vor.u32 v3, v4  }
0x64: {  	v3 =	vperm.xlane v3, v0;
	_ =	sdelay $0x1  }
0x65: {  	v3 =	vadd.s32 v1, v3;
	_ =	sdelay $0x3  }
0x66: {  	s28 =	simm.s32 $0x16000  }
0x67: {  	[tilespmem:s28], [sflag:$0x4] =	stream.indirect_vreg.gather [hbm4b:s1+s3], $0x80, v3, vm0, $0xb8;
	[tilespmem:$0x1C000] =	vst v63  }
0x68: {  	s30 =	simm.s32 $0x16800  }
0x69: {  	[tilespmem:s30], [sflag:$0x4] =	stream.indirect_vreg.gather [hbm4b:s10+s3], $0x80, v3, vm0, $0xb8;
	[tilespmem:$0x1C000] =	vst v63  }
0x6a: {  	s13 =	simm.s32 $0x17000;
	s14 =	rddreg [dreg:$0xc]  }
0x6b: {  	[tilespmem:s13], [sflag:$0x4] =	stream.indirect_vreg.gather [hbm4b:s11+s3], $0x80, v3, vm0, $0xb8;
	[tilespmem:$0x1C000] =	vst v63  }
0x6c: {  	v3 =	vld.msk [tilespmem:s14+$0x0], $0xff;
	_ =	sdelay $0x4  }
0x6d: {  	v4 =	vshrl.u32 v3, $0x3  }
0x6e: {  	v4 =	vmul.u32 $0x30, v4  }
0x6f: {  	v3 =	vand.u32 $0x7, v3  }
0x70: {  	v3 =	vor.u32 v3, v4  }
0x71: {  	v3 =	vperm.xlane v3, v0;
	_ =	sdelay $0x1  }
0x72: {  	v3 =	vadd.s32 v1, v3;
	_ =	sdelay $0x3  }
0x73: {  	s15 =	simm.s32 $0x17800  }
0x74: {  	[tilespmem:s15], [sflag:$0x5] =	stream.indirect_vreg.gather [hbm4b:s1+s3], $0x80, v3, vm0, $0xb8;
	[tilespmem:$0x1C000] =	vst v63  }
0x75: {  	s16 =	simm.s32 $0x18000  }
0x76: {  	[tilespmem:s16], [sflag:$0x5] =	stream.indirect_vreg.gather [hbm4b:s10+s3], $0x80, v3, vm0, $0xb8;
	[tilespmem:$0x1C000] =	vst v63  }
0x77: {  	s17 =	simm.s32 $0x18800;
	s18 =	rddreg [dreg:$0xd]  }
0x78: {  	[tilespmem:s17], [sflag:$0x5] =	stream.indirect_vreg.gather [hbm4b:s11+s3], $0x80, v3, vm0, $0xb8;
	[tilespmem:$0x1C000] =	vst v63  }
0x79: {  	v3 =	vld.msk [tilespmem:s18+$0x0], $0xff;
	_ =	sdelay $0x4  }
0x7a: {  	v4 =	vshrl.u32 v3, $0x3  }
0x7b: {  	v4 =	vmul.u32 $0x30, v4  }
0x7c: {  	v3 =	vand.u32 $0x7, v3  }
0x7d: {  	v3 =	vor.u32 v3, v4  }
0x7e: {  	v3 =	vperm.xlane v3, v0;
	_ =	sdelay $0x1  }
0x7f: {  	v3 =	vadd.s32 v1, v3;
	_ =	sdelay $0x3  }
0x80: {  	s19 =	simm.s32 $0x19000  }
0x81: {  	[tilespmem:s19], [sflag:$0x6] =	stream.indirect_vreg.gather [hbm4b:s1+s3], $0x80, v3, vm0, $0xb8;
	[tilespmem:$0x1C000] =	vst v63  }
0x82: {  	s20 =	simm.s32 $0x19800  }
0x83: {  	[tilespmem:s20], [sflag:$0x6] =	stream.indirect_vreg.gather [hbm4b:s10+s3], $0x80, v3, vm0, $0xb8;
	[tilespmem:$0x1C000] =	vst v63  }
0x84: {  	s21 =	simm.s32 $0x1A000;
	s22 =	rddreg [dreg:$0xe]  }
0x85: {  	[tilespmem:s21], [sflag:$0x6] =	stream.indirect_vreg.gather [hbm4b:s11+s3], $0x80, v3, vm0, $0xb8;
	[tilespmem:$0x1C000] =	vst v63  }
0x86: {  	v3 =	vld.msk [tilespmem:s22+$0x0], $0xff;
	_ =	sdelay $0x4  }
0x87: {  	v4 =	vshrl.u32 v3, $0x3  }
0x88: {  	v4 =	vmul.u32 $0x30, v4  }
0x89: {  	v3 =	vand.u32 $0x7, v3  }
0x8a: {  	v3 =	vor.u32 v3, v4  }
0x8b: {  	v3 =	vperm.xlane v3, v0;
	_ =	sdelay $0x1  }
0x8c: {  	v3 =	vadd.s32 v1, v3;
	_ =	sdelay $0x4  }
0x8d: {  	[tilespmem:s0], [sflag:$0x7] =	stream.indirect_vreg.gather [hbm4b:s1+s3], $0x80, v3, vm0, $0xb8;
	[tilespmem:$0x1C000] =	vst v63  }
0x8e: {  	s23 =	simm.s32 $0x1B000  }
0x8f: {  	[tilespmem:s23], [sflag:$0x7] =	stream.indirect_vreg.gather [hbm4b:s10+s3], $0x80, v3, vm0, $0xb8;
	[tilespmem:$0x1C000] =	vst v63  }
0x90: {  	s26 =	simm.s32 $0x1B800  }
0x91: {  	[tilespmem:s26], [sflag:$0x7] =	stream.indirect_vreg.gather [hbm4b:s11+s3], $0x80, v3, vm0, $0xb8;
	[tilespmem:$0x1C000] =	vst v63  }
0x92: {  	s28 =	rddreg [dreg:$0x5];
	s30 =	simm.s32 $0x2800  }
0x93: {  	[tilespmem:s30], [sflag:$0xF] =	stream.linear.gather [hbm4b:s28+s3], $0xF000, $0x38;
	[tilespmem:$0x1C000] =	vst v63  }
0x94: {  	_ =	swait.ge [sflag:s7], $0xF000  }
0x95: {  	[sflag:s7] =	ssyncset.done $0x0  }
0x96: {  	s4 =	simm.s32 $0x0;
	v3 =	vimm.f32 $0.0e+00;
	[sflag:s7] =	ssyncadd.s32 $0xFFFF1000  }
.LBB2_2:
0x97: {  	s7 =	sshrl.u32 s4, $0x3  }
0x98: {  	s7 =	smul.u32 $0x6000, s7  }
0x99: {  	s13 =	sshll.u32 s4, $0x7  }
0x9a: {  	s13 =	sand.u32 $0x380, s13;
	s7 =	sshra.s32 s7, $0x2  }
0x9b: {  	s30 =	simm.s32 $0x0;
	s7 =	sor.u32 s13, s7  }
0x9c: {  	s14 =	sand.u32 $0x1C00, s30;
	s7 =	sadd.s32 $0x2800, s7  }
0x9d: {  	s13 =	sand.u32 $0x70, s30;
	s14 =	sadd.s32 s14, s7  }
0x9e: {  	s14 =	sadd.s32 s13, s14  }
0x9f: {  	v4 =	vld [tilespmem:s14+$0x0]  }
0xa0: {  	s13 =	simm.s32 $0x10;
	s14 =	simm.s32 $0x80  }
.LBB2_3:
0xa1: {  	s15 =	sand.u32 $0x1C00, s14  }
0xa2: {  	p0 =	sne.s32 s13, $0x2F0;
	s16 =	smov.u32 s13;
	s13 =	sadd.s32 $0x10, s13  }
.Ltmp2:
0xa3: {  	s16 =	sand.u32 $0x70, s16;
	s15 =	sadd.s32 s15, s7;
	(pc) =	sbr.rel @p0 .LBB2_3-.Ltmp2, $3  }
0xa4: {  	s15 =	sadd.s32 s16, s15;
	v5 =	vand.u32 $0x7FFFFFFF, v4  }
0xa5: {  	v4 =	vld [tilespmem:s15+$0x0];
	v3 =	vmax.f32 v3, v5;
	_ =	sdelay $0x1  }
0xa6: {  	s14 =	sadd.s32 $0x80, s14  }
0xa7: {  	s4 =	sadd.s32 $0x1, s4  }
0xa8: {  	p0 =	sne.s32 s4, $0x4D  }
.Ltmp3:
0xa9: {  	_ = 	snop;
	(pc) =	sbr.rel @p0 .LBB2_2-.Ltmp3, $3  }
0xaa: {  	_ =	sdelay $0x1  }
0xab: {  	v4 =	vand.u32 $0x7FFFFFFF, v4  }
0xac: {  	v3 =	vmax.f32 v3, v4  }
0xad: {  	(v2sf) =	vpush v3, $0x0  }
0xae: {  	(v2sf) =	vpush v3, $0x1  }
0xaf: {  	(v2sf) =	vpush v3, $0x2  }
0xb0: {  	(v2sf) =	vpush v3, $0x3  }
0xb1: {  	(v2sf) =	vpush v3, $0x4  }
0xb2: {  	(v2sf) =	vpush v3, $0x5  }
0xb3: {  	(v2sf) =	vpush v3, $0x6  }
0xb4: {  	(v2sf) =	vpush v3, $0x7  }
0xb5: {  	(v2sf) =	vpush v3, $0x8  }
0xb6: {  	(v2sf) =	vpush v3, $0x9  }
0xb7: {  	(v2sf) =	vpush v3, $0xA  }
0xb8: {  	(v2sf) =	vpush v3, $0xB  }
0xb9: {  	(v2sf) =	vpush v3, $0xC  }
0xba: {  	(v2sf) =	vpush v3, $0xD  }
0xbb: {  	(v2sf) =	vpush v3, $0xE  }
0xbc: {  	s4 =	spop (v2sf);
	(v2sf) =	vpush v3, $0xF  }
0xbd: {  	s7 =	spop (v2sf)  }
0xbe: {  	s4 =	smax.f32 s4, s7;
	s13 =	spop (v2sf)  }
0xbf: {  	s4 =	smax.f32 s4, s13;
	s14 =	spop (v2sf)  }
0xc0: {  	s4 =	smax.f32 s4, s14;
	s15 =	spop (v2sf)  }
0xc1: {  	s4 =	smax.f32 s4, s15;
	s16 =	spop (v2sf)  }
0xc2: {  	s4 =	smax.f32 s4, s16;
	s17 =	spop (v2sf)  }
0xc3: {  	s4 =	smax.f32 s4, s17;
	s18 =	spop (v2sf)  }
0xc4: {  	s4 =	smax.f32 s4, s18;
	s19 =	spop (v2sf)  }
0xc5: {  	s4 =	smax.f32 s4, s19;
	s20 =	spop (v2sf)  }
0xc6: {  	s4 =	smax.f32 s4, s20;
	s21 =	spop (v2sf)  }
0xc7: {  	s4 =	smax.f32 s4, s21;
	s22 =	spop (v2sf)  }
0xc8: {  	s4 =	smax.f32 s4, s22;
	s23 =	spop (v2sf)  }
0xc9: {  	s4 =	smax.f32 s4, s23;
	s26 =	spop (v2sf)  }
0xca: {  	s4 =	smax.f32 s4, s26;
	s28 =	spop (v2sf)  }
0xcb: {  	s4 =	smax.f32 s4, s28;
	s30 =	spop (v2sf)  }
0xcc: {  	s4 =	smax.f32 s4, s30  }
0xcd: {  	p0 =	slt.f32 s4, $0.0e+00;
	p1 =	sgt.f32 s4, $0.0e+00  }
0xce: {  	_ = 	snop  }
0xcf: {  	p0 =	por p1, p0  }
0xd0: {  	s13 =	simm.s32 $0x0;
	p0 =	por !p0, !p0  }
.LBB2_6:
.Ltmp4:
0xd1: {  	(pc) =	sbr.rel @p0 .LBB2_10-.Ltmp4, $4  }
0xd2: {  	_ = 	snop  }
0xd3: {  	_ =	swait.ge [sflag:s25], $0x1800  }
0xd4: {  	[sflag:s25] =	ssyncset.done $0x0  }
0xd5: {  	s14 =	smul.u32 $0x7, s13;
	[sflag:s25] =	ssyncadd.s32 $0xFFFFE800  }
0xd6: {  	_ = 	snop  }
0xd7: {  	s7 =	simm.s32 $0x0;
	s15 =	smul.u32 $0xE0, s13;
	s4 =	sshrl.u32 s14, $0x5  }
0xd8: {  	s17 =	sand.u32 $0x70, s7;
	s18 =	sand.u32 $0x1C00, s7;
	s4 =	smul.u32 $0x6000, s4  }
0xd9: {  	s7 =	sor.u32 s17, s18  }
0xda: {  	s15 =	sand.u32 $0x380, s15;
	s16 =	sadd.s32 $0x11800, s7;
	v8 =	vld [tilespmem:s7+$0x11800];
	s4 =	sshra.s32 s4, $0x2  }
0xdb: {  	v3 =	vld [tilespmem:s16+$0x100];
	s4 =	sor.u32 s15, s4  }
0xdc: {  	v4 =	vld [tilespmem:s16+$0x200];
	s19 =	sadd.s32 $0x2800, s4  }
0xdd: {  	s26 =	simm.s32 $0x10;
	s20 =	simm.s32 $0x80;
	v6 =	vld [tilespmem:s16+$0x180];
	s28 =	sadd.s32 s18, s19  }
0xde: {  	s30 =	sand.u32 $0x1C00, s20;
	v5 =	vld [tilespmem:s16+$0x300];
	s4 =	sand.u32 $0x70, s26;
	s15 =	sadd.s32 s17, s28  }
0xdf: {  	s23 =	sadd.s32 s30, s19;
	s18 =	sor.u32 s4, s30;
	v7 =	vld [tilespmem:s15+$0x0]  }
0xe0: {  	s22 =	simm.s32 $0x20;
	v9 =	vld [tilespmem:s16+$0x380];
	s17 =	sadd.s32 s4, s23;
	s15 =	sadd.s32 $0x11800, s18  }
.LBB2_8:
0xe1: {  	_ =	sdelay $0x1  }
0xe2: {  	p1 =	sne.s32 s22, $0x2F0  }
0xe3: {  	s20 =	sadd.s32 $0x80, s20;
	v10 =	vld [tilespmem:s16+$0x280];
	s4 =	smov.u32 s22;
	s22 =	sadd.s32 $0x10, s22;
	v8 =	vadd.f32 v8, v7  }
0xe4: {  	v11 =	vld [tilespmem:s16+$0x80];
	v9 =	vadd.f32 v9, v7  }
0xe5: {  	v3 =	vadd.f32 v3, v7;
	[tilespmem:s7+$0x11800] =	vst v8;
	s7 =	smov.u32 s18  }
0xe6: {  	v4 =	vadd.f32 v4, v7;
	[tilespmem:s16+$0x380] =	vst v9  }
0xe7: {  	v6 =	vadd.f32 v6, v7;
	[tilespmem:s16+$0x100] =	vst v3  }
0xe8: {  	s4 =	sand.u32 $0x70, s4;
	v5 =	vadd.f32 v5, v7;
	s18 =	sand.u32 $0x1C00, s20;
	v3 =	vld [tilespmem:s15+$0x100];
	[tilespmem:s16+$0x200] =	vst v4  }
0xe9: {  	s23 =	sadd.s32 s18, s19;
	s18 =	sor.u32 s4, s18;
	v4 =	vld [tilespmem:s15+$0x200];
	v9 =	vadd.f32 v11, v7;
	[tilespmem:s16+$0x180] =	vst v6;
	v7 =	vadd.f32 v10, v7  }
.Ltmp5:
0xea: {  	s4 =	sadd.s32 s4, s23;
	s23 =	sadd.s32 $0x11800, s18;
	v6 =	vld [tilespmem:s15+$0x180];
	[tilespmem:s16+$0x300] =	vst v5;
	(pc) =	sbr.rel @p1 .LBB2_8-.Ltmp5, $4  }
0xeb: {  	v5 =	vld [tilespmem:s15+$0x300];
	[tilespmem:s16+$0x280] =	vst v7  }
0xec: {  	v8 =	vld [tilespmem:s7+$0x11800];
	[tilespmem:s16+$0x80] =	vst v9;
	s16 =	smov.u32 s15;
	s15 =	smov.u32 s23  }
0xed: {  	v7 =	vld [tilespmem:s17+$0x0];
	s17 =	smov.u32 s4  }
0xee: {  	v9 =	vld [tilespmem:s16+$0x380]  }
0xef: {  	_ =	sdelay $0x2  }
0xf0: {  	v8 =	vadd.f32 v8, v7  }
0xf1: {  	v11 =	vld [tilespmem:s16+$0x80];
	v3 =	vadd.f32 v3, v7  }
0xf2: {  	v10 =	vld [tilespmem:s16+$0x280];
	v4 =	vadd.f32 v4, v7;
	[tilespmem:s7+$0x11800] =	vst v8  }
0xf3: {  	v53 =	vadd.f32 v5, v7;
	[tilespmem:s16+$0x100] =	vst v3  }
0xf4: {  	v9 =	vadd.f32 v9, v7;
	[tilespmem:s16+$0x200] =	vst v4  }
0xf5: {  	v3 =	vadd.f32 v6, v7;
	[tilespmem:s16+$0x300] =	vst v53  }
0xf6: {  	v54 =	vadd.f32 v11, v7;
	[tilespmem:s16+$0x380] =	vst v9  }
0xf7: {  	[tilespmem:s16+$0x180] =	vst v3;
	v3 =	vadd.f32 v10, v7  }
0xf8: {  	[tilespmem:s16+$0x80] =	vst v54  }
0xf9: {  	[tilespmem:s16+$0x280] =	vst v3;
	v3 =	vld [tilespmem:s18+$0x11800]  }
0xfa: {  	v4 =	vld [tilespmem:s17+$0x0]  }
0xfb: {  	v55 =	vld [tilespmem:s15+$0x380]  }
0xfc: {  	v56 =	vld [tilespmem:s15+$0x100]  }
0xfd: {  	v57 =	vld [tilespmem:s15+$0x200]  }
0xfe: {  	v58 =	vld [tilespmem:s15+$0x180]  }
0xff: {  	v59 =	vld [tilespmem:s15+$0x300];
	v3 =	vadd.f32 v3, v4  }
0x100: {  	v60 =	vld [tilespmem:s15+$0x280];
	v5 =	vadd.f32 v55, v4  }
0x101: {  	v61 =	vld [tilespmem:s15+$0x80];
	[tilespmem:s18+$0x11800] =	vst v3;
	v3 =	vadd.f32 v56, v4  }
0x102: {  	v62 =	vadd.f32 v57, v4;
	[tilespmem:s15+$0x380] =	vst v5  }
0x103: {  	[tilespmem:s15+$0x100] =	vst v3;
	v3 =	vadd.f32 v58, v4  }
0x104: {  	v63 =	vadd.f32 v59, v4;
	[tilespmem:s15+$0x200] =	vst v62  }
0x105: {  	[tilespmem:s15+$0x180] =	vst v3;
	v3 =	vadd.f32 v60, v4  }
0x106: {  	[tilespmem:s15+$0x300] =	vst v63;
	v4 =	vadd.f32 v61, v4  }
0x107: {  	[tilespmem:s15+$0x280] =	vst v3  }
0x108: {  	[tilespmem:s15+$0x80] =	vst v4  }
.LBB2_10:
0x109: {  	s4 =	smul.u32 $0x18, s13;
	_ =	sdelay $0x1  }
0x10a: {  	s15 =	sand.u32 $0x18, s4  }
0x10b: {  	s28 =	sshrl.u32 s14, $0x2;
	s7 =	sor.u32 s6, s15  }
0x10c: {  	s4 =	smul.u32 $0xC0000, s28;
	s7 =	sshrl.u32 s7, $0x3  }
0x10d: {  	s16 =	smul.u32 $0x1800, s7;
	_ =	sdelay $0x1  }
0x10e: {  	s4 =	sadd.s32 s4, s16  }
0x10f: {  	s4 =	sshrl.u32 s4, $0x3  }
0x110: {  	s30 =	simm.s32 $0x11800;
	p1 =	seq.s32 s13, $0x2B;
	s4 =	sadd.s32 s2, s4  }
0x111: {  	[hbm4b:s4+s3] =	stream.linear.scatter [tilespmem:s30], [sflag:$0x8], $0x1800, $0x38;
	[tilespmem:$0x1C000] =	vst v63  }
0x112: {  	s7 =	simm.s32 @!p1 $0x8;
	s4 =	sadd.s32 @!p1 $0x7, s14  }
0x113: {  	_ =	swait.ge @!p1 [sflag:s7], $0x1800;
	s17 =	sshll.u32 @!p1 s4, $0x3;
	s4 =	sshll.u32 @!p1 s4, $0x5  }
0x114: {  	[sflag:s7] =	ssyncset.done @!p1 $0x0;
	s17 =	sand.u32 @!p1 $0x18, s17;
	s4 =	sand.u32 @!p1 $0x7F80, s4  }
0x115: {  	[sflag:s7] =	ssyncadd.s32 @!p1 $0xFFFFE800;
	s4 =	sor.u32 @!p1 s4, s17  }
0x116: {  	v3 =	vld.idx.msk @!p1 [tilespmem:v2+s4+$0x0 ss:$0x1], $0xff;
	_ =	sdelay $0x4  }
0x117: {  	v4 =	vshrl.u32 @!p1 v3, $0x3  }
0x118: {  	v4 =	vmul.u32 @!p1 $0x30, v4  }
0x119: {  	v5 =	vlaneseq.u32 @!p1;
	v3 =	vand.u32 @!p1 $0x7, v3  }
0x11a: {  	v4 =	vor.u32 @!p1 v3, v4;
	v3 =	vand.u32 @!p1 $0x7, v5;
	v5 =	vshrl.u32 @!p1 v5, $0x3  }
0x11b: {  	v6 =	vperm.xlane @!p1 v4, v3;
	v4 =	vmul.u32 @!p1 $0x8, v5;
	_ =	sdelay $0x1  }
0x11c: {  	v5 =	vadd.s32 @!p1 v4, v6;
	_ =	sdelay $0x3  }
0x11d: {  	vm1 =	vmmov @!p1 $0xffff;
	s18 =	simm.s32 @!p1 $0x0;
	s4 =	simm.s32 @!p1 $0x11800  }
0x11e: {  	[tilespmem:s4], [sflag:$0x1] =	stream.indirect_vreg.gather @!p1 [hbm4b:s1+s18], $0x80, v5, vm1, $0xb8;
	[tilespmem:$0x1C000] =	vst v63  }
0x11f: {  	s4 =	simm.s32 @!p1 $0x12000  }
0x120: {  	[tilespmem:s4], [sflag:$0x1] =	stream.indirect_vreg.gather @!p1 [hbm4b:s10+s18], $0x80, v5, vm1, $0xb8;
	[tilespmem:$0x1C000] =	vst v63  }
.Ltmp6:
0x121: {  	s4 =	simm.s32 @!p1 $0x12800;
	(pc) =	sbr.rel @p0 .LBB2_14-.Ltmp6, $4  }
0x122: {  	[tilespmem:s4], [sflag:$0x1] =	stream.indirect_vreg.gather @!p1 [hbm4b:s11+s18], $0x80, v5, vm1, $0xb8;
	[tilespmem:$0x1C000] =	vst v63  }
0x123: {  	_ =	swait.ge [sflag:s29], $0x1800  }
0x124: {  	[sflag:s29] =	ssyncset.done $0x0  }
0x125: {  	s17 =	sadd.s32 $0x1, s14;
	[sflag:s29] =	ssyncadd.s32 $0xFFFFE800  }
0x126: {  	s4 =	simm.s32 $0x0;
	s7 =	sshrl.u32 s17, $0x5  }
0x127: {  	s20 =	sand.u32 $0x70, s4;
	s4 =	sand.u32 $0x1C00, s4;
	s22 =	smul.u32 $0x6000, s7  }
0x128: {  	s23 =	sshll.u32 s17, $0x5;
	s19 =	sor.u32 s20, s4  }
0x129: {  	s23 =	sand.u32 $0x380, s23;
	s7 =	sadd.s32 $0x13000, s19;
	s22 =	sshra.s32 s22, $0x2;
	v10 =	vld [tilespmem:s19+$0x13000]  }
0x12a: {  	v5 =	vld [tilespmem:s7+$0x100];
	s22 =	sor.u32 s23, s22  }
0x12b: {  	v6 =	vld [tilespmem:s7+$0x200];
	s26 =	sadd.s32 $0x2800, s22  }
0x12c: {  	s30 =	simm.s32 $0x80;
	v8 =	vld [tilespmem:s7+$0x180];
	s23 =	simm.s32 $0x10;
	s4 =	sadd.s32 s4, s26  }
0x12d: {  	s28 =	sand.u32 $0x1C00, s30;
	v7 =	vld [tilespmem:s7+$0x300];
	s4 =	sadd.s32 s20, s4;
	s20 =	sand.u32 $0x70, s23  }
0x12e: {  	s21 =	sadd.s32 s28, s26;
	s23 =	sor.u32 s20, s28;
	v9 =	vld [tilespmem:s4+$0x0]  }
0x12f: {  	v11 =	vld [tilespmem:s7+$0x380];
	s4 =	simm.s32 $0x20;
	s20 =	sadd.s32 s20, s21;
	s22 =	sadd.s32 $0x13000, s23  }
.LBB2_12:
0x130: {  	_ =	sdelay $0x1  }
0x131: {  	p2 =	sne.s32 s4, $0x2F0  }
0x132: {  	s30 =	sadd.s32 $0x80, s30;
	v12 =	vld [tilespmem:s7+$0x280];
	s21 =	smov.u32 s4;
	s4 =	sadd.s32 $0x10, s4;
	v10 =	vadd.f32 v10, v9  }
0x133: {  	v13 =	vld [tilespmem:s7+$0x80];
	v11 =	vadd.f32 v11, v9  }
0x134: {  	v5 =	vadd.f32 v5, v9;
	[tilespmem:s19+$0x13000] =	vst v10;
	s19 =	smov.u32 s23  }
0x135: {  	v6 =	vadd.f32 v6, v9;
	[tilespmem:s7+$0x380] =	vst v11  }
0x136: {  	v8 =	vadd.f32 v8, v9;
	[tilespmem:s7+$0x100] =	vst v5  }
0x137: {  	s21 =	sand.u32 $0x70, s21;
	v7 =	vadd.f32 v7, v9;
	s23 =	sand.u32 $0x1C00, s30;
	v5 =	vld [tilespmem:s22+$0x100];
	[tilespmem:s7+$0x200] =	vst v6  }
0x138: {  	s28 =	sadd.s32 s23, s26;
	s23 =	sor.u32 s21, s23;
	v6 =	vld [tilespmem:s22+$0x200];
	v11 =	vadd.f32 v13, v9;
	[tilespmem:s7+$0x180] =	vst v8;
	v9 =	vadd.f32 v12, v9  }
.Ltmp7:
0x139: {  	s21 =	sadd.s32 s21, s28;
	s28 =	sadd.s32 $0x13000, s23;
	v8 =	vld [tilespmem:s22+$0x180];
	[tilespmem:s7+$0x300] =	vst v7;
	(pc) =	sbr.rel @p2 .LBB2_12-.Ltmp7, $4  }
0x13a: {  	v7 =	vld [tilespmem:s22+$0x300];
	[tilespmem:s7+$0x280] =	vst v9  }
0x13b: {  	v10 =	vld [tilespmem:s19+$0x13000];
	[tilespmem:s7+$0x80] =	vst v11;
	s7 =	smov.u32 s22;
	s22 =	smov.u32 s28  }
0x13c: {  	v9 =	vld [tilespmem:s20+$0x0];
	s20 =	smov.u32 s21  }
0x13d: {  	v11 =	vld [tilespmem:s7+$0x380]  }
0x13e: {  	_ =	sdelay $0x2  }
0x13f: {  	v10 =	vadd.f32 v10, v9  }
0x140: {  	v13 =	vld [tilespmem:s7+$0x80];
	v5 =	vadd.f32 v5, v9  }
0x141: {  	v12 =	vld [tilespmem:s7+$0x280];
	v6 =	vadd.f32 v6, v9;
	[tilespmem:s19+$0x13000] =	vst v10  }
0x142: {  	v11 =	vadd.f32 v11, v9;
	[tilespmem:s7+$0x100] =	vst v5  }
0x143: {  	v5 =	vadd.f32 v8, v9;
	[tilespmem:s7+$0x200] =	vst v6  }
0x144: {  	v6 =	vadd.f32 v7, v9;
	[tilespmem:s7+$0x380] =	vst v11  }
0x145: {  	v7 =	vadd.f32 v13, v9;
	[tilespmem:s7+$0x180] =	vst v5  }
0x146: {  	v5 =	vadd.f32 v12, v9;
	[tilespmem:s7+$0x300] =	vst v6  }
0x147: {  	[tilespmem:s7+$0x80] =	vst v7  }
0x148: {  	[tilespmem:s7+$0x280] =	vst v5;
	v5 =	vld [tilespmem:s23+$0x13000]  }
0x149: {  	v6 =	vld [tilespmem:s20+$0x0]  }
0x14a: {  	v7 =	vld [tilespmem:s22+$0x380]  }
0x14b: {  	v57 =	vld [tilespmem:s22+$0x100]  }
0x14c: {  	v58 =	vld [tilespmem:s22+$0x200]  }
0x14d: {  	v59 =	vld [tilespmem:s22+$0x180]  }
0x14e: {  	v60 =	vld [tilespmem:s22+$0x300];
	v5 =	vadd.f32 v5, v6  }
0x14f: {  	v61 =	vld [tilespmem:s22+$0x280];
	v7 =	vadd.f32 v7, v6  }
0x150: {  	v62 =	vld [tilespmem:s22+$0x80];
	[tilespmem:s23+$0x13000] =	vst v5;
	v5 =	vadd.f32 v57, v6  }
0x151: {  	v63 =	vadd.f32 v58, v6;
	[tilespmem:s22+$0x380] =	vst v7  }
0x152: {  	[tilespmem:s22+$0x100] =	vst v5;
	v5 =	vadd.f32 v59, v6  }
0x153: {  	[tilespmem:s22+$0x200] =	vst v63;
	v7 =	vadd.f32 v60, v6  }
0x154: {  	[tilespmem:s22+$0x180] =	vst v5;
	v5 =	vadd.f32 v61, v6  }
0x155: {  	[tilespmem:s22+$0x300] =	vst v7;
	v6 =	vadd.f32 v62, v6  }
0x156: {  	[tilespmem:s22+$0x280] =	vst v5  }
0x157: {  	[tilespmem:s22+$0x80] =	vst v6  }
.LBB2_14:
0x158: {  	s4 =	sshll.u32 s17, $0x3  }
0x159: {  	s4 =	sand.u32 $0x18, s4  }
0x15a: {  	s7 =	sshrl.u32 s17, $0x2;
	s4 =	sor.u32 s6, s4  }
0x15b: {  	s7 =	smul.u32 $0xC0000, s7;
	s4 =	sshrl.u32 s4, $0x3  }
0x15c: {  	s4 =	smul.u32 $0x1800, s4;
	_ =	sdelay $0x1  }
0x15d: {  	s4 =	sadd.s32 s7, s4  }
0x15e: {  	s4 =	sshrl.u32 s4, $0x3  }
0x15f: {  	s17 =	smul.u32 @!p1 $0x380, s13;
	s30 =	simm.s32 $0x13000;
	s4 =	sadd.s32 s2, s4  }
0x160: {  	[hbm4b:s4+s3] =	stream.linear.scatter [tilespmem:s30], [sflag:$0x9], $0x1800, $0x38;
	[tilespmem:$0x1C000] =	vst v63  }
0x161: {  	s7 =	sadd.s32 @!p1 $0x400, s17;
	s4 =	simm.s32 @!p1 $0x9  }
0x162: {  	s7 =	sand.u32 @!p1 $0x1FE00, s7;
	_ =	swait.ge @!p1 [sflag:s4], $0x1800  }
0x163: {  	s7 =	sshrl.u32 @!p1 s7, $0x2;
	[sflag:s4] =	ssyncset.done @!p1 $0x0  }
0x164: {  	[sflag:s4] =	ssyncadd.s32 @!p1 $0xFFFFE800;
	s4 =	sor.u32 @!p1 s7, s15  }
0x165: {  	v5 =	vld.idx.msk @!p1 [tilespmem:v2+s4+$0x0 ss:$0x1], $0xff;
	_ =	sdelay $0x4  }
0x166: {  	v6 =	vshrl.u32 @!p1 v5, $0x3  }
0x167: {  	v6 =	vmul.u32 @!p1 $0x30, v6  }
0x168: {  	v5 =	vand.u32 @!p1 $0x7, v5  }
0x169: {  	v5 =	vor.u32 @!p1 v5, v6  }
0x16a: {  	v3 =	vperm.xlane @!p1 v5, v3;
	_ =	sdelay $0x1  }
0x16b: {  	v3 =	vadd.s32 @!p1 v4, v3;
	_ =	sdelay $0x3  }
0x16c: {  	s4 =	simm.s32 @!p1 $0x13000  }
0x16d: {  	[tilespmem:s4], [sflag:$0x2] =	stream.indirect_vreg.gather @!p1 [hbm4b:s1+s18], $0x80, v3, vm1, $0xb8;
	[tilespmem:$0x1C000] =	vst v63  }
0x16e: {  	s4 =	simm.s32 @!p1 $0x13800  }
0x16f: {  	[tilespmem:s4], [sflag:$0x2] =	stream.indirect_vreg.gather @!p1 [hbm4b:s10+s18], $0x80, v3, vm1, $0xb8;
	[tilespmem:$0x1C000] =	vst v63  }
.Ltmp8:
0x170: {  	s4 =	simm.s32 @!p1 $0x14000;
	(pc) =	sbr.rel @p0 .LBB2_18-.Ltmp8, $4  }
0x171: {  	[tilespmem:s4], [sflag:$0x2] =	stream.indirect_vreg.gather @!p1 [hbm4b:s11+s18], $0x80, v3, vm1, $0xb8;
	[tilespmem:$0x1C000] =	vst v63  }
0x172: {  	_ =	swait.ge [sflag:s31], $0x1800  }
0x173: {  	[sflag:s31] =	ssyncset.done $0x0  }
0x174: {  	s18 =	sadd.s32 $0x2, s14;
	[sflag:s31] =	ssyncadd.s32 $0xFFFFE800  }
0x175: {  	s4 =	simm.s32 $0x0;
	s7 =	sshrl.u32 s18, $0x5  }
0x176: {  	s20 =	sand.u32 $0x70, s4;
	s4 =	sand.u32 $0x1C00, s4;
	s21 =	smul.u32 $0x6000, s7  }
0x177: {  	s22 =	sshll.u32 s18, $0x5;
	s19 =	sor.u32 s20, s4  }
0x178: {  	s22 =	sand.u32 $0x380, s22;
	s7 =	sadd.s32 $0x14800, s19;
	s21 =	sshra.s32 s21, $0x2;
	v8 =	vld [tilespmem:s19+$0x14800]  }
0x179: {  	v3 =	vld [tilespmem:s7+$0x100];
	s21 =	sor.u32 s22, s21  }
0x17a: {  	v4 =	vld [tilespmem:s7+$0x200];
	s26 =	sadd.s32 $0x2800, s21  }
0x17b: {  	s28 =	simm.s32 $0x10;
	s30 =	simm.s32 $0x80;
	v6 =	vld [tilespmem:s7+$0x180];
	s4 =	sadd.s32 s4, s26  }
0x17c: {  	s23 =	sand.u32 $0x1C00, s30;
	v5 =	vld [tilespmem:s7+$0x300];
	s22 =	sand.u32 $0x70, s28;
	s4 =	sadd.s32 s20, s4  }
0x17d: {  	s28 =	sadd.s32 s23, s26;
	s23 =	sor.u32 s22, s23;
	v7 =	vld [tilespmem:s4+$0x0]  }
0x17e: {  	v9 =	vld [tilespmem:s7+$0x380];
	s20 =	sadd.s32 s22, s28;
	s22 =	sadd.s32 $0x14800, s23;
	s4 =	simm.s32 $0x20  }
.LBB2_16:
0x17f: {  	_ =	sdelay $0x1  }
0x180: {  	p2 =	sne.s32 s4, $0x2F0  }
0x181: {  	s30 =	sadd.s32 $0x80, s30;
	v10 =	vld [tilespmem:s7+$0x280];
	s21 =	smov.u32 s4;
	s4 =	sadd.s32 $0x10, s4;
	v8 =	vadd.f32 v8, v7  }
0x182: {  	v11 =	vld [tilespmem:s7+$0x80];
	v9 =	vadd.f32 v9, v7  }
0x183: {  	v3 =	vadd.f32 v3, v7;
	[tilespmem:s19+$0x14800] =	vst v8;
	s19 =	smov.u32 s23  }
0x184: {  	v4 =	vadd.f32 v4, v7;
	[tilespmem:s7+$0x380] =	vst v9  }
0x185: {  	v6 =	vadd.f32 v6, v7;
	[tilespmem:s7+$0x100] =	vst v3  }
0x186: {  	s21 =	sand.u32 $0x70, s21;
	v5 =	vadd.f32 v5, v7;
	s23 =	sand.u32 $0x1C00, s30;
	v3 =	vld [tilespmem:s22+$0x100];
	[tilespmem:s7+$0x200] =	vst v4  }
0x187: {  	s28 =	sadd.s32 s23, s26;
	s23 =	sor.u32 s21, s23;
	v4 =	vld [tilespmem:s22+$0x200];
	v9 =	vadd.f32 v11, v7;
	[tilespmem:s7+$0x180] =	vst v6;
	v7 =	vadd.f32 v10, v7  }
.Ltmp9:
0x188: {  	s21 =	sadd.s32 s21, s28;
	s28 =	sadd.s32 $0x14800, s23;
	v6 =	vld [tilespmem:s22+$0x180];
	[tilespmem:s7+$0x300] =	vst v5;
	(pc) =	sbr.rel @p2 .LBB2_16-.Ltmp9, $4  }
0x189: {  	v5 =	vld [tilespmem:s22+$0x300];
	[tilespmem:s7+$0x280] =	vst v7  }
0x18a: {  	v8 =	vld [tilespmem:s19+$0x14800];
	[tilespmem:s7+$0x80] =	vst v9;
	s7 =	smov.u32 s22;
	s22 =	smov.u32 s28  }
0x18b: {  	v7 =	vld [tilespmem:s20+$0x0];
	s20 =	smov.u32 s21  }
0x18c: {  	v9 =	vld [tilespmem:s7+$0x380]  }
0x18d: {  	_ =	sdelay $0x2  }
0x18e: {  	v8 =	vadd.f32 v8, v7  }
0x18f: {  	v11 =	vld [tilespmem:s7+$0x80];
	v3 =	vadd.f32 v3, v7  }
0x190: {  	v10 =	vld [tilespmem:s7+$0x280];
	v4 =	vadd.f32 v4, v7;
	[tilespmem:s19+$0x14800] =	vst v8  }
0x191: {  	v53 =	vadd.f32 v5, v7;
	[tilespmem:s7+$0x100] =	vst v3  }
0x192: {  	v9 =	vadd.f32 v9, v7;
	[tilespmem:s7+$0x200] =	vst v4  }
0x193: {  	v3 =	vadd.f32 v6, v7;
	[tilespmem:s7+$0x300] =	vst v53  }
0x194: {  	v54 =	vadd.f32 v11, v7;
	[tilespmem:s7+$0x380] =	vst v9  }
0x195: {  	[tilespmem:s7+$0x180] =	vst v3;
	v3 =	vadd.f32 v10, v7  }
0x196: {  	[tilespmem:s7+$0x80] =	vst v54  }
0x197: {  	[tilespmem:s7+$0x280] =	vst v3;
	v3 =	vld [tilespmem:s23+$0x14800]  }
0x198: {  	v4 =	vld [tilespmem:s20+$0x0]  }
0x199: {  	v55 =	vld [tilespmem:s22+$0x380]  }
0x19a: {  	v56 =	vld [tilespmem:s22+$0x100]  }
0x19b: {  	v57 =	vld [tilespmem:s22+$0x200]  }
0x19c: {  	v58 =	vld [tilespmem:s22+$0x180]  }
0x19d: {  	v59 =	vld [tilespmem:s22+$0x300];
	v3 =	vadd.f32 v3, v4  }
0x19e: {  	v60 =	vld [tilespmem:s22+$0x280];
	v5 =	vadd.f32 v55, v4  }
0x19f: {  	v61 =	vld [tilespmem:s22+$0x80];
	[tilespmem:s23+$0x14800] =	vst v3;
	v3 =	vadd.f32 v56, v4  }
0x1a0: {  	v62 =	vadd.f32 v57, v4;
	[tilespmem:s22+$0x380] =	vst v5  }
0x1a1: {  	[tilespmem:s22+$0x100] =	vst v3;
	v3 =	vadd.f32 v58, v4  }
0x1a2: {  	v63 =	vadd.f32 v59, v4;
	[tilespmem:s22+$0x200] =	vst v62  }
0x1a3: {  	[tilespmem:s22+$0x180] =	vst v3;
	v3 =	vadd.f32 v60, v4  }
0x1a4: {  	[tilespmem:s22+$0x300] =	vst v63;
	v4 =	vadd.f32 v61, v4  }
0x1a5: {  	[tilespmem:s22+$0x280] =	vst v3  }
0x1a6: {  	[tilespmem:s22+$0x80] =	vst v4  }
.LBB2_18:
0x1a7: {  	s4 =	sshll.u32 s18, $0x3  }
0x1a8: {  	s4 =	sand.u32 $0x18, s4  }
0x1a9: {  	s7 =	sshrl.u32 s18, $0x2;
	s4 =	sor.u32 s6, s4  }
0x1aa: {  	s7 =	smul.u32 $0xC0000, s7;
	s4 =	sshrl.u32 s4, $0x3  }
0x1ab: {  	s4 =	smul.u32 $0x1800, s4;
	_ =	sdelay $0x1  }
0x1ac: {  	s4 =	sadd.s32 s7, s4  }
0x1ad: {  	s4 =	sshrl.u32 s4, $0x3  }
0x1ae: {  	s30 =	simm.s32 $0x14800;
	s4 =	sadd.s32 s2, s4  }
0x1af: {  	[hbm4b:s4+s3] =	stream.linear.scatter [tilespmem:s30], [sflag:$0xA], $0x1800, $0x38;
	[tilespmem:$0x1C000] =	vst v63  }
0x1b0: {  	s7 =	simm.s32 @!p1 $0xA;
	s4 =	sadd.s32 @!p1 $0x9, s14  }
0x1b1: {  	_ =	swait.ge @!p1 [sflag:s7], $0x1800;
	s18 =	sshll.u32 @!p1 s4, $0x3;
	s4 =	sshll.u32 @!p1 s4, $0x5  }
0x1b2: {  	[sflag:s7] =	ssyncset.done @!p1 $0x0;
	s18 =	sand.u32 @!p1 $0x18, s18;
	s4 =	sand.u32 @!p1 $0x7F80, s4  }
0x1b3: {  	[sflag:s7] =	ssyncadd.s32 @!p1 $0xFFFFE800;
	s4 =	sor.u32 @!p1 s4, s18  }
0x1b4: {  	v3 =	vld.idx.msk @!p1 [tilespmem:v2+s4+$0x0 ss:$0x1], $0xff;
	_ =	sdelay $0x4  }
0x1b5: {  	v4 =	vshrl.u32 @!p1 v3, $0x3  }
0x1b6: {  	v4 =	vmul.u32 @!p1 $0x30, v4  }
0x1b7: {  	v5 =	vlaneseq.u32 @!p1;
	v3 =	vand.u32 @!p1 $0x7, v3  }
0x1b8: {  	v4 =	vor.u32 @!p1 v3, v4;
	v3 =	vand.u32 @!p1 $0x7, v5;
	v5 =	vshrl.u32 @!p1 v5, $0x3  }
0x1b9: {  	v6 =	vperm.xlane @!p1 v4, v3;
	v4 =	vmul.u32 @!p1 $0x8, v5;
	_ =	sdelay $0x1  }
0x1ba: {  	v5 =	vadd.s32 @!p1 v4, v6;
	_ =	sdelay $0x3  }
0x1bb: {  	s18 =	simm.s32 @!p1 $0x0;
	s4 =	simm.s32 @!p1 $0x14800  }
0x1bc: {  	[tilespmem:s4], [sflag:$0x3] =	stream.indirect_vreg.gather @!p1 [hbm4b:s1+s18], $0x80, v5, vm1, $0xb8;
	[tilespmem:$0x1C000] =	vst v63  }
0x1bd: {  	s4 =	simm.s32 @!p1 $0x15000  }
0x1be: {  	[tilespmem:s4], [sflag:$0x3] =	stream.indirect_vreg.gather @!p1 [hbm4b:s10+s18], $0x80, v5, vm1, $0xb8;
	[tilespmem:$0x1C000] =	vst v63  }
.Ltmp10:
0x1bf: {  	s4 =	simm.s32 @!p1 $0x15800;
	(pc) =	sbr.rel @p0 .LBB2_22-.Ltmp10, $4  }
0x1c0: {  	[tilespmem:s4], [sflag:$0x3] =	stream.indirect_vreg.gather @!p1 [hbm4b:s11+s18], $0x80, v5, vm1, $0xb8;
	[tilespmem:$0x1C000] =	vst v63  }
0x1c1: {  	_ =	swait.ge [sflag:s24], $0x1800  }
0x1c2: {  	[sflag:s24] =	ssyncset.done $0x0  }
0x1c3: {  	s22 =	sadd.s32 $0x3, s14;
	[sflag:s24] =	ssyncadd.s32 $0xFFFFE800  }
0x1c4: {  	s19 =	simm.s32 $0x0  }
0x1c5: {  	s4 =	sshrl.u32 s22, $0x5;
	s21 =	sand.u32 $0x1C00, s19;
	s23 =	sand.u32 $0x70, s19  }
0x1c6: {  	s4 =	smul.u32 $0x6000, s4;
	s7 =	sor.u32 s23, s21  }
0x1c7: {  	s20 =	sshll.u32 s22, $0x5;
	v7 =	vld [tilespmem:s7+$0x16100]  }
0x1c8: {  	s20 =	sand.u32 $0x380, s20;
	s4 =	sshra.s32 s4, $0x2;
	v8 =	vld [tilespmem:s7+$0x16180]  }
0x1c9: {  	v9 =	vld [tilespmem:s7+$0x16380];
	s4 =	sor.u32 s20, s4  }
0x1ca: {  	v10 =	vld [tilespmem:s7+$0x16080];
	s20 =	sadd.s32 $0x2800, s4  }
0x1cb: {  	v5 =	vld [tilespmem:s7+$0x16000];
	s4 =	sadd.s32 s21, s20  }
0x1cc: {  	v11 =	vld [tilespmem:s7+$0x16300];
	s4 =	sadd.s32 s23, s4  }
0x1cd: {  	v6 =	vld [tilespmem:s4+$0x0];
	s4 =	simm.s32 $0x10  }
.LBB2_20:
0x1ce: {  	p2 =	sne.s32 s4, $0x2F0  }
0x1cf: {  	v12 =	vld [tilespmem:s7+$0x16280];
	s19 =	sadd.s32 $0x80, s19;
	s21 =	smov.u32 s4;
	s4 =	sadd.s32 $0x10, s4  }
0x1d0: {  	v13 =	vld [tilespmem:s7+$0x16200];
	_ =	sdelay $0x1  }
0x1d1: {  	v7 =	vadd.f32 v7, v6;
	v8 =	vadd.f32 v8, v6  }
0x1d2: {  	v10 =	vadd.f32 v10, v6;
	v9 =	vadd.f32 v9, v6  }
0x1d3: {  	s23 =	sand.u32 $0x1C00, s19;
	v11 =	vadd.f32 v11, v6;
	[tilespmem:s7+$0x16100] =	vst v7;
	v12 =	vadd.f32 v12, v6  }
0x1d4: {  	s21 =	sand.u32 $0x70, s21;
	s26 =	sadd.s32 s23, s20;
	v5 =	vadd.f32 v5, v6;
	[tilespmem:s7+$0x16180] =	vst v8;
	v6 =	vadd.f32 v13, v6  }
0x1d5: {  	s26 =	sadd.s32 s21, s26;
	s21 =	sor.u32 s21, s23;
	[tilespmem:s7+$0x16380] =	vst v9  }
0x1d6: {  	v7 =	vld [tilespmem:s21+$0x16100];
	[tilespmem:s7+$0x16280] =	vst v12  }
0x1d7: {  	v8 =	vld [tilespmem:s21+$0x16180];
	[tilespmem:s7+$0x16080] =	vst v10  }
.Ltmp11:
0x1d8: {  	v9 =	vld [tilespmem:s21+$0x16380];
	[tilespmem:s7+$0x16300] =	vst v11;
	(pc) =	sbr.rel @p2 .LBB2_20-.Ltmp11, $4  }
0x1d9: {  	v10 =	vld [tilespmem:s21+$0x16080];
	[tilespmem:s7+$0x16000] =	vst v5  }
0x1da: {  	v5 =	vld [tilespmem:s21+$0x16000];
	[tilespmem:s7+$0x16200] =	vst v6;
	s7 =	smov.u32 s21  }
0x1db: {  	v6 =	vld [tilespmem:s26+$0x0]  }
0x1dc: {  	v11 =	vld [tilespmem:s7+$0x16300]  }
0x1dd: {  	_ =	sdelay $0x2  }
0x1de: {  	v7 =	vadd.f32 v7, v6  }
0x1df: {  	v12 =	vld [tilespmem:s7+$0x16280];
	v8 =	vadd.f32 v8, v6  }
0x1e0: {  	v13 =	vld [tilespmem:s7+$0x16200];
	v9 =	vadd.f32 v9, v6;
	[tilespmem:s7+$0x16100] =	vst v7  }
0x1e1: {  	v62 =	vadd.f32 v10, v6;
	[tilespmem:s7+$0x16180] =	vst v8  }
0x1e2: {  	v5 =	vadd.f32 v5, v6;
	[tilespmem:s7+$0x16380] =	vst v9  }
0x1e3: {  	v63 =	vadd.f32 v11, v6;
	[tilespmem:s7+$0x16080] =	vst v62  }
0x1e4: {  	v7 =	vadd.f32 v12, v6;
	[tilespmem:s7+$0x16000] =	vst v5  }
0x1e5: {  	v6 =	vadd.f32 v13, v6;
	[tilespmem:s7+$0x16300] =	vst v63  }
0x1e6: {  	[tilespmem:s7+$0x16280] =	vst v7  }
0x1e7: {  	[tilespmem:s7+$0x16200] =	vst v6  }
.LBB2_22:
0x1e8: {  	s4 =	sshll.u32 s22, $0x3  }
0x1e9: {  	s4 =	sand.u32 $0x18, s4  }
0x1ea: {  	s7 =	sshrl.u32 s22, $0x2;
	s4 =	sor.u32 s6, s4  }
0x1eb: {  	s7 =	smul.u32 $0xC0000, s7;
	s4 =	sshrl.u32 s4, $0x3  }
0x1ec: {  	s4 =	smul.u32 $0x1800, s4;
	_ =	sdelay $0x1  }
0x1ed: {  	s4 =	sadd.s32 s7, s4  }
0x1ee: {  	s4 =	sshrl.u32 s4, $0x3  }
0x1ef: {  	s30 =	simm.s32 $0x16000;
	s4 =	sadd.s32 s2, s4  }
0x1f0: {  	[hbm4b:s4+s3] =	stream.linear.scatter [tilespmem:s30], [sflag:$0xB], $0x1800, $0x38;
	[tilespmem:$0x1C000] =	vst v63  }
0x1f1: {  	s7 =	simm.s32 @!p1 $0xB;
	s4 =	sadd.s32 @!p1 $0xA, s14  }
0x1f2: {  	_ =	swait.ge @!p1 [sflag:s7], $0x1800;
	s19 =	sshll.u32 @!p1 s4, $0x3;
	s4 =	sshll.u32 @!p1 s4, $0x5  }
0x1f3: {  	[sflag:s7] =	ssyncset.done @!p1 $0x0;
	s19 =	sand.u32 @!p1 $0x18, s19;
	s4 =	sand.u32 @!p1 $0x7F80, s4  }
0x1f4: {  	[sflag:s7] =	ssyncadd.s32 @!p1 $0xFFFFE800;
	s4 =	sor.u32 @!p1 s4, s19  }
0x1f5: {  	v5 =	vld.idx.msk @!p1 [tilespmem:v2+s4+$0x0 ss:$0x1], $0xff;
	_ =	sdelay $0x4  }
0x1f6: {  	v6 =	vshrl.u32 @!p1 v5, $0x3  }
0x1f7: {  	v6 =	vmul.u32 @!p1 $0x30, v6  }
0x1f8: {  	v5 =	vand.u32 @!p1 $0x7, v5  }
0x1f9: {  	v5 =	vor.u32 @!p1 v5, v6  }
0x1fa: {  	v3 =	vperm.xlane @!p1 v5, v3;
	_ =	sdelay $0x1  }
0x1fb: {  	v3 =	vadd.s32 @!p1 v4, v3;
	_ =	sdelay $0x3  }
0x1fc: {  	s4 =	simm.s32 @!p1 $0x16000  }
0x1fd: {  	[tilespmem:s4], [sflag:$0x4] =	stream.indirect_vreg.gather @!p1 [hbm4b:s1+s18], $0x80, v3, vm1, $0xb8;
	[tilespmem:$0x1C000] =	vst v63  }
0x1fe: {  	s4 =	simm.s32 @!p1 $0x16800  }
0x1ff: {  	[tilespmem:s4], [sflag:$0x4] =	stream.indirect_vreg.gather @!p1 [hbm4b:s10+s18], $0x80, v3, vm1, $0xb8;
	[tilespmem:$0x1C000] =	vst v63  }
.Ltmp12:
0x200: {  	s4 =	simm.s32 @!p1 $0x17000;
	(pc) =	sbr.rel @p0 .LBB2_26-.Ltmp12, $4  }
0x201: {  	[tilespmem:s4], [sflag:$0x4] =	stream.indirect_vreg.gather @!p1 [hbm4b:s11+s18], $0x80, v3, vm1, $0xb8;
	[tilespmem:$0x1C000] =	vst v63  }
0x202: {  	_ =	swait.ge [sflag:s5], $0x1800  }
0x203: {  	[sflag:s5] =	ssyncset.done $0x0  }
0x204: {  	s18 =	sadd.s32 $0x4, s14;
	[sflag:s5] =	ssyncadd.s32 $0xFFFFE800  }
0x205: {  	s4 =	simm.s32 $0x0;
	s7 =	sshrl.u32 s18, $0x5  }
0x206: {  	s20 =	sand.u32 $0x70, s4;
	s4 =	sand.u32 $0x1C00, s4;
	s21 =	smul.u32 $0x6000, s7  }
0x207: {  	s22 =	sshll.u32 s18, $0x5;
	s19 =	sor.u32 s20, s4  }
0x208: {  	s22 =	sand.u32 $0x380, s22;
	s7 =	sadd.s32 $0x17800, s19;
	s21 =	sshra.s32 s21, $0x2;
	v8 =	vld [tilespmem:s19+$0x17800]  }
0x209: {  	v3 =	vld [tilespmem:s7+$0x100];
	s21 =	sor.u32 s22, s21  }
0x20a: {  	v4 =	vld [tilespmem:s7+$0x200];
	s26 =	sadd.s32 $0x2800, s21  }
0x20b: {  	s28 =	simm.s32 $0x10;
	s30 =	simm.s32 $0x80;
	v6 =	vld [tilespmem:s7+$0x180];
	s4 =	sadd.s32 s4, s26  }
0x20c: {  	s23 =	sand.u32 $0x1C00, s30;
	v5 =	vld [tilespmem:s7+$0x300];
	s22 =	sand.u32 $0x70, s28;
	s4 =	sadd.s32 s20, s4  }
0x20d: {  	s28 =	sadd.s32 s23, s26;
	s23 =	sor.u32 s22, s23;
	v7 =	vld [tilespmem:s4+$0x0]  }
0x20e: {  	v9 =	vld [tilespmem:s7+$0x380];
	s20 =	sadd.s32 s22, s28;
	s22 =	sadd.s32 $0x17800, s23;
	s4 =	simm.s32 $0x20  }
.LBB2_24:
0x20f: {  	_ =	sdelay $0x1  }
0x210: {  	p2 =	sne.s32 s4, $0x2F0  }
0x211: {  	s30 =	sadd.s32 $0x80, s30;
	v10 =	vld [tilespmem:s7+$0x280];
	s21 =	smov.u32 s4;
	s4 =	sadd.s32 $0x10, s4;
	v8 =	vadd.f32 v8, v7  }
0x212: {  	v11 =	vld [tilespmem:s7+$0x80];
	v9 =	vadd.f32 v9, v7  }
0x213: {  	v3 =	vadd.f32 v3, v7;
	[tilespmem:s19+$0x17800] =	vst v8;
	s19 =	smov.u32 s23  }
0x214: {  	v4 =	vadd.f32 v4, v7;
	[tilespmem:s7+$0x380] =	vst v9  }
0x215: {  	v6 =	vadd.f32 v6, v7;
	[tilespmem:s7+$0x100] =	vst v3  }
0x216: {  	s21 =	sand.u32 $0x70, s21;
	v5 =	vadd.f32 v5, v7;
	s23 =	sand.u32 $0x1C00, s30;
	v3 =	vld [tilespmem:s22+$0x100];
	[tilespmem:s7+$0x200] =	vst v4  }
0x217: {  	s28 =	sadd.s32 s23, s26;
	s23 =	sor.u32 s21, s23;
	v4 =	vld [tilespmem:s22+$0x200];
	v9 =	vadd.f32 v11, v7;
	[tilespmem:s7+$0x180] =	vst v6;
	v7 =	vadd.f32 v10, v7  }
.Ltmp13:
0x218: {  	s21 =	sadd.s32 s21, s28;
	s28 =	sadd.s32 $0x17800, s23;
	v6 =	vld [tilespmem:s22+$0x180];
	[tilespmem:s7+$0x300] =	vst v5;
	(pc) =	sbr.rel @p2 .LBB2_24-.Ltmp13, $4  }
0x219: {  	v5 =	vld [tilespmem:s22+$0x300];
	[tilespmem:s7+$0x280] =	vst v7  }
0x21a: {  	v8 =	vld [tilespmem:s19+$0x17800];
	[tilespmem:s7+$0x80] =	vst v9;
	s7 =	smov.u32 s22;
	s22 =	smov.u32 s28  }
0x21b: {  	v7 =	vld [tilespmem:s20+$0x0];
	s20 =	smov.u32 s21  }
0x21c: {  	v9 =	vld [tilespmem:s7+$0x380]  }
0x21d: {  	_ =	sdelay $0x2  }
0x21e: {  	v8 =	vadd.f32 v8, v7  }
0x21f: {  	v11 =	vld [tilespmem:s7+$0x80];
	v3 =	vadd.f32 v3, v7  }
0x220: {  	v10 =	vld [tilespmem:s7+$0x280];
	v4 =	vadd.f32 v4, v7;
	[tilespmem:s19+$0x17800] =	vst v8  }
0x221: {  	v53 =	vadd.f32 v5, v7;
	[tilespmem:s7+$0x100] =	vst v3  }
0x222: {  	v9 =	vadd.f32 v9, v7;
	[tilespmem:s7+$0x200] =	vst v4  }
0x223: {  	v3 =	vadd.f32 v6, v7;
	[tilespmem:s7+$0x300] =	vst v53  }
0x224: {  	v54 =	vadd.f32 v11, v7;
	[tilespmem:s7+$0x380] =	vst v9  }
0x225: {  	[tilespmem:s7+$0x180] =	vst v3;
	v3 =	vadd.f32 v10, v7  }
0x226: {  	[tilespmem:s7+$0x80] =	vst v54  }
0x227: {  	[tilespmem:s7+$0x280] =	vst v3;
	v3 =	vld [tilespmem:s23+$0x17800]  }
0x228: {  	v4 =	vld [tilespmem:s20+$0x0]  }
0x229: {  	v55 =	vld [tilespmem:s22+$0x380]  }
0x22a: {  	v56 =	vld [tilespmem:s22+$0x100]  }
0x22b: {  	v57 =	vld [tilespmem:s22+$0x200]  }
0x22c: {  	v58 =	vld [tilespmem:s22+$0x180]  }
0x22d: {  	v59 =	vld [tilespmem:s22+$0x300];
	v3 =	vadd.f32 v3, v4  }
0x22e: {  	v60 =	vld [tilespmem:s22+$0x280];
	v5 =	vadd.f32 v55, v4  }
0x22f: {  	v61 =	vld [tilespmem:s22+$0x80];
	[tilespmem:s23+$0x17800] =	vst v3;
	v3 =	vadd.f32 v56, v4  }
0x230: {  	v62 =	vadd.f32 v57, v4;
	[tilespmem:s22+$0x380] =	vst v5  }
0x231: {  	[tilespmem:s22+$0x100] =	vst v3;
	v3 =	vadd.f32 v58, v4  }
0x232: {  	v63 =	vadd.f32 v59, v4;
	[tilespmem:s22+$0x200] =	vst v62  }
0x233: {  	[tilespmem:s22+$0x180] =	vst v3;
	v3 =	vadd.f32 v60, v4  }
0x234: {  	[tilespmem:s22+$0x300] =	vst v63;
	v4 =	vadd.f32 v61, v4  }
0x235: {  	[tilespmem:s22+$0x280] =	vst v3  }
0x236: {  	[tilespmem:s22+$0x80] =	vst v4  }
.LBB2_26:
0x237: {  	s4 =	sshrl.u32 s18, $0x2  }
0x238: {  	s4 =	smul.u32 $0xC0000, s4;
	_ =	sdelay $0x1  }
0x239: {  	s4 =	sadd.s32 s4, s16  }
0x23a: {  	s4 =	sshrl.u32 s4, $0x3  }
0x23b: {  	s7 =	simm.s32 $0x17800;
	s4 =	sadd.s32 s2, s4  }
0x23c: {  	[hbm4b:s4+s3] =	stream.linear.scatter [tilespmem:s7], [sflag:$0xC], $0x1800, $0x38;
	[tilespmem:$0x1C000] =	vst v63  }
0x23d: {  	s4 =	sadd.s32 @!p1 $0xB, s14;
	s7 =	simm.s32 @!p1 $0xC  }
0x23e: {  	_ =	swait.ge @!p1 [sflag:s7], $0x1800;
	s16 =	sshll.u32 @!p1 s4, $0x3;
	s4 =	sshll.u32 @!p1 s4, $0x5  }
0x23f: {  	[sflag:s7] =	ssyncset.done @!p1 $0x0;
	s16 =	sand.u32 @!p1 $0x18, s16;
	s4 =	sand.u32 @!p1 $0x7F80, s4  }
0x240: {  	[sflag:s7] =	ssyncadd.s32 @!p1 $0xFFFFE800;
	s4 =	sor.u32 @!p1 s4, s16  }
0x241: {  	v3 =	vld.idx.msk @!p1 [tilespmem:v2+s4+$0x0 ss:$0x1], $0xff;
	_ =	sdelay $0x4  }
0x242: {  	v4 =	vshrl.u32 @!p1 v3, $0x3  }
0x243: {  	v4 =	vmul.u32 @!p1 $0x30, v4  }
0x244: {  	v5 =	vlaneseq.u32 @!p1;
	v3 =	vand.u32 @!p1 $0x7, v3  }
0x245: {  	v4 =	vor.u32 @!p1 v3, v4;
	v3 =	vand.u32 @!p1 $0x7, v5;
	v5 =	vshrl.u32 @!p1 v5, $0x3  }
0x246: {  	v6 =	vperm.xlane @!p1 v4, v3;
	v4 =	vmul.u32 @!p1 $0x8, v5;
	_ =	sdelay $0x1  }
0x247: {  	v5 =	vadd.s32 @!p1 v4, v6;
	_ =	sdelay $0x3  }
0x248: {  	s16 =	simm.s32 @!p1 $0x0;
	s4 =	simm.s32 @!p1 $0x17800  }
0x249: {  	[tilespmem:s4], [sflag:$0x5] =	stream.indirect_vreg.gather @!p1 [hbm4b:s1+s16], $0x80, v5, vm1, $0xb8;
	[tilespmem:$0x1C000] =	vst v63  }
0x24a: {  	s4 =	simm.s32 @!p1 $0x18000  }
0x24b: {  	[tilespmem:s4], [sflag:$0x5] =	stream.indirect_vreg.gather @!p1 [hbm4b:s10+s16], $0x80, v5, vm1, $0xb8;
	[tilespmem:$0x1C000] =	vst v63  }
.Ltmp14:
0x24c: {  	s4 =	simm.s32 @!p1 $0x18800;
	(pc) =	sbr.rel @p0 .LBB2_30-.Ltmp14, $4  }
0x24d: {  	[tilespmem:s4], [sflag:$0x5] =	stream.indirect_vreg.gather @!p1 [hbm4b:s11+s16], $0x80, v5, vm1, $0xb8;
	[tilespmem:$0x1C000] =	vst v63  }
0x24e: {  	_ =	swait.ge [sflag:s9], $0x1800  }
0x24f: {  	[sflag:s9] =	ssyncset.done $0x0  }
0x250: {  	s18 =	sadd.s32 $0x5, s14;
	[sflag:s9] =	ssyncadd.s32 $0xFFFFE800  }
0x251: {  	s4 =	simm.s32 $0x0;
	s7 =	sshrl.u32 s18, $0x5  }
0x252: {  	s20 =	sand.u32 $0x70, s4;
	s4 =	sand.u32 $0x1C00, s4;
	s21 =	smul.u32 $0x6000, s7  }
0x253: {  	s22 =	sshll.u32 s18, $0x5;
	s19 =	sor.u32 s20, s4  }
0x254: {  	s22 =	sand.u32 $0x380, s22;
	s7 =	sadd.s32 $0x19000, s19;
	s21 =	sshra.s32 s21, $0x2;
	v10 =	vld [tilespmem:s19+$0x19000]  }
0x255: {  	v5 =	vld [tilespmem:s7+$0x100];
	s21 =	sor.u32 s22, s21  }
0x256: {  	v6 =	vld [tilespmem:s7+$0x200];
	s26 =	sadd.s32 $0x2800, s21  }
0x257: {  	s28 =	simm.s32 $0x10;
	s30 =	simm.s32 $0x80;
	v8 =	vld [tilespmem:s7+$0x180];
	s4 =	sadd.s32 s4, s26  }
0x258: {  	s23 =	sand.u32 $0x1C00, s30;
	v7 =	vld [tilespmem:s7+$0x300];
	s22 =	sand.u32 $0x70, s28;
	s4 =	sadd.s32 s20, s4  }
0x259: {  	s28 =	sadd.s32 s23, s26;
	s23 =	sor.u32 s22, s23;
	v9 =	vld [tilespmem:s4+$0x0]  }
0x25a: {  	v11 =	vld [tilespmem:s7+$0x380];
	s20 =	sadd.s32 s22, s28;
	s22 =	sadd.s32 $0x19000, s23;
	s4 =	simm.s32 $0x20  }
.LBB2_28:
0x25b: {  	_ =	sdelay $0x1  }
0x25c: {  	p2 =	sne.s32 s4, $0x2F0  }
0x25d: {  	s30 =	sadd.s32 $0x80, s30;
	v12 =	vld [tilespmem:s7+$0x280];
	s21 =	smov.u32 s4;
	s4 =	sadd.s32 $0x10, s4;
	v10 =	vadd.f32 v10, v9  }
0x25e: {  	v13 =	vld [tilespmem:s7+$0x80];
	v11 =	vadd.f32 v11, v9  }
0x25f: {  	v5 =	vadd.f32 v5, v9;
	[tilespmem:s19+$0x19000] =	vst v10;
	s19 =	smov.u32 s23  }
0x260: {  	v6 =	vadd.f32 v6, v9;
	[tilespmem:s7+$0x380] =	vst v11  }
0x261: {  	v8 =	vadd.f32 v8, v9;
	[tilespmem:s7+$0x100] =	vst v5  }
0x262: {  	s21 =	sand.u32 $0x70, s21;
	v7 =	vadd.f32 v7, v9;
	s23 =	sand.u32 $0x1C00, s30;
	v5 =	vld [tilespmem:s22+$0x100];
	[tilespmem:s7+$0x200] =	vst v6  }
0x263: {  	s28 =	sadd.s32 s23, s26;
	s23 =	sor.u32 s21, s23;
	v6 =	vld [tilespmem:s22+$0x200];
	v11 =	vadd.f32 v13, v9;
	[tilespmem:s7+$0x180] =	vst v8;
	v9 =	vadd.f32 v12, v9  }
.Ltmp15:
0x264: {  	s21 =	sadd.s32 s21, s28;
	s28 =	sadd.s32 $0x19000, s23;
	v8 =	vld [tilespmem:s22+$0x180];
	[tilespmem:s7+$0x300] =	vst v7;
	(pc) =	sbr.rel @p2 .LBB2_28-.Ltmp15, $4  }
0x265: {  	v7 =	vld [tilespmem:s22+$0x300];
	[tilespmem:s7+$0x280] =	vst v9  }
0x266: {  	v10 =	vld [tilespmem:s19+$0x19000];
	[tilespmem:s7+$0x80] =	vst v11;
	s7 =	smov.u32 s22;
	s22 =	smov.u32 s28  }
0x267: {  	v9 =	vld [tilespmem:s20+$0x0];
	s20 =	smov.u32 s21  }
0x268: {  	v11 =	vld [tilespmem:s7+$0x380]  }
0x269: {  	_ =	sdelay $0x2  }
0x26a: {  	v10 =	vadd.f32 v10, v9  }
0x26b: {  	v13 =	vld [tilespmem:s7+$0x80];
	v5 =	vadd.f32 v5, v9  }
0x26c: {  	v12 =	vld [tilespmem:s7+$0x280];
	v6 =	vadd.f32 v6, v9;
	[tilespmem:s19+$0x19000] =	vst v10  }
0x26d: {  	v11 =	vadd.f32 v11, v9;
	[tilespmem:s7+$0x100] =	vst v5  }
0x26e: {  	v5 =	vadd.f32 v8, v9;
	[tilespmem:s7+$0x200] =	vst v6  }
0x26f: {  	v6 =	vadd.f32 v7, v9;
	[tilespmem:s7+$0x380] =	vst v11  }
0x270: {  	v7 =	vadd.f32 v13, v9;
	[tilespmem:s7+$0x180] =	vst v5  }
0x271: {  	v5 =	vadd.f32 v12, v9;
	[tilespmem:s7+$0x300] =	vst v6  }
0x272: {  	[tilespmem:s7+$0x80] =	vst v7  }
0x273: {  	[tilespmem:s7+$0x280] =	vst v5;
	v5 =	vld [tilespmem:s23+$0x19000]  }
0x274: {  	v6 =	vld [tilespmem:s20+$0x0]  }
0x275: {  	v7 =	vld [tilespmem:s22+$0x380]  }
0x276: {  	v57 =	vld [tilespmem:s22+$0x100]  }
0x277: {  	v58 =	vld [tilespmem:s22+$0x200]  }
0x278: {  	v59 =	vld [tilespmem:s22+$0x180]  }
0x279: {  	v60 =	vld [tilespmem:s22+$0x300];
	v5 =	vadd.f32 v5, v6  }
0x27a: {  	v61 =	vld [tilespmem:s22+$0x280];
	v7 =	vadd.f32 v7, v6  }
0x27b: {  	v62 =	vld [tilespmem:s22+$0x80];
	[tilespmem:s23+$0x19000] =	vst v5;
	v5 =	vadd.f32 v57, v6  }
0x27c: {  	v63 =	vadd.f32 v58, v6;
	[tilespmem:s22+$0x380] =	vst v7  }
0x27d: {  	[tilespmem:s22+$0x100] =	vst v5;
	v5 =	vadd.f32 v59, v6  }
0x27e: {  	[tilespmem:s22+$0x200] =	vst v63;
	v7 =	vadd.f32 v60, v6  }
0x27f: {  	[tilespmem:s22+$0x180] =	vst v5;
	v5 =	vadd.f32 v61, v6  }
0x280: {  	[tilespmem:s22+$0x300] =	vst v7;
	v6 =	vadd.f32 v62, v6  }
0x281: {  	[tilespmem:s22+$0x280] =	vst v5  }
0x282: {  	[tilespmem:s22+$0x80] =	vst v6  }
.LBB2_30:
0x283: {  	s4 =	sshll.u32 s18, $0x3  }
0x284: {  	s4 =	sand.u32 $0x18, s4  }
0x285: {  	s7 =	sshrl.u32 s18, $0x2;
	s4 =	sor.u32 s6, s4  }
0x286: {  	s7 =	smul.u32 $0xC0000, s7;
	s4 =	sshrl.u32 s4, $0x3  }
0x287: {  	s4 =	smul.u32 $0x1800, s4;
	_ =	sdelay $0x1  }
0x288: {  	s4 =	sadd.s32 s7, s4  }
0x289: {  	s4 =	sshrl.u32 s4, $0x3  }
0x28a: {  	s30 =	simm.s32 $0x19000;
	s4 =	sadd.s32 s2, s4  }
0x28b: {  	[hbm4b:s4+s3] =	stream.linear.scatter [tilespmem:s30], [sflag:$0xD], $0x1800, $0x38;
	[tilespmem:$0x1C000] =	vst v63  }
0x28c: {  	s7 =	sadd.s32 @!p1 $0x600, s17;
	s4 =	simm.s32 @!p1 $0xD  }
0x28d: {  	s7 =	sand.u32 @!p1 $0x1FE00, s7;
	_ =	swait.ge @!p1 [sflag:s4], $0x1800  }
0x28e: {  	s7 =	sshrl.u32 @!p1 s7, $0x2;
	[sflag:s4] =	ssyncset.done @!p1 $0x0  }
0x28f: {  	[sflag:s4] =	ssyncadd.s32 @!p1 $0xFFFFE800;
	s4 =	sor.u32 @!p1 s7, s15  }
0x290: {  	v5 =	vld.idx.msk @!p1 [tilespmem:v2+s4+$0x0 ss:$0x1], $0xff;
	_ =	sdelay $0x4  }
0x291: {  	v6 =	vshrl.u32 @!p1 v5, $0x3  }
0x292: {  	v6 =	vmul.u32 @!p1 $0x30, v6  }
0x293: {  	v5 =	vand.u32 @!p1 $0x7, v5  }
0x294: {  	v5 =	vor.u32 @!p1 v5, v6  }
0x295: {  	v3 =	vperm.xlane @!p1 v5, v3;
	_ =	sdelay $0x1  }
0x296: {  	v3 =	vadd.s32 @!p1 v4, v3;
	_ =	sdelay $0x3  }
0x297: {  	s4 =	simm.s32 @!p1 $0x19000  }
0x298: {  	[tilespmem:s4], [sflag:$0x6] =	stream.indirect_vreg.gather @!p1 [hbm4b:s1+s16], $0x80, v3, vm1, $0xb8;
	[tilespmem:$0x1C000] =	vst v63  }
0x299: {  	s4 =	simm.s32 @!p1 $0x19800  }
0x29a: {  	[tilespmem:s4], [sflag:$0x6] =	stream.indirect_vreg.gather @!p1 [hbm4b:s10+s16], $0x80, v3, vm1, $0xb8;
	[tilespmem:$0x1C000] =	vst v63  }
.Ltmp16:
0x29b: {  	s4 =	simm.s32 @!p1 $0x1A000;
	(pc) =	sbr.rel @p0 .LBB2_34-.Ltmp16, $4  }
0x29c: {  	[tilespmem:s4], [sflag:$0x6] =	stream.indirect_vreg.gather @!p1 [hbm4b:s11+s16], $0x80, v3, vm1, $0xb8;
	[tilespmem:$0x1C000] =	vst v63  }
0x29d: {  	_ =	swait.ge [sflag:s12], $0x1800  }
0x29e: {  	[sflag:s12] =	ssyncset.done $0x0  }
0x29f: {  	s15 =	sadd.s32 $0x6, s14;
	[sflag:s12] =	ssyncadd.s32 $0xFFFFE800  }
0x2a0: {  	s4 =	simm.s32 $0x0;
	s7 =	sshrl.u32 s15, $0x5  }
0x2a1: {  	s16 =	sand.u32 $0x70, s4;
	s4 =	sand.u32 $0x1C00, s4;
	s18 =	smul.u32 $0x6000, s7  }
0x2a2: {  	s19 =	sshll.u32 s15, $0x5;
	s17 =	sor.u32 s16, s4  }
0x2a3: {  	s19 =	sand.u32 $0x380, s19;
	s7 =	sadd.s32 $0x1A800, s17;
	s18 =	sshra.s32 s18, $0x2;
	v8 =	vld [tilespmem:s17+$0x1A800]  }
0x2a4: {  	v3 =	vld [tilespmem:s7+$0x100];
	s18 =	sor.u32 s19, s18  }
0x2a5: {  	v4 =	vld [tilespmem:s7+$0x200];
	s20 =	sadd.s32 $0x2800, s18  }
0x2a6: {  	s26 =	simm.s32 $0x10;
	s22 =	simm.s32 $0x80;
	v6 =	vld [tilespmem:s7+$0x180];
	s4 =	sadd.s32 s4, s20  }
0x2a7: {  	s28 =	sand.u32 $0x70, s26;
	s30 =	sand.u32 $0x1C00, s22;
	v5 =	vld [tilespmem:s7+$0x300];
	s4 =	sadd.s32 s16, s4  }
0x2a8: {  	s19 =	sor.u32 s28, s30;
	s21 =	sadd.s32 s30, s20;
	v7 =	vld [tilespmem:s4+$0x0]  }
0x2a9: {  	v9 =	vld [tilespmem:s7+$0x380];
	s18 =	sadd.s32 s28, s21;
	s16 =	sadd.s32 $0x1A800, s19;
	s4 =	simm.s32 $0x20  }
.LBB2_32:
0x2aa: {  	_ =	sdelay $0x1  }
0x2ab: {  	p2 =	sne.s32 s4, $0x2F0  }
0x2ac: {  	s22 =	sadd.s32 $0x80, s22;
	v10 =	vld [tilespmem:s7+$0x280];
	s21 =	smov.u32 s4;
	s4 =	sadd.s32 $0x10, s4;
	v8 =	vadd.f32 v8, v7  }
0x2ad: {  	v11 =	vld [tilespmem:s7+$0x80];
	v9 =	vadd.f32 v9, v7  }
0x2ae: {  	v3 =	vadd.f32 v3, v7;
	[tilespmem:s17+$0x1A800] =	vst v8;
	s17 =	smov.u32 s19  }
0x2af: {  	v4 =	vadd.f32 v4, v7;
	[tilespmem:s7+$0x380] =	vst v9  }
0x2b0: {  	v6 =	vadd.f32 v6, v7;
	[tilespmem:s7+$0x100] =	vst v3  }
0x2b1: {  	s21 =	sand.u32 $0x70, s21;
	v5 =	vadd.f32 v5, v7;
	s19 =	sand.u32 $0x1C00, s22;
	v3 =	vld [tilespmem:s16+$0x100];
	[tilespmem:s7+$0x200] =	vst v4  }
0x2b2: {  	s23 =	sadd.s32 s19, s20;
	s19 =	sor.u32 s21, s19;
	v4 =	vld [tilespmem:s16+$0x200];
	v9 =	vadd.f32 v11, v7;
	[tilespmem:s7+$0x180] =	vst v6;
	v7 =	vadd.f32 v10, v7  }
.Ltmp17:
0x2b3: {  	s21 =	sadd.s32 s21, s23;
	s23 =	sadd.s32 $0x1A800, s19;
	v6 =	vld [tilespmem:s16+$0x180];
	[tilespmem:s7+$0x300] =	vst v5;
	(pc) =	sbr.rel @p2 .LBB2_32-.Ltmp17, $4  }
0x2b4: {  	v5 =	vld [tilespmem:s16+$0x300];
	[tilespmem:s7+$0x280] =	vst v7  }
0x2b5: {  	v8 =	vld [tilespmem:s17+$0x1A800];
	[tilespmem:s7+$0x80] =	vst v9;
	s7 =	smov.u32 s16;
	s16 =	smov.u32 s23  }
0x2b6: {  	v7 =	vld [tilespmem:s18+$0x0];
	s18 =	smov.u32 s21  }
0x2b7: {  	v9 =	vld [tilespmem:s7+$0x380]  }
0x2b8: {  	_ =	sdelay $0x2  }
0x2b9: {  	v8 =	vadd.f32 v8, v7  }
0x2ba: {  	v11 =	vld [tilespmem:s7+$0x80];
	v3 =	vadd.f32 v3, v7  }
0x2bb: {  	v10 =	vld [tilespmem:s7+$0x280];
	v4 =	vadd.f32 v4, v7;
	[tilespmem:s17+$0x1A800] =	vst v8  }
0x2bc: {  	v53 =	vadd.f32 v5, v7;
	[tilespmem:s7+$0x100] =	vst v3  }
0x2bd: {  	v9 =	vadd.f32 v9, v7;
	[tilespmem:s7+$0x200] =	vst v4  }
0x2be: {  	v3 =	vadd.f32 v6, v7;
	[tilespmem:s7+$0x300] =	vst v53  }
0x2bf: {  	v54 =	vadd.f32 v11, v7;
	[tilespmem:s7+$0x380] =	vst v9  }
0x2c0: {  	[tilespmem:s7+$0x180] =	vst v3;
	v3 =	vadd.f32 v10, v7  }
0x2c1: {  	[tilespmem:s7+$0x80] =	vst v54  }
0x2c2: {  	[tilespmem:s7+$0x280] =	vst v3;
	v3 =	vld [tilespmem:s19+$0x1A800]  }
0x2c3: {  	v4 =	vld [tilespmem:s18+$0x0]  }
0x2c4: {  	v55 =	vld [tilespmem:s16+$0x380]  }
0x2c5: {  	v56 =	vld [tilespmem:s16+$0x100]  }
0x2c6: {  	v57 =	vld [tilespmem:s16+$0x200]  }
0x2c7: {  	v58 =	vld [tilespmem:s16+$0x180]  }
0x2c8: {  	v59 =	vld [tilespmem:s16+$0x300];
	v3 =	vadd.f32 v3, v4  }
0x2c9: {  	v60 =	vld [tilespmem:s16+$0x280];
	v5 =	vadd.f32 v55, v4  }
0x2ca: {  	v61 =	vld [tilespmem:s16+$0x80];
	[tilespmem:s19+$0x1A800] =	vst v3;
	v3 =	vadd.f32 v56, v4  }
0x2cb: {  	v62 =	vadd.f32 v57, v4;
	[tilespmem:s16+$0x380] =	vst v5  }
0x2cc: {  	[tilespmem:s16+$0x100] =	vst v3;
	v3 =	vadd.f32 v58, v4  }
0x2cd: {  	v63 =	vadd.f32 v59, v4;
	[tilespmem:s16+$0x200] =	vst v62  }
0x2ce: {  	[tilespmem:s16+$0x180] =	vst v3;
	v3 =	vadd.f32 v60, v4  }
0x2cf: {  	[tilespmem:s16+$0x300] =	vst v63;
	v4 =	vadd.f32 v61, v4  }
0x2d0: {  	[tilespmem:s16+$0x280] =	vst v3  }
0x2d1: {  	[tilespmem:s16+$0x80] =	vst v4  }
.LBB2_34:
0x2d2: {  	s4 =	sshll.u32 s15, $0x3  }
0x2d3: {  	s4 =	sand.u32 $0x18, s4  }
0x2d4: {  	s7 =	sshrl.u32 s15, $0x2;
	s4 =	sor.u32 s6, s4  }
0x2d5: {  	s7 =	smul.u32 $0xC0000, s7;
	s4 =	sshrl.u32 s4, $0x3  }
0x2d6: {  	s4 =	smul.u32 $0x1800, s4  }
.Ltmp18:
0x2d7: {  	_ = 	snop;
	(pc) =	sbr.rel @p1 .LBB2_36-.Ltmp18, $4  }
0x2d8: {  	s4 =	sadd.s32 s7, s4  }
0x2d9: {  	s4 =	sshrl.u32 s4, $0x3  }
0x2da: {  	s4 =	sadd.s32 s2, s4  }
0x2db: {  	[hbm4b:s4+s3] =	stream.linear.scatter [tilespmem:s0], [sflag:$0xE], $0x1800, $0x38;
	[tilespmem:$0x1C000] =	vst v63  }
0x2dc: {  	s4 =	sadd.s32 $0xD, s14  }
0x2dd: {  	_ =	swait.ge [sflag:s8], $0x1800;
	s7 =	sshll.u32 s4, $0x3;
	s4 =	sshll.u32 s4, $0x5  }
0x2de: {  	[sflag:s8] =	ssyncset.done $0x0;
	s7 =	sand.u32 $0x18, s7;
	s4 =	sand.u32 $0x7F80, s4  }
0x2df: {  	[sflag:s8] =	ssyncadd.s32 $0xFFFFE800;
	s4 =	sor.u32 s4, s7  }
0x2e0: {  	v3 =	vld.idx.msk [tilespmem:v2+s4+$0x0 ss:$0x1], $0xff;
	_ =	sdelay $0x4  }
0x2e1: {  	v4 =	vshrl.u32 v3, $0x3  }
0x2e2: {  	v4 =	vmul.u32 $0x30, v4  }
0x2e3: {  	v3 =	vand.u32 $0x7, v3  }
0x2e4: {  	v3 =	vor.u32 v3, v4  }
0x2e5: {  	v3 =	vperm.xlane v3, v0;
	_ =	sdelay $0x1  }
0x2e6: {  	v3 =	vadd.s32 v1, v3;
	_ =	sdelay $0x4  }
0x2e7: {  	[tilespmem:s0], [sflag:$0x7] =	stream.indirect_vreg.gather [hbm4b:s1+s3], $0x80, v3, vm0, $0xb8;
	[tilespmem:$0x1C000] =	vst v63  }
.Ltmp19:
0x2e8: {  	_ = 	snop;
	(pc) =	sbr.rel .LBB2_6-.Ltmp19, $4  }
0x2e9: {  	s28 =	simm.s32 $0x1B000  }
0x2ea: {  	[tilespmem:s28], [sflag:$0x7] =	stream.indirect_vreg.gather [hbm4b:s10+s3], $0x80, v3, vm0, $0xb8;
	[tilespmem:$0x1C000] =	vst v63  }
0x2eb: {  	s30 =	simm.s32 $0x1B800;
	s13 =	sadd.s32 $0x1, s13  }
0x2ec: {  	[tilespmem:s30], [sflag:$0x7] =	stream.indirect_vreg.gather [hbm4b:s11+s3], $0x80, v3, vm0, $0xb8;
	[tilespmem:$0x1C000] =	vst v63  }
.LBB2_37:
0x2ed: {  	_ =	sfence.sel $0x180000  }
0x2ee: {  	[bflag:$0x0] =	sbarrier.arrive $0xFFFF  }
0x2ef: {  	_ =	strace $0x90000047  }
0x2f0: {  	s0 =	stileid.u32;
	[bflag:$0x2] =	sbarrier.arrive $0xFFFF  }
0x2f1: {  	p0 =	sne.s32 s0, $0x0;
	s0 =	rddreg [dreg:$0x4]  }
0x2f2: {  	s0 =	sadd.s32 @!p0 $0x100000, s0  }
0x2f3: {  	[sflag:s0] =	ssyncadd.tile.s32 @!p0 $0x1;
	_ =	shalt  }
.Lfunc_end2:
_tile_overlayer_lowered:
.L_overlay_start_2:
0x2f4: {  	(tag) =	ssettag $0x2  }
0x2f5: {  	s0 =	rddreg [dreg:$0x0];
	s2 =	stileid.u32  }
0x2f6: {  	s1 =	rddreg [dreg:$0x1];
	p0 =	sne.s32 s2, $0x0  }
0x2f7: {  	s3 =	rddreg [dreg:$0x2];
	[bflag:$0x3] =	sbarrier.arrive $0xFFFF;
	s2 =	simm.s32 @!p0 $0x1C0F  }
0x2f8: {  	[timem:s3], [sflag:s2] =	dma.local @!p0 [hbm:s0], s1  }
0x2f9: {  	s0 =	simm.s32 @!p0 $0xF  }
0x2fa: {  	_ =	swait.ge @!p0 [sflag:s0], s1  }
0x2fb: {  	s1 =	ssub.s32 @!p0 $0x0, s1;
	[sflag:s0] =	ssyncset.done @!p0 $0x0  }
0x2fc: {  	[sflag:s0] =	ssyncadd.s32 @!p0 s1  }
0x2fd: {  	[bflag:$0x3] =	sbarrier.arrive $0xFFFF  }
0x2fe: {  	_ =	shalt  }

</sc_bundles>
